<compile_context>
chip_gen: v7x
topology: tpu7x:2x2x1
jax: 0.10.2.dev20260603
libtpu: 0.0.44.dev20260713+nightly
codegen_flags: <defaults>
</compile_context>

<pallas_src>
import functools

import jax
import jax.numpy as jnp
from jax import lax
from jax.experimental import pallas as pl
from jax.experimental.pallas import tpu as pltpu
from jax.experimental.pallas import tpu_sc as plsc

N = 10000
D = 128
E = 320000

NC = 2
NS = 16
NW = NC * NS

CHUNK = 128
ACC = 10240
STRIPE = ACC // NS
NCH = 80
EP = NW * NCH * CHUNK

MH = 120000
HCH = 30
MHP = NW * HCH * CHUNK
HPT = HCH * CHUNK
HB = 4096
RB = 2000

_mesh = plsc.VectorSubcoreMesh(core_axis_name="c", subcore_axis_name="s")
_f32 = jnp.float32



NBUF = 4


@functools.partial(
    pl.kernel,
    out_type=jax.ShapeDtypeStruct((NC, ACC, D), _f32),
    mesh=_mesh,
    scratch_types=[
        pltpu.VMEM((NCH, CHUNK), jnp.int32),
        pltpu.VMEM((CHUNK, D), _f32),
        pltpu.VMEM_SHARED((ACC, D), _f32),
        pltpu.SemaphoreType.DMA,
    ],
)
def _sc_deg(cols_hbm, ones_hbm, zrow_hbm, out_hbm, colbuf, onesbuf, acc, sem):
    c = lax.axis_index("c")
    s = lax.axis_index("s")
    gw = c * NS + s
    pltpu.sync_copy(cols_hbm.at[gw], colbuf)
    pltpu.sync_copy(ones_hbm, onesbuf)
    pltpu.sync_copy(zrow_hbm, acc.at[pl.ds(s * STRIPE, STRIPE)])
    plsc.subcore_barrier()

    K = 8

    def group(g, carry):
        for t in range(K):
            pltpu.async_copy(onesbuf, acc.at[colbuf.at[g * K + t]], sem,
                             add=True)
        for t in range(K):
            pltpu.make_async_copy(onesbuf, acc.at[colbuf.at[g * K + t]],
                                  sem).wait()
        return carry

    lax.fori_loop(0, NCH // K, group, 0)
    plsc.subcore_barrier()
    pltpu.sync_copy(acc.at[pl.ds(s * STRIPE, STRIPE)],
                    out_hbm.at[c, pl.ds(s * STRIPE, STRIPE)])


SGK = 4


@functools.partial(
    pl.kernel,
    out_type=jax.ShapeDtypeStruct((NC, ACC, D), _f32),
    mesh=_mesh,
    scratch_types=[
        pltpu.VMEM((NCH, CHUNK), jnp.int32),
        pltpu.VMEM((NCH, CHUNK), jnp.int32),
        pltpu.VMEM((CHUNK, D), _f32),
        pltpu.VMEM_SHARED((ACC, D), _f32),
    ],
)
def _sc_scatter(u_hbm, rows_hbm, cols_hbm, zrow_hbm, out_hbm,
                rowbuf, colbuf, gbuf, acc):
    c = lax.axis_index("c")
    s = lax.axis_index("s")
    gw = c * NS + s
    pltpu.sync_copy(rows_hbm.at[gw], rowbuf)
    pltpu.sync_copy(cols_hbm.at[gw], colbuf)
    pltpu.sync_copy(zrow_hbm, acc.at[pl.ds(s * STRIPE, STRIPE)])
    plsc.subcore_barrier()

    def step(j, carry):
        pltpu.sync_copy(u_hbm.at[rowbuf.at[j]], gbuf)
        pltpu.sync_copy(gbuf, acc.at[colbuf.at[j]], add=True)
        return carry

    lax.fori_loop(0, NCH, step, 0)
    plsc.subcore_barrier()
    pltpu.sync_copy(acc.at[pl.ds(s * STRIPE, STRIPE)],
                    out_hbm.at[c, pl.ds(s * STRIPE, STRIPE)])


@functools.partial(
    pl.kernel,
    out_type=jax.ShapeDtypeStruct((MHP, D), _f32),
    mesh=_mesh,
    scratch_types=[
        pltpu.VMEM((HCH, CHUNK), jnp.int32),
        pltpu.VMEM((HCH, CHUNK), jnp.int32),
        pltpu.VMEM((CHUNK, D), _f32),
    ],
)
def _sc_head_gather(p_hbm, q_hbm, sidx_hbm, didx_hbm, z1_hbm,
                    sbuf, dbuf, buf):
    c = lax.axis_index("c")
    s = lax.axis_index("s")
    gw = c * NS + s
    pltpu.sync_copy(sidx_hbm.at[gw], sbuf)
    pltpu.sync_copy(didx_hbm.at[gw], dbuf)

    def step(j, carry):
        base = gw * HPT + j * CHUNK
        pltpu.sync_copy(p_hbm.at[sbuf.at[j]], buf)
        pltpu.sync_copy(q_hbm.at[dbuf.at[j]], buf, add=True)
        pltpu.sync_copy(buf, z1_hbm.at[pl.ds(base, CHUNK)])
        return carry

    lax.fori_loop(0, HCH, step, 0)



def _dinv(dp0, dp1):
    deg = dp0[:, :1] + dp1[:, :1] + 1.0
    return 1.0 / jnp.sqrt(deg)


def _tc_first_body(x_ref, w_ref, o_ref):
    o_ref[...] = jnp.dot(x_ref[...], w_ref[...], preferred_element_type=_f32)


def _tc_scale_body(xw_ref, dp0_ref, dp1_ref, o_ref):
    o_ref[...] = xw_ref[...] * _dinv(dp0_ref[...], dp1_ref[...])


def _tc_mid_body(sp0_ref, sp1_ref, u_ref, dp0_ref, dp1_ref, b_ref, w_ref,
                 o_ref):
    dinv = _dinv(dp0_ref[...], dp1_ref[...])
    h = dinv * (sp0_ref[0] + sp1_ref[0] + u_ref[...]) + b_ref[...]
    h = jnp.maximum(h, 0.0)
    o_ref[...] = jnp.dot(h, w_ref[...], preferred_element_type=_f32) * dinv


def _tc_last_body(sp0_ref, sp1_ref, u_ref, dp0_ref, dp1_ref, b_ref,
                  wa_ref, wb_ref, p_ref, q_ref):
    dinv = _dinv(dp0_ref[...], dp1_ref[...])
    h = dinv * (sp0_ref[0] + sp1_ref[0] + u_ref[...]) + b_ref[...]
    p_ref[...] = jnp.dot(h, wa_ref[...], preferred_element_type=_f32)
    q_ref[...] = jnp.dot(h, wb_ref[...], preferred_element_type=_f32)


def _tc_head_body(z1_ref, b1_ref, w2_ref, b2_ref, o_ref):
    t = jnp.maximum(z1_ref[...] + b1_ref[...], 0.0)
    tb = t.astype(jnp.bfloat16).astype(_f32)
    wb = w2_ref[...].astype(jnp.bfloat16).astype(_f32)
    o_ref[...] = jnp.sum(tb * wb, axis=1) + b2_ref[0]


_row_spec = pl.BlockSpec((RB, D), lambda i: (i, 0))
_sp_spec0 = pl.BlockSpec((1, RB, D), lambda i: (0, i, 0))
_sp_spec1 = pl.BlockSpec((1, RB, D), lambda i: (1, i, 0))
_dp_spec = pl.BlockSpec((RB, 16), lambda i: (i, 0))
_w_spec = pl.BlockSpec((D, D), lambda i: (0, 0))
_b_spec = pl.BlockSpec((1, D), lambda i: (0, 0))

_tc_first = pl.pallas_call(
    _tc_first_body,
    grid=(N // RB,),
    in_specs=[_row_spec, _w_spec],
    out_specs=_row_spec,
    out_shape=jax.ShapeDtypeStruct((N, D), _f32),
)

_tc_scale = pl.pallas_call(
    _tc_scale_body,
    grid=(N // RB,),
    in_specs=[_row_spec, _dp_spec, _dp_spec],
    out_specs=_row_spec,
    out_shape=jax.ShapeDtypeStruct((N, D), _f32),
)

_tc_mid = pl.pallas_call(
    _tc_mid_body,
    grid=(N // RB,),
    in_specs=[_sp_spec0, _sp_spec1, _row_spec, _dp_spec, _dp_spec, _b_spec,
              _w_spec],
    out_specs=_row_spec,
    out_shape=jax.ShapeDtypeStruct((N, D), _f32),
)

_tc_last = pl.pallas_call(
    _tc_last_body,
    grid=(N // RB,),
    in_specs=[_sp_spec0, _sp_spec1, _row_spec, _dp_spec, _dp_spec, _b_spec,
              _w_spec, _w_spec],
    out_specs=[_row_spec, _row_spec],
    out_shape=(jax.ShapeDtypeStruct((N, D), _f32),
               jax.ShapeDtypeStruct((N, D), _f32)),
)

_hrow_spec = pl.BlockSpec((HB, D), lambda i: (i, 0))

_tc_head = pl.pallas_call(
    _tc_head_body,
    grid=(MHP // HB,),
    in_specs=[_hrow_spec, _b_spec, _b_spec,
              pl.BlockSpec(memory_space=pltpu.SMEM)],
    out_specs=pl.BlockSpec((HB,), lambda i: (i,)),
    out_shape=jax.ShapeDtypeStruct((MHP,), _f32),
)



def kernel(x, edge_index, pos_edges_train, neg_edges_train, pos_edges_test,
           neg_edges_test, W0, b0, W1, b1, W2, b2, W3, b3, Wl1, bl1, Wl2,
           bl2):
    i32 = jnp.int32
    row = edge_index[0].astype(i32)
    col = edge_index[1].astype(i32)
    pad = EP - E
    prow = (jnp.arange(pad, dtype=i32) * 13) % N
    pcol = N + (jnp.arange(pad, dtype=i32) % (ACC - N))
    rows_p = jnp.concatenate([row, prow]).reshape(NW, NCH, CHUNK)
    cols_p = jnp.concatenate([col, pcol]).reshape(NW, NCH, CHUNK)

    onesD = jnp.ones((CHUNK, D), _f32)
    zrowD = jnp.zeros((STRIPE, D), _f32)

    xw = _tc_first(x, W0)
    degp = _sc_deg(cols_p, onesD, zrowD)
    dp0 = degp[0, :N, :16]
    dp1 = degp[1, :N, :16]
    u = _tc_scale(xw, dp0, dp1)

    b0r = b0.reshape(1, D)
    b1r = b1.reshape(1, D)
    b2r = b2.reshape(1, D)
    b3r = b3.reshape(1, D)

    for bias, w_next in ((b0r, W1), (b1r, W2), (b2r, W3)):
        sp = _sc_scatter(u, rows_p, cols_p, zrowD)
        u = _tc_mid(sp, sp, u, dp0, dp1, bias, w_next)
    sp = _sc_scatter(u, rows_p, cols_p, zrowD)
    p, q = _tc_last(sp, sp, u, dp0, dp1, b3r, Wl1[:D], Wl1[D:])

    hpad = (jnp.arange(MHP - MH, dtype=i32) * 13) % N
    sidx = jnp.concatenate(
        [pos_edges_train[0], neg_edges_train[0], pos_edges_test[0],
         neg_edges_test[0], hpad]).astype(i32)
    didx = jnp.concatenate(
        [pos_edges_train[1], neg_edges_train[1], pos_edges_test[1],
         neg_edges_test[1], hpad]).astype(i32)
    sidx = sidx.reshape(NW, HCH, CHUNK)
    didx = didx.reshape(NW, HCH, CHUNK)

    z1 = _sc_head_gather(p, q, sidx, didx)

    z = _tc_head(z1, bl1.reshape(1, D), Wl2.reshape(1, D), bl2.reshape(1))
    z = z[:MH]
    return (z[:100000], z[100000:])

# --- scband reference (transcript-rebuilt; emitter-appended) ---
"""Pipeline reference for scband-ba-shapes-gcn-edge-26371099198063 (READ-ONLY COPY).

The authoritative reference and input builder live on the scoring server;
editing this copy changes nothing except your own understanding.
"""

import jax, jax.numpy as jnp
import numpy as np

N = 10000
E = 320000
D_IN = 128
D_HID = 128
N_CLS = 1
E_PT = 50000
E_NT = 50000
E_PE = 10000
E_NE = 10000


def _glorot(key, shape):
    fan_in, fan_out = shape[0], shape[1]
    s = jnp.sqrt(6.0 / (fan_in + fan_out))
    return jax.random.uniform(key, shape, jnp.float32, -s, s)


def setup_inputs(seed: int = 0):
    key = jax.random.key(seed)
    ks = jax.random.split(key, 16)
    inp = {}
    inp["x"] = jax.random.normal(ks[0], (N, D_IN), jnp.float32)
    inp["edge_index"] = jax.random.randint(ks[1], (2, E), 0, N, jnp.int32)
    inp["pos_edges_train"] = jax.random.randint(ks[2], (2, E_PT), 0, N, jnp.int32)
    inp["neg_edges_train"] = jax.random.randint(ks[3], (2, E_NT), 0, N, jnp.int32)
    inp["pos_edges_test"] = jax.random.randint(ks[4], (2, E_PE), 0, N, jnp.int32)
    inp["neg_edges_test"] = jax.random.randint(ks[5], (2, E_NE), 0, N, jnp.int32)
    inp["W0"] = _glorot(ks[6], (D_IN, D_HID))
    inp["b0"] = jnp.zeros((D_HID,), jnp.float32)
    inp["W1"] = _glorot(ks[7], (D_HID, D_HID))
    inp["b1"] = jnp.zeros((D_HID,), jnp.float32)
    inp["W2"] = _glorot(ks[8], (D_HID, D_HID))
    inp["b2"] = jnp.zeros((D_HID,), jnp.float32)
    inp["W3"] = _glorot(ks[9], (D_HID, D_HID))
    inp["b3"] = jnp.zeros((D_HID,), jnp.float32)
    inp["Wl1"] = _glorot(ks[10], (2 * D_HID, D_HID))
    inp["bl1"] = jnp.zeros((D_HID,), jnp.float32)
    inp["Wl2"] = _glorot(ks[11], (D_HID, N_CLS))
    inp["bl2"] = jnp.zeros((N_CLS,), jnp.float32)
    return inp


def _gcn_conv(x, ei, W, b):
    # PyG GCNConv: x' = D^{-1/2} (A + I) D^{-1/2} (X W) + b, with self-loops added
    h = x @ W
    loops = jnp.arange(N, dtype=ei.dtype)
    row = jnp.concatenate([ei[0], loops])
    col = jnp.concatenate([ei[1], loops])
    deg = jnp.zeros((N,), h.dtype).at[col].add(1.0)
    dinv = jnp.where(deg > 0, 1.0 / jnp.sqrt(deg), 0.0)
    norm = dinv[row] * dinv[col]
    out = jnp.zeros_like(h).at[col].add(h[row] * norm[:, None])
    return out + b


def reference(x, edge_index, pos_edges_train, neg_edges_train, pos_edges_test, neg_edges_test, W0, b0, W1, b1, W2, b2, W3, b3, Wl1, bl1, Wl2, bl2):
    h = jax.nn.relu(_gcn_conv(x, edge_index, W0, b0))
    h = jax.nn.relu(_gcn_conv(h, edge_index, W1, b1))
    h = jax.nn.relu(_gcn_conv(h, edge_index, W2, b2))
    h = _gcn_conv(h, edge_index, W3, b3)
    x1 = jnp.concatenate([h[pos_edges_train[0]], h[pos_edges_train[1]]], axis=1)
    x2 = jnp.concatenate([h[neg_edges_train[0]], h[neg_edges_train[1]]], axis=1)
    x3 = jnp.concatenate([h[pos_edges_test[0]], h[pos_edges_test[1]]], axis=1)
    x4 = jnp.concatenate([h[neg_edges_test[0]], h[neg_edges_test[1]]], axis=1)
    x_train = jnp.concatenate([x1, x2], axis=0)
    n_train = x_train.shape[0]
    x_test = jnp.concatenate([x3, x4], axis=0)
    z = jnp.concatenate([x_train, x_test], axis=0)
    z = jax.nn.relu(z @ Wl1 + bl1)
    z = z @ Wl2 + bl2
    z = jnp.squeeze(z, axis=1)
    return (z[:n_train], z[n_train:])

if __name__ == "__main__":
    import jax
    _d = setup_inputs()
    print(jax.jit(kernel)(*tuple(_d.values())))

</pallas_src>

<mosaic_0001>
#map = affine_map<(d0, d1) -> (0, 0, 0)>
#map1 = affine_map<(d0, d1) -> (0, 0)>
module attributes {stable_mosaic.version = 14 : i64} {
  func.func @_sc_deg(%arg0: i32, %arg1: i32, %arg2: memref<32x80x128xi32, #tpu.memory_space<hbm>>, %arg3: memref<128x128xf32, #tpu.memory_space<hbm>>, %arg4: memref<640x128xf32, #tpu.memory_space<hbm>>, %arg5: memref<2x10240x128xf32, #tpu.memory_space<hbm>>, %arg6: memref<80x128xi32, #tpu.memory_space<vmem>>, %arg7: memref<128x128xf32, #tpu.memory_space<vmem>>, %arg8: memref<10240x128xf32, #tpu.memory_space<vmem_shared>>, %arg9: memref<!tpu.dma_semaphore, #tpu.memory_space<semaphore_mem>>) attributes {dimension_semantics = [#tpu.dimension_semantics<core_parallel>, #tpu.dimension_semantics<subcore_parallel>], iteration_bounds = array<i64: 2, 16>, scalar_prefetch = 0 : i64, scratch_operands = 4 : i64, tpu.core_type = #tpu.core_type<sc_vector_subcore>, window_params = [{transform_indices = #map}, {transform_indices = #map1}, {transform_indices = #map1}, {transform_indices = #map}]} {
    %mul3A = arith.constant 16 : i32
    %mul3A_0 = arith.muli %arg0, %mul3A : i32
    %add3A = arith.addi %mul3A_0, %arg1 : i32
    "tpu.region"() ({
      %run_scoped3A = tpu.sem_alloc : memref<!tpu.dma_semaphore, #tpu.memory_space<semaphore_mem>>
      %dma_start3A = arith.constant 0 : i32
      %dma_start3A_13 = arith.constant 0 : i32
      %dma_start3A_14 = tpu.memref_slice %arg2[%add3A, %dma_start3A, %dma_start3A_13] : memref<32x80x128xi32, #tpu.memory_space<hbm>> -> memref<1x80x128xi32, #tpu.memory_space<hbm>>
      %dma_start3A_15 = tpu.memref_squeeze %dma_start3A_14 : memref<1x80x128xi32, #tpu.memory_space<hbm>> -> memref<80x128xi32, #tpu.memory_space<hbm>>
      %dma_start3A_16 = arith.constant 0 : i32
      %dma_start3A_17 = arith.constant 0 : i32
      %dma_start3A_18 = tpu.memref_slice %arg2[%add3A, %dma_start3A_16, %dma_start3A_17] : memref<32x80x128xi32, #tpu.memory_space<hbm>> -> memref<1x80x128xi32, #tpu.memory_space<hbm>>
      %dma_start3A_19 = tpu.memref_squeeze %dma_start3A_18 : memref<1x80x128xi32, #tpu.memory_space<hbm>> -> memref<80x128xi32, #tpu.memory_space<hbm>>
      tpu.enqueue_dma source(%dma_start3A_19 : memref<80x128xi32, #tpu.memory_space<hbm>>) target(%arg6 : memref<80x128xi32, #tpu.memory_space<vmem>>) target_semaphore(%run_scoped3A : memref<!tpu.dma_semaphore, #tpu.memory_space<semaphore_mem>>)
      %dma_wait3A = arith.constant 0 : i32
      %dma_wait3A_20 = arith.constant 0 : i32
      %dma_wait3A_21 = tpu.memref_slice %arg2[%add3A, %dma_wait3A, %dma_wait3A_20] : memref<32x80x128xi32, #tpu.memory_space<hbm>> -> memref<1x80x128xi32, #tpu.memory_space<hbm>>
      %dma_wait3A_22 = tpu.memref_squeeze %dma_wait3A_21 : memref<1x80x128xi32, #tpu.memory_space<hbm>> -> memref<80x128xi32, #tpu.memory_space<hbm>>
      %dma_wait3A_23 = arith.constant 0 : i32
      %dma_wait3A_24 = arith.constant 0 : i32
      %dma_wait3A_25 = tpu.memref_slice %arg2[%add3A, %dma_wait3A_23, %dma_wait3A_24] : memref<32x80x128xi32, #tpu.memory_space<hbm>> -> memref<1x80x128xi32, #tpu.memory_space<hbm>>
      %dma_wait3A_26 = tpu.memref_squeeze %dma_wait3A_25 : memref<1x80x128xi32, #tpu.memory_space<hbm>> -> memref<80x128xi32, #tpu.memory_space<hbm>>
      tpu.wait_dma2 semaphore(%run_scoped3A : memref<!tpu.dma_semaphore, #tpu.memory_space<semaphore_mem>>) src(%dma_wait3A_26 : memref<80x128xi32, #tpu.memory_space<hbm>>) dst(%arg6 : memref<80x128xi32, #tpu.memory_space<vmem>>)
      tpu.yield
    }) : () -> ()
    "tpu.region"() ({
      %run_scoped3A = tpu.sem_alloc : memref<!tpu.dma_semaphore, #tpu.memory_space<semaphore_mem>>
      tpu.enqueue_dma source(%arg3 : memref<128x128xf32, #tpu.memory_space<hbm>>) target(%arg7 : memref<128x128xf32, #tpu.memory_space<vmem>>) target_semaphore(%run_scoped3A : memref<!tpu.dma_semaphore, #tpu.memory_space<semaphore_mem>>)
      tpu.wait_dma2 semaphore(%run_scoped3A : memref<!tpu.dma_semaphore, #tpu.memory_space<semaphore_mem>>) src(%arg3 : memref<128x128xf32, #tpu.memory_space<hbm>>) dst(%arg7 : memref<128x128xf32, #tpu.memory_space<vmem>>)
      tpu.yield
    }) : () -> ()
    %mul3A_1 = arith.constant 640 : i32
    %mul3A_2 = arith.muli %arg1, %mul3A_1 : i32
    "tpu.region"() ({
      %run_scoped3A = tpu.sem_alloc : memref<!tpu.dma_semaphore, #tpu.memory_space<semaphore_mem>>
      %dma_start3A = arith.constant 0 : i32
      %dma_start3A_13 = tpu.memref_slice %arg8[%mul3A_2, %dma_start3A] : memref<10240x128xf32, #tpu.memory_space<vmem_shared>> -> memref<640x128xf32, #tpu.memory_space<vmem_shared>>
      tpu.enqueue_dma source(%arg4 : memref<640x128xf32, #tpu.memory_space<hbm>>) target(%dma_start3A_13 : memref<640x128xf32, #tpu.memory_space<vmem_shared>>) target_semaphore(%run_scoped3A : memref<!tpu.dma_semaphore, #tpu.memory_space<semaphore_mem>>)
      %dma_wait3A = arith.constant 0 : i32
      %dma_wait3A_14 = tpu.memref_slice %arg8[%mul3A_2, %dma_wait3A] : memref<10240x128xf32, #tpu.memory_space<vmem_shared>> -> memref<640x128xf32, #tpu.memory_space<vmem_shared>>
      tpu.wait_dma2 semaphore(%run_scoped3A : memref<!tpu.dma_semaphore, #tpu.memory_space<semaphore_mem>>) src(%arg4 : memref<640x128xf32, #tpu.memory_space<hbm>>) dst(%dma_wait3A_14 : memref<640x128xf32, #tpu.memory_space<vmem_shared>>)
      tpu.yield
    }) : () -> ()
    %barrier3A = arith.constant 0 : index
    tpu.barrier barrier_id(%barrier3A)
    %scan3A = arith.constant 0 : i32
    %scan3A_3 = arith.constant 0 : i32
    %scan3A_4 = arith.constant 10 : i32
    %scan3A_5 = arith.addi %scan3A_3, %scan3A_4 : i32
    %scan3A_6 = arith.constant 1 : i32
    scf.for %scan3A_13 = %scan3A_3 to %scan3A_5 step %scan3A_6  : i32 {
      %mul3A_14 = arith.constant 8 : i32
      %mul3A_15 = arith.muli %scan3A_13, %mul3A_14 : i32
      %add3A_16 = arith.constant 0 : i32
      %add3A_17 = arith.addi %mul3A_15, %add3A_16 : i32
      %dma_start3A = arith.constant 0 : i32
      %dma_start3A_18 = tpu.memref_slice %arg6[%add3A_17, %dma_start3A] : memref<80x128xi32, #tpu.memory_space<vmem>> -> memref<1x128xi32, #tpu.memory_space<vmem>>
      %dma_start3A_19 = tpu.memref_squeeze %dma_start3A_18 : memref<1x128xi32, #tpu.memory_space<vmem>> -> memref<128xi32, #tpu.memory_space<vmem>>
      %dma_start3A_20 = arith.constant 0 : i32
      %dma_start3A_21 = arith.constant 0 : i32
      %dma_start3A_22 = tpu.memref_slice %arg8[%dma_start3A_20, %dma_start3A_21] : memref<10240x128xf32, #tpu.memory_space<vmem_shared>> -> memref<10240x128xf32, #tpu.memory_space<vmem_shared>>
      tpu.enqueue_indirect_dma source(%arg7 : memref<128x128xf32, #tpu.memory_space<vmem>>) target(%dma_start3A_22 : memref<10240x128xf32, #tpu.memory_space<vmem_shared>>) offsets(%dma_start3A_19 : memref<128xi32, #tpu.memory_space<vmem>>) semaphore(%arg9 : memref<!tpu.dma_semaphore, #tpu.memory_space<semaphore_mem>>) {add = true}
      %mul3A_23 = arith.constant 8 : i32
      %mul3A_24 = arith.muli %scan3A_13, %mul3A_23 : i32
      %add3A_25 = arith.constant 1 : i32
      %add3A_26 = arith.addi %mul3A_24, %add3A_25 : i32
      %dma_start3A_27 = arith.constant 0 : i32
      %dma_start3A_28 = tpu.memref_slice %arg6[%add3A_26, %dma_start3A_27] : memref<80x128xi32, #tpu.memory_space<vmem>> -> memref<1x128xi32, #tpu.memory_space<vmem>>
      %dma_start3A_29 = tpu.memref_squeeze %dma_start3A_28 : memref<1x128xi32, #tpu.memory_space<vmem>> -> memref<128xi32, #tpu.memory_space<vmem>>
      %dma_start3A_30 = arith.constant 0 : i32
      %dma_start3A_31 = arith.constant 0 : i32
      %dma_start3A_32 = tpu.memref_slice %arg8[%dma_start3A_30, %dma_start3A_31] : memref<10240x128xf32, #tpu.memory_space<vmem_shared>> -> memref<10240x128xf32, #tpu.memory_space<vmem_shared>>
      tpu.enqueue_indirect_dma source(%arg7 : memref<128x128xf32, #tpu.memory_space<vmem>>) target(%dma_start3A_32 : memref<10240x128xf32, #tpu.memory_space<vmem_shared>>) offsets(%dma_start3A_29 : memref<128xi32, #tpu.memory_space<vmem>>) semaphore(%arg9 : memref<!tpu.dma_semaphore, #tpu.memory_space<semaphore_mem>>) {add = true}
      %mul3A_33 = arith.constant 8 : i32
      %mul3A_34 = arith.muli %scan3A_13, %mul3A_33 : i32
      %add3A_35 = arith.constant 2 : i32
      %add3A_36 = arith.addi %mul3A_34, %add3A_35 : i32
      %dma_start3A_37 = arith.constant 0 : i32
      %dma_start3A_38 = tpu.memref_slice %arg6[%add3A_36, %dma_start3A_37] : memref<80x128xi32, #tpu.memory_space<vmem>> -> memref<1x128xi32, #tpu.memory_space<vmem>>
      %dma_start3A_39 = tpu.memref_squeeze %dma_start3A_38 : memref<1x128xi32, #tpu.memory_space<vmem>> -> memref<128xi32, #tpu.memory_space<vmem>>
      %dma_start3A_40 = arith.constant 0 : i32
      %dma_start3A_41 = arith.constant 0 : i32
      %dma_start3A_42 = tpu.memref_slice %arg8[%dma_start3A_40, %dma_start3A_41] : memref<10240x128xf32, #tpu.memory_space<vmem_shared>> -> memref<10240x128xf32, #tpu.memory_space<vmem_shared>>
      tpu.enqueue_indirect_dma source(%arg7 : memref<128x128xf32, #tpu.memory_space<vmem>>) target(%dma_start3A_42 : memref<10240x128xf32, #tpu.memory_space<vmem_shared>>) offsets(%dma_start3A_39 : memref<128xi32, #tpu.memory_space<vmem>>) semaphore(%arg9 : memref<!tpu.dma_semaphore, #tpu.memory_space<semaphore_mem>>) {add = true}
      %mul3A_43 = arith.constant 8 : i32
      %mul3A_44 = arith.muli %scan3A_13, %mul3A_43 : i32
      %add3A_45 = arith.constant 3 : i32
      %add3A_46 = arith.addi %mul3A_44, %add3A_45 : i32
      %dma_start3A_47 = arith.constant 0 : i32
      %dma_start3A_48 = tpu.memref_slice %arg6[%add3A_46, %dma_start3A_47] : memref<80x128xi32, #tpu.memory_space<vmem>> -> memref<1x128xi32, #tpu.memory_space<vmem>>
      %dma_start3A_49 = tpu.memref_squeeze %dma_start3A_48 : memref<1x128xi32, #tpu.memory_space<vmem>> -> memref<128xi32, #tpu.memory_space<vmem>>
      %dma_start3A_50 = arith.constant 0 : i32
      %dma_start3A_51 = arith.constant 0 : i32
      %dma_start3A_52 = tpu.memref_slice %arg8[%dma_start3A_50, %dma_start3A_51] : memref<10240x128xf32, #tpu.memory_space<vmem_shared>> -> memref<10240x128xf32, #tpu.memory_space<vmem_shared>>
      tpu.enqueue_indirect_dma source(%arg7 : memref<128x128xf32, #tpu.memory_space<vmem>>) target(%dma_start3A_52 : memref<10240x128xf32, #tpu.memory_space<vmem_shared>>) offsets(%dma_start3A_49 : memref<128xi32, #tpu.memory_space<vmem>>) semaphore(%arg9 : memref<!tpu.dma_semaphore, #tpu.memory_space<semaphore_mem>>) {add = true}
      %mul3A_53 = arith.constant 8 : i32
      %mul3A_54 = arith.muli %scan3A_13, %mul3A_53 : i32
      %add3A_55 = arith.constant 4 : i32
      %add3A_56 = arith.addi %mul3A_54, %add3A_55 : i32
      %dma_start3A_57 = arith.constant 0 : i32
      %dma_start3A_58 = tpu.memref_slice %arg6[%add3A_56, %dma_start3A_57] : memref<80x128xi32, #tpu.memory_space<vmem>> -> memref<1x128xi32, #tpu.memory_space<vmem>>
      %dma_start3A_59 = tpu.memref_squeeze %dma_start3A_58 : memref<1x128xi32, #tpu.memory_space<vmem>> -> memref<128xi32, #tpu.memory_space<vmem>>
      %dma_start3A_60 = arith.constant 0 : i32
      %dma_start3A_61 = arith.constant 0 : i32
      %dma_start3A_62 = tpu.memref_slice %arg8[%dma_start3A_60, %dma_start3A_61] : memref<10240x128xf32, #tpu.memory_space<vmem_shared>> -> memref<10240x128xf32, #tpu.memory_space<vmem_shared>>
      tpu.enqueue_indirect_dma source(%arg7 : memref<128x128xf32, #tpu.memory_space<vmem>>) target(%dma_start3A_62 : memref<10240x128xf32, #tpu.memory_space<vmem_shared>>) offsets(%dma_start3A_59 : memref<128xi32, #tpu.memory_space<vmem>>) semaphore(%arg9 : memref<!tpu.dma_semaphore, #tpu.memory_space<semaphore_mem>>) {add = true}
      %mul3A_63 = arith.constant 8 : i32
      %mul3A_64 = arith.muli %scan3A_13, %mul3A_63 : i32
      %add3A_65 = arith.constant 5 : i32
      %add3A_66 = arith.addi %mul3A_64, %add3A_65 : i32
      %dma_start3A_67 = arith.constant 0 : i32
      %dma_start3A_68 = tpu.memref_slice %arg6[%add3A_66, %dma_start3A_67] : memref<80x128xi32, #tpu.memory_space<vmem>> -> memref<1x128xi32, #tpu.memory_space<vmem>>
      %dma_start3A_69 = tpu.memref_squeeze %dma_start3A_68 : memref<1x128xi32, #tpu.memory_space<vmem>> -> memref<128xi32, #tpu.memory_space<vmem>>
      %dma_start3A_70 = arith.constant 0 : i32
      %dma_start3A_71 = arith.constant 0 : i32
      %dma_start3A_72 = tpu.memref_slice %arg8[%dma_start3A_70, %dma_start3A_71] : memref<10240x128xf32, #tpu.memory_space<vmem_shared>> -> memref<10240x128xf32, #tpu.memory_space<vmem_shared>>
      tpu.enqueue_indirect_dma source(%arg7 : memref<128x128xf32, #tpu.memory_space<vmem>>) target(%dma_start3A_72 : memref<10240x128xf32, #tpu.memory_space<vmem_shared>>) offsets(%dma_start3A_69 : memref<128xi32, #tpu.memory_space<vmem>>) semaphore(%arg9 : memref<!tpu.dma_semaphore, #tpu.memory_space<semaphore_mem>>) {add = true}
      %mul3A_73 = arith.constant 8 : i32
      %mul3A_74 = arith.muli %scan3A_13, %mul3A_73 : i32
      %add3A_75 = arith.constant 6 : i32
      %add3A_76 = arith.addi %mul3A_74, %add3A_75 : i32
      %dma_start3A_77 = arith.constant 0 : i32
      %dma_start3A_78 = tpu.memref_slice %arg6[%add3A_76, %dma_start3A_77] : memref<80x128xi32, #tpu.memory_space<vmem>> -> memref<1x128xi32, #tpu.memory_space<vmem>>
      %dma_start3A_79 = tpu.memref_squeeze %dma_start3A_78 : memref<1x128xi32, #tpu.memory_space<vmem>> -> memref<128xi32, #tpu.memory_space<vmem>>
      %dma_start3A_80 = arith.constant 0 : i32
      %dma_start3A_81 = arith.constant 0 : i32
      %dma_start3A_82 = tpu.memref_slice %arg8[%dma_start3A_80, %dma_start3A_81] : memref<10240x128xf32, #tpu.memory_space<vmem_shared>> -> memref<10240x128xf32, #tpu.memory_space<vmem_shared>>
      tpu.enqueue_indirect_dma source(%arg7 : memref<128x128xf32, #tpu.memory_space<vmem>>) target(%dma_start3A_82 : memref<10240x128xf32, #tpu.memory_space<vmem_shared>>) offsets(%dma_start3A_79 : memref<128xi32, #tpu.memory_space<vmem>>) semaphore(%arg9 : memref<!tpu.dma_semaphore, #tpu.memory_space<semaphore_mem>>) {add = true}
      %mul3A_83 = arith.constant 8 : i32
      %mul3A_84 = arith.muli %scan3A_13, %mul3A_83 : i32
      %add3A_85 = arith.constant 7 : i32
      %add3A_86 = arith.addi %mul3A_84, %add3A_85 : i32
      %dma_start3A_87 = arith.constant 0 : i32
      %dma_start3A_88 = tpu.memref_slice %arg6[%add3A_86, %dma_start3A_87] : memref<80x128xi32, #tpu.memory_space<vmem>> -> memref<1x128xi32, #tpu.memory_space<vmem>>
      %dma_start3A_89 = tpu.memref_squeeze %dma_start3A_88 : memref<1x128xi32, #tpu.memory_space<vmem>> -> memref<128xi32, #tpu.memory_space<vmem>>
      %dma_start3A_90 = arith.constant 0 : i32
      %dma_start3A_91 = arith.constant 0 : i32
      %dma_start3A_92 = tpu.memref_slice %arg8[%dma_start3A_90, %dma_start3A_91] : memref<10240x128xf32, #tpu.memory_space<vmem_shared>> -> memref<10240x128xf32, #tpu.memory_space<vmem_shared>>
      tpu.enqueue_indirect_dma source(%arg7 : memref<128x128xf32, #tpu.memory_space<vmem>>) target(%dma_start3A_92 : memref<10240x128xf32, #tpu.memory_space<vmem_shared>>) offsets(%dma_start3A_89 : memref<128xi32, #tpu.memory_space<vmem>>) semaphore(%arg9 : memref<!tpu.dma_semaphore, #tpu.memory_space<semaphore_mem>>) {add = true}
      %mul3A_93 = arith.constant 8 : i32
      %mul3A_94 = arith.muli %scan3A_13, %mul3A_93 : i32
      %add3A_95 = arith.constant 0 : i32
      %add3A_96 = arith.addi %mul3A_94, %add3A_95 : i32
      %dma_wait3A = arith.constant 0 : i32
      %dma_wait3A_97 = tpu.memref_slice %arg6[%add3A_96, %dma_wait3A] : memref<80x128xi32, #tpu.memory_space<vmem>> -> memref<1x128xi32, #tpu.memory_space<vmem>>
      %dma_wait3A_98 = tpu.memref_squeeze %dma_wait3A_97 : memref<1x128xi32, #tpu.memory_space<vmem>> -> memref<128xi32, #tpu.memory_space<vmem>>
      %dma_wait3A_99 = arith.constant 0 : i32
      %dma_wait3A_100 = arith.constant 0 : i32
      %dma_wait3A_101 = tpu.memref_slice %arg8[%dma_wait3A_99, %dma_wait3A_100] : memref<10240x128xf32, #tpu.memory_space<vmem_shared>> -> memref<10240x128xf32, #tpu.memory_space<vmem_shared>>
      tpu.wait_indirect_dma semaphore(%arg9 : memref<!tpu.dma_semaphore, #tpu.memory_space<semaphore_mem>>) src(%arg7 : memref<128x128xf32, #tpu.memory_space<vmem>>) dst(%dma_wait3A_101 : memref<10240x128xf32, #tpu.memory_space<vmem_shared>>)
      %mul3A_102 = arith.constant 8 : i32
      %mul3A_103 = arith.muli %scan3A_13, %mul3A_102 : i32
      %add3A_104 = arith.constant 1 : i32
      %add3A_105 = arith.addi %mul3A_103, %add3A_104 : i32
      %dma_wait3A_106 = arith.constant 0 : i32
      %dma_wait3A_107 = tpu.memref_slice %arg6[%add3A_105, %dma_wait3A_106] : memref<80x128xi32, #tpu.memory_space<vmem>> -> memref<1x128xi32, #tpu.memory_space<vmem>>
      %dma_wait3A_108 = tpu.memref_squeeze %dma_wait3A_107 : memref<1x128xi32, #tpu.memory_space<vmem>> -> memref<128xi32, #tpu.memory_space<vmem>>
      %dma_wait3A_109 = arith.constant 0 : i32
      %dma_wait3A_110 = arith.constant 0 : i32
      %dma_wait3A_111 = tpu.memref_slice %arg8[%dma_wait3A_109, %dma_wait3A_110] : memref<10240x128xf32, #tpu.memory_space<vmem_shared>> -> memref<10240x128xf32, #tpu.memory_space<vmem_shared>>
      tpu.wait_indirect_dma semaphore(%arg9 : memref<!tpu.dma_semaphore, #tpu.memory_space<semaphore_mem>>) src(%arg7 : memref<128x128xf32, #tpu.memory_space<vmem>>) dst(%dma_wait3A_111 : memref<10240x128xf32, #tpu.memory_space<vmem_shared>>)
      %mul3A_112 = arith.constant 8 : i32
      %mul3A_113 = arith.muli %scan3A_13, %mul3A_112 : i32
      %add3A_114 = arith.constant 2 : i32
      %add3A_115 = arith.addi %mul3A_113, %add3A_114 : i32
      %dma_wait3A_116 = arith.constant 0 : i32
      %dma_wait3A_117 = tpu.memref_slice %arg6[%add3A_115, %dma_wait3A_116] : memref<80x128xi32, #tpu.memory_space<vmem>> -> memref<1x128xi32, #tpu.memory_space<vmem>>
      %dma_wait3A_118 = tpu.memref_squeeze %dma_wait3A_117 : memref<1x128xi32, #tpu.memory_space<vmem>> -> memref<128xi32, #tpu.memory_space<vmem>>
      %dma_wait3A_119 = arith.constant 0 : i32
      %dma_wait3A_120 = arith.constant 0 : i32
      %dma_wait3A_121 = tpu.memref_slice %arg8[%dma_wait3A_119, %dma_wait3A_120] : memref<10240x128xf32, #tpu.memory_space<vmem_shared>> -> memref<10240x128xf32, #tpu.memory_space<vmem_shared>>
      tpu.wait_indirect_dma semaphore(%arg9 : memref<!tpu.dma_semaphore, #tpu.memory_space<semaphore_mem>>) src(%arg7 : memref<128x128xf32, #tpu.memory_space<vmem>>) dst(%dma_wait3A_121 : memref<10240x128xf32, #tpu.memory_space<vmem_shared>>)
      %mul3A_122 = arith.constant 8 : i32
      %mul3A_123 = arith.muli %scan3A_13, %mul3A_122 : i32
      %add3A_124 = arith.constant 3 : i32
      %add3A_125 = arith.addi %mul3A_123, %add3A_124 : i32
      %dma_wait3A_126 = arith.constant 0 : i32
      %dma_wait3A_127 = tpu.memref_slice %arg6[%add3A_125, %dma_wait3A_126] : memref<80x128xi32, #tpu.memory_space<vmem>> -> memref<1x128xi32, #tpu.memory_space<vmem>>
      %dma_wait3A_128 = tpu.memref_squeeze %dma_wait3A_127 : memref<1x128xi32, #tpu.memory_space<vmem>> -> memref<128xi32, #tpu.memory_space<vmem>>
      %dma_wait3A_129 = arith.constant 0 : i32
      %dma_wait3A_130 = arith.constant 0 : i32
      %dma_wait3A_131 = tpu.memref_slice %arg8[%dma_wait3A_129, %dma_wait3A_130] : memref<10240x128xf32, #tpu.memory_space<vmem_shared>> -> memref<10240x128xf32, #tpu.memory_space<vmem_shared>>
      tpu.wait_indirect_dma semaphore(%arg9 : memref<!tpu.dma_semaphore, #tpu.memory_space<semaphore_mem>>) src(%arg7 : memref<128x128xf32, #tpu.memory_space<vmem>>) dst(%dma_wait3A_131 : memref<10240x128xf32, #tpu.memory_space<vmem_shared>>)
      %mul3A_132 = arith.constant 8 : i32
      %mul3A_133 = arith.muli %scan3A_13, %mul3A_132 : i32
      %add3A_134 = arith.constant 4 : i32
      %add3A_135 = arith.addi %mul3A_133, %add3A_134 : i32
      %dma_wait3A_136 = arith.constant 0 : i32
      %dma_wait3A_137 = tpu.memref_slice %arg6[%add3A_135, %dma_wait3A_136] : memref<80x128xi32, #tpu.memory_space<vmem>> -> memref<1x128xi32, #tpu.memory_space<vmem>>
      %dma_wait3A_138 = tpu.memref_squeeze %dma_wait3A_137 : memref<1x128xi32, #tpu.memory_space<vmem>> -> memref<128xi32, #tpu.memory_space<vmem>>
      %dma_wait3A_139 = arith.constant 0 : i32
      %dma_wait3A_140 = arith.constant 0 : i32
      %dma_wait3A_141 = tpu.memref_slice %arg8[%dma_wait3A_139, %dma_wait3A_140] : memref<10240x128xf32, #tpu.memory_space<vmem_shared>> -> memref<10240x128xf32, #tpu.memory_space<vmem_shared>>
      tpu.wait_indirect_dma semaphore(%arg9 : memref<!tpu.dma_semaphore, #tpu.memory_space<semaphore_mem>>) src(%arg7 : memref<128x128xf32, #tpu.memory_space<vmem>>) dst(%dma_wait3A_141 : memref<10240x128xf32, #tpu.memory_space<vmem_shared>>)
      %mul3A_142 = arith.constant 8 : i32
      %mul3A_143 = arith.muli %scan3A_13, %mul3A_142 : i32
      %add3A_144 = arith.constant 5 : i32
      %add3A_145 = arith.addi %mul3A_143, %add3A_144 : i32
      %dma_wait3A_146 = arith.constant 0 : i32
      %dma_wait3A_147 = tpu.memref_slice %arg6[%add3A_145, %dma_wait3A_146] : memref<80x128xi32, #tpu.memory_space<vmem>> -> memref<1x128xi32, #tpu.memory_space<vmem>>
      %dma_wait3A_148 = tpu.memref_squeeze %dma_wait3A_147 : memref<1x128xi32, #tpu.memory_space<vmem>> -> memref<128xi32, #tpu.memory_space<vmem>>
      %dma_wait3A_149 = arith.constant 0 : i32
      %dma_wait3A_150 = arith.constant 0 : i32
      %dma_wait3A_151 = tpu.memref_slice %arg8[%dma_wait3A_149, %dma_wait3A_150] : memref<10240x128xf32, #tpu.memory_space<vmem_shared>> -> memref<10240x128xf32, #tpu.memory_space<vmem_shared>>
      tpu.wait_indirect_dma semaphore(%arg9 : memref<!tpu.dma_semaphore, #tpu.memory_space<semaphore_mem>>) src(%arg7 : memref<128x128xf32, #tpu.memory_space<vmem>>) dst(%dma_wait3A_151 : memref<10240x128xf32, #tpu.memory_space<vmem_shared>>)
      %mul3A_152 = arith.constant 8 : i32
      %mul3A_153 = arith.muli %scan3A_13, %mul3A_152 : i32
      %add3A_154 = arith.constant 6 : i32
      %add3A_155 = arith.addi %mul3A_153, %add3A_154 : i32
      %dma_wait3A_156 = arith.constant 0 : i32
      %dma_wait3A_157 = tpu.memref_slice %arg6[%add3A_155, %dma_wait3A_156] : memref<80x128xi32, #tpu.memory_space<vmem>> -> memref<1x128xi32, #tpu.memory_space<vmem>>
      %dma_wait3A_158 = tpu.memref_squeeze %dma_wait3A_157 : memref<1x128xi32, #tpu.memory_space<vmem>> -> memref<128xi32, #tpu.memory_space<vmem>>
      %dma_wait3A_159 = arith.constant 0 : i32
      %dma_wait3A_160 = arith.constant 0 : i32
      %dma_wait3A_161 = tpu.memref_slice %arg8[%dma_wait3A_159, %dma_wait3A_160] : memref<10240x128xf32, #tpu.memory_space<vmem_shared>> -> memref<10240x128xf32, #tpu.memory_space<vmem_shared>>
      tpu.wait_indirect_dma semaphore(%arg9 : memref<!tpu.dma_semaphore, #tpu.memory_space<semaphore_mem>>) src(%arg7 : memref<128x128xf32, #tpu.memory_space<vmem>>) dst(%dma_wait3A_161 : memref<10240x128xf32, #tpu.memory_space<vmem_shared>>)
      %mul3A_162 = arith.constant 8 : i32
      %mul3A_163 = arith.muli %scan3A_13, %mul3A_162 : i32
      %add3A_164 = arith.constant 7 : i32
      %add3A_165 = arith.addi %mul3A_163, %add3A_164 : i32
      %dma_wait3A_166 = arith.constant 0 : i32
      %dma_wait3A_167 = tpu.memref_slice %arg6[%add3A_165, %dma_wait3A_166] : memref<80x128xi32, #tpu.memory_space<vmem>> -> memref<1x128xi32, #tpu.memory_space<vmem>>
      %dma_wait3A_168 = tpu.memref_squeeze %dma_wait3A_167 : memref<1x128xi32, #tpu.memory_space<vmem>> -> memref<128xi32, #tpu.memory_space<vmem>>
      %dma_wait3A_169 = arith.constant 0 : i32
      %dma_wait3A_170 = arith.constant 0 : i32
      %dma_wait3A_171 = tpu.memref_slice %arg8[%dma_wait3A_169, %dma_wait3A_170] : memref<10240x128xf32, #tpu.memory_space<vmem_shared>> -> memref<10240x128xf32, #tpu.memory_space<vmem_shared>>
      tpu.wait_indirect_dma semaphore(%arg9 : memref<!tpu.dma_semaphore, #tpu.memory_space<semaphore_mem>>) src(%arg7 : memref<128x128xf32, #tpu.memory_space<vmem>>) dst(%dma_wait3A_171 : memref<10240x128xf32, #tpu.memory_space<vmem_shared>>)
    }
    %scan3A_7 = arith.constant 10 : i32
    %barrier3A_8 = arith.constant 0 : index
    tpu.barrier barrier_id(%barrier3A_8)
    %mul3A_9 = arith.constant 640 : i32
    %mul3A_10 = arith.muli %arg1, %mul3A_9 : i32
    %mul3A_11 = arith.constant 640 : i32
    %mul3A_12 = arith.muli %arg1, %mul3A_11 : i32
    "tpu.region"() ({
      %run_scoped3A = tpu.sem_alloc : memref<!tpu.dma_semaphore, #tpu.memory_space<semaphore_mem>>
      %dma_start3A = arith.constant 0 : i32
      %dma_start3A_13 = tpu.memref_slice %arg5[%arg0, %mul3A_12, %dma_start3A] : memref<2x10240x128xf32, #tpu.memory_space<hbm>> -> memref<1x640x128xf32, #tpu.memory_space<hbm>>
      %dma_start3A_14 = tpu.memref_squeeze %dma_start3A_13 : memref<1x640x128xf32, #tpu.memory_space<hbm>> -> memref<640x128xf32, #tpu.memory_space<hbm>>
      %dma_start3A_15 = arith.constant 0 : i32
      %dma_start3A_16 = tpu.memref_slice %arg8[%mul3A_10, %dma_start3A_15] : memref<10240x128xf32, #tpu.memory_space<vmem_shared>> -> memref<640x128xf32, #tpu.memory_space<vmem_shared>>
      tpu.enqueue_dma source(%dma_start3A_16 : memref<640x128xf32, #tpu.memory_space<vmem_shared>>) target(%dma_start3A_14 : memref<640x128xf32, #tpu.memory_space<hbm>>) target_semaphore(%run_scoped3A : memref<!tpu.dma_semaphore, #tpu.memory_space<semaphore_mem>>)
      %dma_wait3A = arith.constant 0 : i32
      %dma_wait3A_17 = tpu.memref_slice %arg5[%arg0, %mul3A_12, %dma_wait3A] : memref<2x10240x128xf32, #tpu.memory_space<hbm>> -> memref<1x640x128xf32, #tpu.memory_space<hbm>>
      %dma_wait3A_18 = tpu.memref_squeeze %dma_wait3A_17 : memref<1x640x128xf32, #tpu.memory_space<hbm>> -> memref<640x128xf32, #tpu.memory_space<hbm>>
      %dma_wait3A_19 = arith.constant 0 : i32
      %dma_wait3A_20 = tpu.memref_slice %arg8[%mul3A_10, %dma_wait3A_19] : memref<10240x128xf32, #tpu.memory_space<vmem_shared>> -> memref<640x128xf32, #tpu.memory_space<vmem_shared>>
      tpu.wait_dma2 semaphore(%run_scoped3A : memref<!tpu.dma_semaphore, #tpu.memory_space<semaphore_mem>>) src(%dma_wait3A_20 : memref<640x128xf32, #tpu.memory_space<vmem_shared>>) dst(%dma_wait3A_18 : memref<640x128xf32, #tpu.memory_space<hbm>>)
      tpu.yield
    }) : () -> ()
    return
  }
}

#map = affine_map<(d0, d1) -> (0, 0)>
#map1 = affine_map<(d0, d1) -> (0, 0, 0)>
module attributes {stable_mosaic.version = 14 : i64} {
  func.func @_sc_scatter(%arg0: i32, %arg1: i32, %arg2: memref<10000x128xf32, #tpu.memory_space<hbm>>, %arg3: memref<32x80x128xi32, #tpu.memory_space<hbm>>, %arg4: memref<32x80x128xi32, #tpu.memory_space<hbm>>, %arg5: memref<640x128xf32, #tpu.memory_space<hbm>>, %arg6: memref<2x10240x128xf32, #tpu.memory_space<hbm>>, %arg7: memref<80x128xi32, #tpu.memory_space<vmem>>, %arg8: memref<80x128xi32, #tpu.memory_space<vmem>>, %arg9: memref<128x128xf32, #tpu.memory_space<vmem>>, %arg10: memref<10240x128xf32, #tpu.memory_space<vmem_shared>>) attributes {dimension_semantics = [#tpu.dimension_semantics<core_parallel>, #tpu.dimension_semantics<subcore_parallel>], iteration_bounds = array<i64: 2, 16>, scalar_prefetch = 0 : i64, scratch_operands = 4 : i64, tpu.core_type = #tpu.core_type<sc_vector_subcore>, window_params = [{transform_indices = #map}, {transform_indices = #map1}, {transform_indices = #map1}, {transform_indices = #map}, {transform_indices = #map1}]} {
    %mul3A = arith.constant 16 : i32
    %mul3A_0 = arith.muli %arg0, %mul3A : i32
    %add3A = arith.addi %mul3A_0, %arg1 : i32
    "tpu.region"() ({
      %run_scoped3A = tpu.sem_alloc : memref<!tpu.dma_semaphore, #tpu.memory_space<semaphore_mem>>
      %dma_start3A = arith.constant 0 : i32
      %dma_start3A_13 = arith.constant 0 : i32
      %dma_start3A_14 = tpu.memref_slice %arg3[%add3A, %dma_start3A, %dma_start3A_13] : memref<32x80x128xi32, #tpu.memory_space<hbm>> -> memref<1x80x128xi32, #tpu.memory_space<hbm>>
      %dma_start3A_15 = tpu.memref_squeeze %dma_start3A_14 : memref<1x80x128xi32, #tpu.memory_space<hbm>> -> memref<80x128xi32, #tpu.memory_space<hbm>>
      %dma_start3A_16 = arith.constant 0 : i32
      %dma_start3A_17 = arith.constant 0 : i32
      %dma_start3A_18 = tpu.memref_slice %arg3[%add3A, %dma_start3A_16, %dma_start3A_17] : memref<32x80x128xi32, #tpu.memory_space<hbm>> -> memref<1x80x128xi32, #tpu.memory_space<hbm>>
      %dma_start3A_19 = tpu.memref_squeeze %dma_start3A_18 : memref<1x80x128xi32, #tpu.memory_space<hbm>> -> memref<80x128xi32, #tpu.memory_space<hbm>>
      tpu.enqueue_dma source(%dma_start3A_19 : memref<80x128xi32, #tpu.memory_space<hbm>>) target(%arg7 : memref<80x128xi32, #tpu.memory_space<vmem>>) target_semaphore(%run_scoped3A : memref<!tpu.dma_semaphore, #tpu.memory_space<semaphore_mem>>)
      %dma_wait3A = arith.constant 0 : i32
      %dma_wait3A_20 = arith.constant 0 : i32
      %dma_wait3A_21 = tpu.memref_slice %arg3[%add3A, %dma_wait3A, %dma_wait3A_20] : memref<32x80x128xi32, #tpu.memory_space<hbm>> -> memref<1x80x128xi32, #tpu.memory_space<hbm>>
      %dma_wait3A_22 = tpu.memref_squeeze %dma_wait3A_21 : memref<1x80x128xi32, #tpu.memory_space<hbm>> -> memref<80x128xi32, #tpu.memory_space<hbm>>
      %dma_wait3A_23 = arith.constant 0 : i32
      %dma_wait3A_24 = arith.constant 0 : i32
      %dma_wait3A_25 = tpu.memref_slice %arg3[%add3A, %dma_wait3A_23, %dma_wait3A_24] : memref<32x80x128xi32, #tpu.memory_space<hbm>> -> memref<1x80x128xi32, #tpu.memory_space<hbm>>
      %dma_wait3A_26 = tpu.memref_squeeze %dma_wait3A_25 : memref<1x80x128xi32, #tpu.memory_space<hbm>> -> memref<80x128xi32, #tpu.memory_space<hbm>>
      tpu.wait_dma2 semaphore(%run_scoped3A : memref<!tpu.dma_semaphore, #tpu.memory_space<semaphore_mem>>) src(%dma_wait3A_26 : memref<80x128xi32, #tpu.memory_space<hbm>>) dst(%arg7 : memref<80x128xi32, #tpu.memory_space<vmem>>)
      tpu.yield
    }) : () -> ()
    "tpu.region"() ({
      %run_scoped3A = tpu.sem_alloc : memref<!tpu.dma_semaphore, #tpu.memory_space<semaphore_mem>>
      %dma_start3A = arith.constant 0 : i32
      %dma_start3A_13 = arith.constant 0 : i32
      %dma_start3A_14 = tpu.memref_slice %arg4[%add3A, %dma_start3A, %dma_start3A_13] : memref<32x80x128xi32, #tpu.memory_space<hbm>> -> memref<1x80x128xi32, #tpu.memory_space<hbm>>
      %dma_start3A_15 = tpu.memref_squeeze %dma_start3A_14 : memref<1x80x128xi32, #tpu.memory_space<hbm>> -> memref<80x128xi32, #tpu.memory_space<hbm>>
      %dma_start3A_16 = arith.constant 0 : i32
      %dma_start3A_17 = arith.constant 0 : i32
      %dma_start3A_18 = tpu.memref_slice %arg4[%add3A, %dma_start3A_16, %dma_start3A_17] : memref<32x80x128xi32, #tpu.memory_space<hbm>> -> memref<1x80x128xi32, #tpu.memory_space<hbm>>
      %dma_start3A_19 = tpu.memref_squeeze %dma_start3A_18 : memref<1x80x128xi32, #tpu.memory_space<hbm>> -> memref<80x128xi32, #tpu.memory_space<hbm>>
      tpu.enqueue_dma source(%dma_start3A_19 : memref<80x128xi32, #tpu.memory_space<hbm>>) target(%arg8 : memref<80x128xi32, #tpu.memory_space<vmem>>) target_semaphore(%run_scoped3A : memref<!tpu.dma_semaphore, #tpu.memory_space<semaphore_mem>>)
      %dma_wait3A = arith.constant 0 : i32
      %dma_wait3A_20 = arith.constant 0 : i32
      %dma_wait3A_21 = tpu.memref_slice %arg4[%add3A, %dma_wait3A, %dma_wait3A_20] : memref<32x80x128xi32, #tpu.memory_space<hbm>> -> memref<1x80x128xi32, #tpu.memory_space<hbm>>
      %dma_wait3A_22 = tpu.memref_squeeze %dma_wait3A_21 : memref<1x80x128xi32, #tpu.memory_space<hbm>> -> memref<80x128xi32, #tpu.memory_space<hbm>>
      %dma_wait3A_23 = arith.constant 0 : i32
      %dma_wait3A_24 = arith.constant 0 : i32
      %dma_wait3A_25 = tpu.memref_slice %arg4[%add3A, %dma_wait3A_23, %dma_wait3A_24] : memref<32x80x128xi32, #tpu.memory_space<hbm>> -> memref<1x80x128xi32, #tpu.memory_space<hbm>>
      %dma_wait3A_26 = tpu.memref_squeeze %dma_wait3A_25 : memref<1x80x128xi32, #tpu.memory_space<hbm>> -> memref<80x128xi32, #tpu.memory_space<hbm>>
      tpu.wait_dma2 semaphore(%run_scoped3A : memref<!tpu.dma_semaphore, #tpu.memory_space<semaphore_mem>>) src(%dma_wait3A_26 : memref<80x128xi32, #tpu.memory_space<hbm>>) dst(%arg8 : memref<80x128xi32, #tpu.memory_space<vmem>>)
      tpu.yield
    }) : () -> ()
    %mul3A_1 = arith.constant 640 : i32
    %mul3A_2 = arith.muli %arg1, %mul3A_1 : i32
    "tpu.region"() ({
      %run_scoped3A = tpu.sem_alloc : memref<!tpu.dma_semaphore, #tpu.memory_space<semaphore_mem>>
      %dma_start3A = arith.constant 0 : i32
      %dma_start3A_13 = tpu.memref_slice %arg10[%mul3A_2, %dma_start3A] : memref<10240x128xf32, #tpu.memory_space<vmem_shared>> -> memref<640x128xf32, #tpu.memory_space<vmem_shared>>
      tpu.enqueue_dma source(%arg5 : memref<640x128xf32, #tpu.memory_space<hbm>>) target(%dma_start3A_13 : memref<640x128xf32, #tpu.memory_space<vmem_shared>>) target_semaphore(%run_scoped3A : memref<!tpu.dma_semaphore, #tpu.memory_space<semaphore_mem>>)
      %dma_wait3A = arith.constant 0 : i32
      %dma_wait3A_14 = tpu.memref_slice %arg10[%mul3A_2, %dma_wait3A] : memref<10240x128xf32, #tpu.memory_space<vmem_shared>> -> memref<640x128xf32, #tpu.memory_space<vmem_shared>>
      tpu.wait_dma2 semaphore(%run_scoped3A : memref<!tpu.dma_semaphore, #tpu.memory_space<semaphore_mem>>) src(%arg5 : memref<640x128xf32, #tpu.memory_space<hbm>>) dst(%dma_wait3A_14 : memref<640x128xf32, #tpu.memory_space<vmem_shared>>)
      tpu.yield
    }) : () -> ()
    %barrier3A = arith.constant 0 : index
    tpu.barrier barrier_id(%barrier3A)
    %scan3A = arith.constant 0 : i32
    %scan3A_3 = arith.constant 0 : i32
    %scan3A_4 = arith.constant 80 : i32
    %scan3A_5 = arith.addi %scan3A_3, %scan3A_4 : i32
    %scan3A_6 = arith.constant 1 : i32
    scf.for %scan3A_13 = %scan3A_3 to %scan3A_5 step %scan3A_6  : i32 {
      "tpu.region"() ({
        %run_scoped3A = tpu.sem_alloc : memref<!tpu.dma_semaphore, #tpu.memory_space<semaphore_mem>>
        %dma_start3A = arith.constant 0 : i32
        %dma_start3A_14 = tpu.memref_slice %arg7[%scan3A_13, %dma_start3A] : memref<80x128xi32, #tpu.memory_space<vmem>> -> memref<1x128xi32, #tpu.memory_space<vmem>>
        %dma_start3A_15 = tpu.memref_squeeze %dma_start3A_14 : memref<1x128xi32, #tpu.memory_space<vmem>> -> memref<128xi32, #tpu.memory_space<vmem>>
        %dma_start3A_16 = arith.constant 0 : i32
        %dma_start3A_17 = arith.constant 0 : i32
        %dma_start3A_18 = tpu.memref_slice %arg2[%dma_start3A_16, %dma_start3A_17] : memref<10000x128xf32, #tpu.memory_space<hbm>> -> memref<10000x128xf32, #tpu.memory_space<hbm>>
        tpu.enqueue_indirect_dma source(%dma_start3A_18 : memref<10000x128xf32, #tpu.memory_space<hbm>>) target(%arg9 : memref<128x128xf32, #tpu.memory_space<vmem>>) offsets(%dma_start3A_15 : memref<128xi32, #tpu.memory_space<vmem>>) semaphore(%run_scoped3A : memref<!tpu.dma_semaphore, #tpu.memory_space<semaphore_mem>>)
        %dma_wait3A = arith.constant 0 : i32
        %dma_wait3A_19 = tpu.memref_slice %arg7[%scan3A_13, %dma_wait3A] : memref<80x128xi32, #tpu.memory_space<vmem>> -> memref<1x128xi32, #tpu.memory_space<vmem>>
        %dma_wait3A_20 = tpu.memref_squeeze %dma_wait3A_19 : memref<1x128xi32, #tpu.memory_space<vmem>> -> memref<128xi32, #tpu.memory_space<vmem>>
        %dma_wait3A_21 = arith.constant 0 : i32
        %dma_wait3A_22 = arith.constant 0 : i32
        %dma_wait3A_23 = tpu.memref_slice %arg2[%dma_wait3A_21, %dma_wait3A_22] : memref<10000x128xf32, #tpu.memory_space<hbm>> -> memref<10000x128xf32, #tpu.memory_space<hbm>>
        tpu.wait_indirect_dma semaphore(%run_scoped3A : memref<!tpu.dma_semaphore, #tpu.memory_space<semaphore_mem>>) src(%dma_wait3A_23 : memref<10000x128xf32, #tpu.memory_space<hbm>>) dst(%arg9 : memref<128x128xf32, #tpu.memory_space<vmem>>)
        tpu.yield
      }) : () -> ()
      "tpu.region"() ({
        %run_scoped3A = tpu.sem_alloc : memref<!tpu.dma_semaphore, #tpu.memory_space<semaphore_mem>>
        %dma_start3A = arith.constant 0 : i32
        %dma_start3A_14 = tpu.memref_slice %arg8[%scan3A_13, %dma_start3A] : memref<80x128xi32, #tpu.memory_space<vmem>> -> memref<1x128xi32, #tpu.memory_space<vmem>>
        %dma_start3A_15 = tpu.memref_squeeze %dma_start3A_14 : memref<1x128xi32, #tpu.memory_space<vmem>> -> memref<128xi32, #tpu.memory_space<vmem>>
        %dma_start3A_16 = arith.constant 0 : i32
        %dma_start3A_17 = arith.constant 0 : i32
        %dma_start3A_18 = tpu.memref_slice %arg10[%dma_start3A_16, %dma_start3A_17] : memref<10240x128xf32, #tpu.memory_space<vmem_shared>> -> memref<10240x128xf32, #tpu.memory_space<vmem_shared>>
        tpu.enqueue_indirect_dma source(%arg9 : memref<128x128xf32, #tpu.memory_space<vmem>>) target(%dma_start3A_18 : memref<10240x128xf32, #tpu.memory_space<vmem_shared>>) offsets(%dma_start3A_15 : memref<128xi32, #tpu.memory_space<vmem>>) semaphore(%run_scoped3A : memref<!tpu.dma_semaphore, #tpu.memory_space<semaphore_mem>>) {add = true}
        %dma_wait3A = arith.constant 0 : i32
        %dma_wait3A_19 = tpu.memref_slice %arg8[%scan3A_13, %dma_wait3A] : memref<80x128xi32, #tpu.memory_space<vmem>> -> memref<1x128xi32, #tpu.memory_space<vmem>>
        %dma_wait3A_20 = tpu.memref_squeeze %dma_wait3A_19 : memref<1x128xi32, #tpu.memory_space<vmem>> -> memref<128xi32, #tpu.memory_space<vmem>>
        %dma_wait3A_21 = arith.constant 0 : i32
        %dma_wait3A_22 = arith.constant 0 : i32
        %dma_wait3A_23 = tpu.memref_slice %arg10[%dma_wait3A_21, %dma_wait3A_22] : memref<10240x128xf32, #tpu.memory_space<vmem_shared>> -> memref<10240x128xf32, #tpu.memory_space<vmem_shared>>
        tpu.wait_indirect_dma semaphore(%run_scoped3A : memref<!tpu.dma_semaphore, #tpu.memory_space<semaphore_mem>>) src(%arg9 : memref<128x128xf32, #tpu.memory_space<vmem>>) dst(%dma_wait3A_23 : memref<10240x128xf32, #tpu.memory_space<vmem_shared>>)
        tpu.yield
      }) : () -> ()
    }
    %scan3A_7 = arith.constant 80 : i32
    %barrier3A_8 = arith.constant 0 : index
    tpu.barrier barrier_id(%barrier3A_8)
    %mul3A_9 = arith.constant 640 : i32
    %mul3A_10 = arith.muli %arg1, %mul3A_9 : i32
    %mul3A_11 = arith.constant 640 : i32
    %mul3A_12 = arith.muli %arg1, %mul3A_11 : i32
    "tpu.region"() ({
      %run_scoped3A = tpu.sem_alloc : memref<!tpu.dma_semaphore, #tpu.memory_space<semaphore_mem>>
      %dma_start3A = arith.constant 0 : i32
      %dma_start3A_13 = tpu.memref_slice %arg6[%arg0, %mul3A_12, %dma_start3A] : memref<2x10240x128xf32, #tpu.memory_space<hbm>> -> memref<1x640x128xf32, #tpu.memory_space<hbm>>
      %dma_start3A_14 = tpu.memref_squeeze %dma_start3A_13 : memref<1x640x128xf32, #tpu.memory_space<hbm>> -> memref<640x128xf32, #tpu.memory_space<hbm>>
      %dma_start3A_15 = arith.constant 0 : i32
      %dma_start3A_16 = tpu.memref_slice %arg10[%mul3A_10, %dma_start3A_15] : memref<10240x128xf32, #tpu.memory_space<vmem_shared>> -> memref<640x128xf32, #tpu.memory_space<vmem_shared>>
      tpu.enqueue_dma source(%dma_start3A_16 : memref<640x128xf32, #tpu.memory_space<vmem_shared>>) target(%dma_start3A_14 : memref<640x128xf32, #tpu.memory_space<hbm>>) target_semaphore(%run_scoped3A : memref<!tpu.dma_semaphore, #tpu.memory_space<semaphore_mem>>)
      %dma_wait3A = arith.constant 0 : i32
      %dma_wait3A_17 = tpu.memref_slice %arg6[%arg0, %mul3A_12, %dma_wait3A] : memref<2x10240x128xf32, #tpu.memory_space<hbm>> -> memref<1x640x128xf32, #tpu.memory_space<hbm>>
      %dma_wait3A_18 = tpu.memref_squeeze %dma_wait3A_17 : memref<1x640x128xf32, #tpu.memory_space<hbm>> -> memref<640x128xf32, #tpu.memory_space<hbm>>
      %dma_wait3A_19 = arith.constant 0 : i32
      %dma_wait3A_20 = tpu.memref_slice %arg10[%mul3A_10, %dma_wait3A_19] : memref<10240x128xf32, #tpu.memory_space<vmem_shared>> -> memref<640x128xf32, #tpu.memory_space<vmem_shared>>
      tpu.wait_dma2 semaphore(%run_scoped3A : memref<!tpu.dma_semaphore, #tpu.memory_space<semaphore_mem>>) src(%dma_wait3A_20 : memref<640x128xf32, #tpu.memory_space<vmem_shared>>) dst(%dma_wait3A_18 : memref<640x128xf32, #tpu.memory_space<hbm>>)
      tpu.yield
    }) : () -> ()
    return
  }
}

#map = affine_map<(d0, d1) -> (0, 0)>
#map1 = affine_map<(d0, d1) -> (0, 0, 0)>
module attributes {stable_mosaic.version = 14 : i64} {
  func.func @_sc_scatter(%arg0: i32, %arg1: i32, %arg2: memref<10000x128xf32, #tpu.memory_space<hbm>>, %arg3: memref<32x80x128xi32, #tpu.memory_space<hbm>>, %arg4: memref<32x80x128xi32, #tpu.memory_space<hbm>>, %arg5: memref<640x128xf32, #tpu.memory_space<hbm>>, %arg6: memref<2x10240x128xf32, #tpu.memory_space<hbm>>, %arg7: memref<80x128xi32, #tpu.memory_space<vmem>>, %arg8: memref<80x128xi32, #tpu.memory_space<vmem>>, %arg9: memref<128x128xf32, #tpu.memory_space<vmem>>, %arg10: memref<10240x128xf32, #tpu.memory_space<vmem_shared>>) attributes {dimension_semantics = [#tpu.dimension_semantics<core_parallel>, #tpu.dimension_semantics<subcore_parallel>], iteration_bounds = array<i64: 2, 16>, scalar_prefetch = 0 : i64, scratch_operands = 4 : i64, tpu.core_type = #tpu.core_type<sc_vector_subcore>, window_params = [{transform_indices = #map}, {transform_indices = #map1}, {transform_indices = #map1}, {transform_indices = #map}, {transform_indices = #map1}]} {
    %mul3A = arith.constant 16 : i32
    %mul3A_0 = arith.muli %arg0, %mul3A : i32
    %add3A = arith.addi %mul3A_0, %arg1 : i32
    "tpu.region"() ({
      %run_scoped3A = tpu.sem_alloc : memref<!tpu.dma_semaphore, #tpu.memory_space<semaphore_mem>>
      %dma_start3A = arith.constant 0 : i32
      %dma_start3A_13 = arith.constant 0 : i32
      %dma_start3A_14 = tpu.memref_slice %arg3[%add3A, %dma_start3A, %dma_start3A_13] : memref<32x80x128xi32, #tpu.memory_space<hbm>> -> memref<1x80x128xi32, #tpu.memory_space<hbm>>
      %dma_start3A_15 = tpu.memref_squeeze %dma_start3A_14 : memref<1x80x128xi32, #tpu.memory_space<hbm>> -> memref<80x128xi32, #tpu.memory_space<hbm>>
      %dma_start3A_16 = arith.constant 0 : i32
      %dma_start3A_17 = arith.constant 0 : i32
      %dma_start3A_18 = tpu.memref_slice %arg3[%add3A, %dma_start3A_16, %dma_start3A_17] : memref<32x80x128xi32, #tpu.memory_space<hbm>> -> memref<1x80x128xi32, #tpu.memory_space<hbm>>
      %dma_start3A_19 = tpu.memref_squeeze %dma_start3A_18 : memref<1x80x128xi32, #tpu.memory_space<hbm>> -> memref<80x128xi32, #tpu.memory_space<hbm>>
      tpu.enqueue_dma source(%dma_start3A_19 : memref<80x128xi32, #tpu.memory_space<hbm>>) target(%arg7 : memref<80x128xi32, #tpu.memory_space<vmem>>) target_semaphore(%run_scoped3A : memref<!tpu.dma_semaphore, #tpu.memory_space<semaphore_mem>>)
      %dma_wait3A = arith.constant 0 : i32
      %dma_wait3A_20 = arith.constant 0 : i32
      %dma_wait3A_21 = tpu.memref_slice %arg3[%add3A, %dma_wait3A, %dma_wait3A_20] : memref<32x80x128xi32, #tpu.memory_space<hbm>> -> memref<1x80x128xi32, #tpu.memory_space<hbm>>
      %dma_wait3A_22 = tpu.memref_squeeze %dma_wait3A_21 : memref<1x80x128xi32, #tpu.memory_space<hbm>> -> memref<80x128xi32, #tpu.memory_space<hbm>>
      %dma_wait3A_23 = arith.constant 0 : i32
      %dma_wait3A_24 = arith.constant 0 : i32
      %dma_wait3A_25 = tpu.memref_slice %arg3[%add3A, %dma_wait3A_23, %dma_wait3A_24] : memref<32x80x128xi32, #tpu.memory_space<hbm>> -> memref<1x80x128xi32, #tpu.memory_space<hbm>>
      %dma_wait3A_26 = tpu.memref_squeeze %dma_wait3A_25 : memref<1x80x128xi32, #tpu.memory_space<hbm>> -> memref<80x128xi32, #tpu.memory_space<hbm>>
      tpu.wait_dma2 semaphore(%run_scoped3A : memref<!tpu.dma_semaphore, #tpu.memory_space<semaphore_mem>>) src(%dma_wait3A_26 : memref<80x128xi32, #tpu.memory_space<hbm>>) dst(%arg7 : memref<80x128xi32, #tpu.memory_space<vmem>>)
      tpu.yield
    }) : () -> ()
    "tpu.region"() ({
      %run_scoped3A = tpu.sem_alloc : memref<!tpu.dma_semaphore, #tpu.memory_space<semaphore_mem>>
      %dma_start3A = arith.constant 0 : i32
      %dma_start3A_13 = arith.constant 0 : i32
      %dma_start3A_14 = tpu.memref_slice %arg4[%add3A, %dma_start3A, %dma_start3A_13] : memref<32x80x128xi32, #tpu.memory_space<hbm>> -> memref<1x80x128xi32, #tpu.memory_space<hbm>>
      %dma_start3A_15 = tpu.memref_squeeze %dma_start3A_14 : memref<1x80x128xi32, #tpu.memory_space<hbm>> -> memref<80x128xi32, #tpu.memory_space<hbm>>
      %dma_start3A_16 = arith.constant 0 : i32
      %dma_start3A_17 = arith.constant 0 : i32
      %dma_start3A_18 = tpu.memref_slice %arg4[%add3A, %dma_start3A_16, %dma_start3A_17] : memref<32x80x128xi32, #tpu.memory_space<hbm>> -> memref<1x80x128xi32, #tpu.memory_space<hbm>>
      %dma_start3A_19 = tpu.memref_squeeze %dma_start3A_18 : memref<1x80x128xi32, #tpu.memory_space<hbm>> -> memref<80x128xi32, #tpu.memory_space<hbm>>
      tpu.enqueue_dma source(%dma_start3A_19 : memref<80x128xi32, #tpu.memory_space<hbm>>) target(%arg8 : memref<80x128xi32, #tpu.memory_space<vmem>>) target_semaphore(%run_scoped3A : memref<!tpu.dma_semaphore, #tpu.memory_space<semaphore_mem>>)
      %dma_wait3A = arith.constant 0 : i32
      %dma_wait3A_20 = arith.constant 0 : i32
      %dma_wait3A_21 = tpu.memref_slice %arg4[%add3A, %dma_wait3A, %dma_wait3A_20] : memref<32x80x128xi32, #tpu.memory_space<hbm>> -> memref<1x80x128xi32, #tpu.memory_space<hbm>>
      %dma_wait3A_22 = tpu.memref_squeeze %dma_wait3A_21 : memref<1x80x128xi32, #tpu.memory_space<hbm>> -> memref<80x128xi32, #tpu.memory_space<hbm>>
      %dma_wait3A_23 = arith.constant 0 : i32
      %dma_wait3A_24 = arith.constant 0 : i32
      %dma_wait3A_25 = tpu.memref_slice %arg4[%add3A, %dma_wait3A_23, %dma_wait3A_24] : memref<32x80x128xi32, #tpu.memory_space<hbm>> -> memref<1x80x128xi32, #tpu.memory_space<hbm>>
      %dma_wait3A_26 = tpu.memref_squeeze %dma_wait3A_25 : memref<1x80x128xi32, #tpu.memory_space<hbm>> -> memref<80x128xi32, #tpu.memory_space<hbm>>
      tpu.wait_dma2 semaphore(%run_scoped3A : memref<!tpu.dma_semaphore, #tpu.memory_space<semaphore_mem>>) src(%dma_wait3A_26 : memref<80x128xi32, #tpu.memory_space<hbm>>) dst(%arg8 : memref<80x128xi32, #tpu.memory_space<vmem>>)
      tpu.yield
    }) : () -> ()
    %mul3A_1 = arith.constant 640 : i32
    %mul3A_2 = arith.muli %arg1, %mul3A_1 : i32
    "tpu.region"() ({
      %run_scoped3A = tpu.sem_alloc : memref<!tpu.dma_semaphore, #tpu.memory_space<semaphore_mem>>
      %dma_start3A = arith.constant 0 : i32
      %dma_start3A_13 = tpu.memref_slice %arg10[%mul3A_2, %dma_start3A] : memref<10240x128xf32, #tpu.memory_space<vmem_shared>> -> memref<640x128xf32, #tpu.memory_space<vmem_shared>>
      tpu.enqueue_dma source(%arg5 : memref<640x128xf32, #tpu.memory_space<hbm>>) target(%dma_start3A_13 : memref<640x128xf32, #tpu.memory_space<vmem_shared>>) target_semaphore(%run_scoped3A : memref<!tpu.dma_semaphore, #tpu.memory_space<semaphore_mem>>)
      %dma_wait3A = arith.constant 0 : i32
      %dma_wait3A_14 = tpu.memref_slice %arg10[%mul3A_2, %dma_wait3A] : memref<10240x128xf32, #tpu.memory_space<vmem_shared>> -> memref<640x128xf32, #tpu.memory_space<vmem_shared>>
      tpu.wait_dma2 semaphore(%run_scoped3A : memref<!tpu.dma_semaphore, #tpu.memory_space<semaphore_mem>>) src(%arg5 : memref<640x128xf32, #tpu.memory_space<hbm>>) dst(%dma_wait3A_14 : memref<640x128xf32, #tpu.memory_space<vmem_shared>>)
      tpu.yield
    }) : () -> ()
    %barrier3A = arith.constant 0 : index
    tpu.barrier barrier_id(%barrier3A)
    %scan3A = arith.constant 0 : i32
    %scan3A_3 = arith.constant 0 : i32
    %scan3A_4 = arith.constant 80 : i32
    %scan3A_5 = arith.addi %scan3A_3, %scan3A_4 : i32
    %scan3A_6 = arith.constant 1 : i32
    scf.for %scan3A_13 = %scan3A_3 to %scan3A_5 step %scan3A_6  : i32 {
      "tpu.region"() ({
        %run_scoped3A = tpu.sem_alloc : memref<!tpu.dma_semaphore, #tpu.memory_space<semaphore_mem>>
        %dma_start3A = arith.constant 0 : i32
        %dma_start3A_14 = tpu.memref_slice %arg7[%scan3A_13, %dma_start3A] : memref<80x128xi32, #tpu.memory_space<vmem>> -> memref<1x128xi32, #tpu.memory_space<vmem>>
        %dma_start3A_15 = tpu.memref_squeeze %dma_start3A_14 : memref<1x128xi32, #tpu.memory_space<vmem>> -> memref<128xi32, #tpu.memory_space<vmem>>
        %dma_start3A_16 = arith.constant 0 : i32
        %dma_start3A_17 = arith.constant 0 : i32
        %dma_start3A_18 = tpu.memref_slice %arg2[%dma_start3A_16, %dma_start3A_17] : memref<10000x128xf32, #tpu.memory_space<hbm>> -> memref<10000x128xf32, #tpu.memory_space<hbm>>
        tpu.enqueue_indirect_dma source(%dma_start3A_18 : memref<10000x128xf32, #tpu.memory_space<hbm>>) target(%arg9 : memref<128x128xf32, #tpu.memory_space<vmem>>) offsets(%dma_start3A_15 : memref<128xi32, #tpu.memory_space<vmem>>) semaphore(%run_scoped3A : memref<!tpu.dma_semaphore, #tpu.memory_space<semaphore_mem>>)
        %dma_wait3A = arith.constant 0 : i32
        %dma_wait3A_19 = tpu.memref_slice %arg7[%scan3A_13, %dma_wait3A] : memref<80x128xi32, #tpu.memory_space<vmem>> -> memref<1x128xi32, #tpu.memory_space<vmem>>
        %dma_wait3A_20 = tpu.memref_squeeze %dma_wait3A_19 : memref<1x128xi32, #tpu.memory_space<vmem>> -> memref<128xi32, #tpu.memory_space<vmem>>
        %dma_wait3A_21 = arith.constant 0 : i32
        %dma_wait3A_22 = arith.constant 0 : i32
        %dma_wait3A_23 = tpu.memref_slice %arg2[%dma_wait3A_21, %dma_wait3A_22] : memref<10000x128xf32, #tpu.memory_space<hbm>> -> memref<10000x128xf32, #tpu.memory_space<hbm>>
        tpu.wait_indirect_dma semaphore(%run_scoped3A : memref<!tpu.dma_semaphore, #tpu.memory_space<semaphore_mem>>) src(%dma_wait3A_23 : memref<10000x128xf32, #tpu.memory_space<hbm>>) dst(%arg9 : memref<128x128xf32, #tpu.memory_space<vmem>>)
        tpu.yield
      }) : () -> ()
      "tpu.region"() ({
        %run_scoped3A = tpu.sem_alloc : memref<!tpu.dma_semaphore, #tpu.memory_space<semaphore_mem>>
        %dma_start3A = arith.constant 0 : i32
        %dma_start3A_14 = tpu.memref_slice %arg8[%scan3A_13, %dma_start3A] : memref<80x128xi32, #tpu.memory_space<vmem>> -> memref<1x128xi32, #tpu.memory_space<vmem>>
        %dma_start3A_15 = tpu.memref_squeeze %dma_start3A_14 : memref<1x128xi32, #tpu.memory_space<vmem>> -> memref<128xi32, #tpu.memory_space<vmem>>
        %dma_start3A_16 = arith.constant 0 : i32
        %dma_start3A_17 = arith.constant 0 : i32
        %dma_start3A_18 = tpu.memref_slice %arg10[%dma_start3A_16, %dma_start3A_17] : memref<10240x128xf32, #tpu.memory_space<vmem_shared>> -> memref<10240x128xf32, #tpu.memory_space<vmem_shared>>
        tpu.enqueue_indirect_dma source(%arg9 : memref<128x128xf32, #tpu.memory_space<vmem>>) target(%dma_start3A_18 : memref<10240x128xf32, #tpu.memory_space<vmem_shared>>) offsets(%dma_start3A_15 : memref<128xi32, #tpu.memory_space<vmem>>) semaphore(%run_scoped3A : memref<!tpu.dma_semaphore, #tpu.memory_space<semaphore_mem>>) {add = true}
        %dma_wait3A = arith.constant 0 : i32
        %dma_wait3A_19 = tpu.memref_slice %arg8[%scan3A_13, %dma_wait3A] : memref<80x128xi32, #tpu.memory_space<vmem>> -> memref<1x128xi32, #tpu.memory_space<vmem>>
        %dma_wait3A_20 = tpu.memref_squeeze %dma_wait3A_19 : memref<1x128xi32, #tpu.memory_space<vmem>> -> memref<128xi32, #tpu.memory_space<vmem>>
        %dma_wait3A_21 = arith.constant 0 : i32
        %dma_wait3A_22 = arith.constant 0 : i32
        %dma_wait3A_23 = tpu.memref_slice %arg10[%dma_wait3A_21, %dma_wait3A_22] : memref<10240x128xf32, #tpu.memory_space<vmem_shared>> -> memref<10240x128xf32, #tpu.memory_space<vmem_shared>>
        tpu.wait_indirect_dma semaphore(%run_scoped3A : memref<!tpu.dma_semaphore, #tpu.memory_space<semaphore_mem>>) src(%arg9 : memref<128x128xf32, #tpu.memory_space<vmem>>) dst(%dma_wait3A_23 : memref<10240x128xf32, #tpu.memory_space<vmem_shared>>)
        tpu.yield
      }) : () -> ()
    }
    %scan3A_7 = arith.constant 80 : i32
    %barrier3A_8 = arith.constant 0 : index
    tpu.barrier barrier_id(%barrier3A_8)
    %mul3A_9 = arith.constant 640 : i32
    %mul3A_10 = arith.muli %arg1, %mul3A_9 : i32
    %mul3A_11 = arith.constant 640 : i32
    %mul3A_12 = arith.muli %arg1, %mul3A_11 : i32
    "tpu.region"() ({
      %run_scoped3A = tpu.sem_alloc : memref<!tpu.dma_semaphore, #tpu.memory_space<semaphore_mem>>
      %dma_start3A = arith.constant 0 : i32
      %dma_start3A_13 = tpu.memref_slice %arg6[%arg0, %mul3A_12, %dma_start3A] : memref<2x10240x128xf32, #tpu.memory_space<hbm>> -> memref<1x640x128xf32, #tpu.memory_space<hbm>>
      %dma_start3A_14 = tpu.memref_squeeze %dma_start3A_13 : memref<1x640x128xf32, #tpu.memory_space<hbm>> -> memref<640x128xf32, #tpu.memory_space<hbm>>
      %dma_start3A_15 = arith.constant 0 : i32
      %dma_start3A_16 = tpu.memref_slice %arg10[%mul3A_10, %dma_start3A_15] : memref<10240x128xf32, #tpu.memory_space<vmem_shared>> -> memref<640x128xf32, #tpu.memory_space<vmem_shared>>
      tpu.enqueue_dma source(%dma_start3A_16 : memref<640x128xf32, #tpu.memory_space<vmem_shared>>) target(%dma_start3A_14 : memref<640x128xf32, #tpu.memory_space<hbm>>) target_semaphore(%run_scoped3A : memref<!tpu.dma_semaphore, #tpu.memory_space<semaphore_mem>>)
      %dma_wait3A = arith.constant 0 : i32
      %dma_wait3A_17 = tpu.memref_slice %arg6[%arg0, %mul3A_12, %dma_wait3A] : memref<2x10240x128xf32, #tpu.memory_space<hbm>> -> memref<1x640x128xf32, #tpu.memory_space<hbm>>
      %dma_wait3A_18 = tpu.memref_squeeze %dma_wait3A_17 : memref<1x640x128xf32, #tpu.memory_space<hbm>> -> memref<640x128xf32, #tpu.memory_space<hbm>>
      %dma_wait3A_19 = arith.constant 0 : i32
      %dma_wait3A_20 = tpu.memref_slice %arg10[%mul3A_10, %dma_wait3A_19] : memref<10240x128xf32, #tpu.memory_space<vmem_shared>> -> memref<640x128xf32, #tpu.memory_space<vmem_shared>>
      tpu.wait_dma2 semaphore(%run_scoped3A : memref<!tpu.dma_semaphore, #tpu.memory_space<semaphore_mem>>) src(%dma_wait3A_20 : memref<640x128xf32, #tpu.memory_space<vmem_shared>>) dst(%dma_wait3A_18 : memref<640x128xf32, #tpu.memory_space<hbm>>)
      tpu.yield
    }) : () -> ()
    return
  }
}

#map = affine_map<(d0, d1) -> (0, 0)>
#map1 = affine_map<(d0, d1) -> (0, 0, 0)>
module attributes {stable_mosaic.version = 14 : i64} {
  func.func @_sc_scatter(%arg0: i32, %arg1: i32, %arg2: memref<10000x128xf32, #tpu.memory_space<hbm>>, %arg3: memref<32x80x128xi32, #tpu.memory_space<hbm>>, %arg4: memref<32x80x128xi32, #tpu.memory_space<hbm>>, %arg5: memref<640x128xf32, #tpu.memory_space<hbm>>, %arg6: memref<2x10240x128xf32, #tpu.memory_space<hbm>>, %arg7: memref<80x128xi32, #tpu.memory_space<vmem>>, %arg8: memref<80x128xi32, #tpu.memory_space<vmem>>, %arg9: memref<128x128xf32, #tpu.memory_space<vmem>>, %arg10: memref<10240x128xf32, #tpu.memory_space<vmem_shared>>) attributes {dimension_semantics = [#tpu.dimension_semantics<core_parallel>, #tpu.dimension_semantics<subcore_parallel>], iteration_bounds = array<i64: 2, 16>, scalar_prefetch = 0 : i64, scratch_operands = 4 : i64, tpu.core_type = #tpu.core_type<sc_vector_subcore>, window_params = [{transform_indices = #map}, {transform_indices = #map1}, {transform_indices = #map1}, {transform_indices = #map}, {transform_indices = #map1}]} {
    %mul3A = arith.constant 16 : i32
    %mul3A_0 = arith.muli %arg0, %mul3A : i32
    %add3A = arith.addi %mul3A_0, %arg1 : i32
    "tpu.region"() ({
      %run_scoped3A = tpu.sem_alloc : memref<!tpu.dma_semaphore, #tpu.memory_space<semaphore_mem>>
      %dma_start3A = arith.constant 0 : i32
      %dma_start3A_13 = arith.constant 0 : i32
      %dma_start3A_14 = tpu.memref_slice %arg3[%add3A, %dma_start3A, %dma_start3A_13] : memref<32x80x128xi32, #tpu.memory_space<hbm>> -> memref<1x80x128xi32, #tpu.memory_space<hbm>>
      %dma_start3A_15 = tpu.memref_squeeze %dma_start3A_14 : memref<1x80x128xi32, #tpu.memory_space<hbm>> -> memref<80x128xi32, #tpu.memory_space<hbm>>
      %dma_start3A_16 = arith.constant 0 : i32
      %dma_start3A_17 = arith.constant 0 : i32
      %dma_start3A_18 = tpu.memref_slice %arg3[%add3A, %dma_start3A_16, %dma_start3A_17] : memref<32x80x128xi32, #tpu.memory_space<hbm>> -> memref<1x80x128xi32, #tpu.memory_space<hbm>>
      %dma_start3A_19 = tpu.memref_squeeze %dma_start3A_18 : memref<1x80x128xi32, #tpu.memory_space<hbm>> -> memref<80x128xi32, #tpu.memory_space<hbm>>
      tpu.enqueue_dma source(%dma_start3A_19 : memref<80x128xi32, #tpu.memory_space<hbm>>) target(%arg7 : memref<80x128xi32, #tpu.memory_space<vmem>>) target_semaphore(%run_scoped3A : memref<!tpu.dma_semaphore, #tpu.memory_space<semaphore_mem>>)
      %dma_wait3A = arith.constant 0 : i32
      %dma_wait3A_20 = arith.constant 0 : i32
      %dma_wait3A_21 = tpu.memref_slice %arg3[%add3A, %dma_wait3A, %dma_wait3A_20] : memref<32x80x128xi32, #tpu.memory_space<hbm>> -> memref<1x80x128xi32, #tpu.memory_space<hbm>>
      %dma_wait3A_22 = tpu.memref_squeeze %dma_wait3A_21 : memref<1x80x128xi32, #tpu.memory_space<hbm>> -> memref<80x128xi32, #tpu.memory_space<hbm>>
      %dma_wait3A_23 = arith.constant 0 : i32
      %dma_wait3A_24 = arith.constant 0 : i32
      %dma_wait3A_25 = tpu.memref_slice %arg3[%add3A, %dma_wait3A_23, %dma_wait3A_24] : memref<32x80x128xi32, #tpu.memory_space<hbm>> -> memref<1x80x128xi32, #tpu.memory_space<hbm>>
      %dma_wait3A_26 = tpu.memref_squeeze %dma_wait3A_25 : memref<1x80x128xi32, #tpu.memory_space<hbm>> -> memref<80x128xi32, #tpu.memory_space<hbm>>
      tpu.wait_dma2 semaphore(%run_scoped3A : memref<!tpu.dma_semaphore, #tpu.memory_space<semaphore_mem>>) src(%dma_wait3A_26 : memref<80x128xi32, #tpu.memory_space<hbm>>) dst(%arg7 : memref<80x128xi32, #tpu.memory_space<vmem>>)
      tpu.yield
    }) : () -> ()
    "tpu.region"() ({
      %run_scoped3A = tpu.sem_alloc : memref<!tpu.dma_semaphore, #tpu.memory_space<semaphore_mem>>
      %dma_start3A = arith.constant 0 : i32
      %dma_start3A_13 = arith.constant 0 : i32
      %dma_start3A_14 = tpu.memref_slice %arg4[%add3A, %dma_start3A, %dma_start3A_13] : memref<32x80x128xi32, #tpu.memory_space<hbm>> -> memref<1x80x128xi32, #tpu.memory_space<hbm>>
      %dma_start3A_15 = tpu.memref_squeeze %dma_start3A_14 : memref<1x80x128xi32, #tpu.memory_space<hbm>> -> memref<80x128xi32, #tpu.memory_space<hbm>>
      %dma_start3A_16 = arith.constant 0 : i32
      %dma_start3A_17 = arith.constant 0 : i32
      %dma_start3A_18 = tpu.memref_slice %arg4[%add3A, %dma_start3A_16, %dma_start3A_17] : memref<32x80x128xi32, #tpu.memory_space<hbm>> -> memref<1x80x128xi32, #tpu.memory_space<hbm>>
      %dma_start3A_19 = tpu.memref_squeeze %dma_start3A_18 : memref<1x80x128xi32, #tpu.memory_space<hbm>> -> memref<80x128xi32, #tpu.memory_space<hbm>>
      tpu.enqueue_dma source(%dma_start3A_19 : memref<80x128xi32, #tpu.memory_space<hbm>>) target(%arg8 : memref<80x128xi32, #tpu.memory_space<vmem>>) target_semaphore(%run_scoped3A : memref<!tpu.dma_semaphore, #tpu.memory_space<semaphore_mem>>)
      %dma_wait3A = arith.constant 0 : i32
      %dma_wait3A_20 = arith.constant 0 : i32
      %dma_wait3A_21 = tpu.memref_slice %arg4[%add3A, %dma_wait3A, %dma_wait3A_20] : memref<32x80x128xi32, #tpu.memory_space<hbm>> -> memref<1x80x128xi32, #tpu.memory_space<hbm>>
      %dma_wait3A_22 = tpu.memref_squeeze %dma_wait3A_21 : memref<1x80x128xi32, #tpu.memory_space<hbm>> -> memref<80x128xi32, #tpu.memory_space<hbm>>
      %dma_wait3A_23 = arith.constant 0 : i32
      %dma_wait3A_24 = arith.constant 0 : i32
      %dma_wait3A_25 = tpu.memref_slice %arg4[%add3A, %dma_wait3A_23, %dma_wait3A_24] : memref<32x80x128xi32, #tpu.memory_space<hbm>> -> memref<1x80x128xi32, #tpu.memory_space<hbm>>
      %dma_wait3A_26 = tpu.memref_squeeze %dma_wait3A_25 : memref<1x80x128xi32, #tpu.memory_space<hbm>> -> memref<80x128xi32, #tpu.memory_space<hbm>>
      tpu.wait_dma2 semaphore(%run_scoped3A : memref<!tpu.dma_semaphore, #tpu.memory_space<semaphore_mem>>) src(%dma_wait3A_26 : memref<80x128xi32, #tpu.memory_space<hbm>>) dst(%arg8 : memref<80x128xi32, #tpu.memory_space<vmem>>)
      tpu.yield
    }) : () -> ()
    %mul3A_1 = arith.constant 640 : i32
    %mul3A_2 = arith.muli %arg1, %mul3A_1 : i32
    "tpu.region"() ({
      %run_scoped3A = tpu.sem_alloc : memref<!tpu.dma_semaphore, #tpu.memory_space<semaphore_mem>>
      %dma_start3A = arith.constant 0 : i32
      %dma_start3A_13 = tpu.memref_slice %arg10[%mul3A_2, %dma_start3A] : memref<10240x128xf32, #tpu.memory_space<vmem_shared>> -> memref<640x128xf32, #tpu.memory_space<vmem_shared>>
      tpu.enqueue_dma source(%arg5 : memref<640x128xf32, #tpu.memory_space<hbm>>) target(%dma_start3A_13 : memref<640x128xf32, #tpu.memory_space<vmem_shared>>) target_semaphore(%run_scoped3A : memref<!tpu.dma_semaphore, #tpu.memory_space<semaphore_mem>>)
      %dma_wait3A = arith.constant 0 : i32
      %dma_wait3A_14 = tpu.memref_slice %arg10[%mul3A_2, %dma_wait3A] : memref<10240x128xf32, #tpu.memory_space<vmem_shared>> -> memref<640x128xf32, #tpu.memory_space<vmem_shared>>
      tpu.wait_dma2 semaphore(%run_scoped3A : memref<!tpu.dma_semaphore, #tpu.memory_space<semaphore_mem>>) src(%arg5 : memref<640x128xf32, #tpu.memory_space<hbm>>) dst(%dma_wait3A_14 : memref<640x128xf32, #tpu.memory_space<vmem_shared>>)
      tpu.yield
    }) : () -> ()
    %barrier3A = arith.constant 0 : index
    tpu.barrier barrier_id(%barrier3A)
    %scan3A = arith.constant 0 : i32
    %scan3A_3 = arith.constant 0 : i32
    %scan3A_4 = arith.constant 80 : i32
    %scan3A_5 = arith.addi %scan3A_3, %scan3A_4 : i32
    %scan3A_6 = arith.constant 1 : i32
    scf.for %scan3A_13 = %scan3A_3 to %scan3A_5 step %scan3A_6  : i32 {
      "tpu.region"() ({
        %run_scoped3A = tpu.sem_alloc : memref<!tpu.dma_semaphore, #tpu.memory_space<semaphore_mem>>
        %dma_start3A = arith.constant 0 : i32
        %dma_start3A_14 = tpu.memref_slice %arg7[%scan3A_13, %dma_start3A] : memref<80x128xi32, #tpu.memory_space<vmem>> -> memref<1x128xi32, #tpu.memory_space<vmem>>
        %dma_start3A_15 = tpu.memref_squeeze %dma_start3A_14 : memref<1x128xi32, #tpu.memory_space<vmem>> -> memref<128xi32, #tpu.memory_space<vmem>>
        %dma_start3A_16 = arith.constant 0 : i32
        %dma_start3A_17 = arith.constant 0 : i32
        %dma_start3A_18 = tpu.memref_slice %arg2[%dma_start3A_16, %dma_start3A_17] : memref<10000x128xf32, #tpu.memory_space<hbm>> -> memref<10000x128xf32, #tpu.memory_space<hbm>>
        tpu.enqueue_indirect_dma source(%dma_start3A_18 : memref<10000x128xf32, #tpu.memory_space<hbm>>) target(%arg9 : memref<128x128xf32, #tpu.memory_space<vmem>>) offsets(%dma_start3A_15 : memref<128xi32, #tpu.memory_space<vmem>>) semaphore(%run_scoped3A : memref<!tpu.dma_semaphore, #tpu.memory_space<semaphore_mem>>)
        %dma_wait3A = arith.constant 0 : i32
        %dma_wait3A_19 = tpu.memref_slice %arg7[%scan3A_13, %dma_wait3A] : memref<80x128xi32, #tpu.memory_space<vmem>> -> memref<1x128xi32, #tpu.memory_space<vmem>>
        %dma_wait3A_20 = tpu.memref_squeeze %dma_wait3A_19 : memref<1x128xi32, #tpu.memory_space<vmem>> -> memref<128xi32, #tpu.memory_space<vmem>>
        %dma_wait3A_21 = arith.constant 0 : i32
        %dma_wait3A_22 = arith.constant 0 : i32
        %dma_wait3A_23 = tpu.memref_slice %arg2[%dma_wait3A_21, %dma_wait3A_22] : memref<10000x128xf32, #tpu.memory_space<hbm>> -> memref<10000x128xf32, #tpu.memory_space<hbm>>
        tpu.wait_indirect_dma semaphore(%run_scoped3A : memref<!tpu.dma_semaphore, #tpu.memory_space<semaphore_mem>>) src(%dma_wait3A_23 : memref<10000x128xf32, #tpu.memory_space<hbm>>) dst(%arg9 : memref<128x128xf32, #tpu.memory_space<vmem>>)
        tpu.yield
      }) : () -> ()
      "tpu.region"() ({
        %run_scoped3A = tpu.sem_alloc : memref<!tpu.dma_semaphore, #tpu.memory_space<semaphore_mem>>
        %dma_start3A = arith.constant 0 : i32
        %dma_start3A_14 = tpu.memref_slice %arg8[%scan3A_13, %dma_start3A] : memref<80x128xi32, #tpu.memory_space<vmem>> -> memref<1x128xi32, #tpu.memory_space<vmem>>
        %dma_start3A_15 = tpu.memref_squeeze %dma_start3A_14 : memref<1x128xi32, #tpu.memory_space<vmem>> -> memref<128xi32, #tpu.memory_space<vmem>>
        %dma_start3A_16 = arith.constant 0 : i32
        %dma_start3A_17 = arith.constant 0 : i32
        %dma_start3A_18 = tpu.memref_slice %arg10[%dma_start3A_16, %dma_start3A_17] : memref<10240x128xf32, #tpu.memory_space<vmem_shared>> -> memref<10240x128xf32, #tpu.memory_space<vmem_shared>>
        tpu.enqueue_indirect_dma source(%arg9 : memref<128x128xf32, #tpu.memory_space<vmem>>) target(%dma_start3A_18 : memref<10240x128xf32, #tpu.memory_space<vmem_shared>>) offsets(%dma_start3A_15 : memref<128xi32, #tpu.memory_space<vmem>>) semaphore(%run_scoped3A : memref<!tpu.dma_semaphore, #tpu.memory_space<semaphore_mem>>) {add = true}
        %dma_wait3A = arith.constant 0 : i32
        %dma_wait3A_19 = tpu.memref_slice %arg8[%scan3A_13, %dma_wait3A] : memref<80x128xi32, #tpu.memory_space<vmem>> -> memref<1x128xi32, #tpu.memory_space<vmem>>
        %dma_wait3A_20 = tpu.memref_squeeze %dma_wait3A_19 : memref<1x128xi32, #tpu.memory_space<vmem>> -> memref<128xi32, #tpu.memory_space<vmem>>
        %dma_wait3A_21 = arith.constant 0 : i32
        %dma_wait3A_22 = arith.constant 0 : i32
        %dma_wait3A_23 = tpu.memref_slice %arg10[%dma_wait3A_21, %dma_wait3A_22] : memref<10240x128xf32, #tpu.memory_space<vmem_shared>> -> memref<10240x128xf32, #tpu.memory_space<vmem_shared>>
        tpu.wait_indirect_dma semaphore(%run_scoped3A : memref<!tpu.dma_semaphore, #tpu.memory_space<semaphore_mem>>) src(%arg9 : memref<128x128xf32, #tpu.memory_space<vmem>>) dst(%dma_wait3A_23 : memref<10240x128xf32, #tpu.memory_space<vmem_shared>>)
        tpu.yield
      }) : () -> ()
    }
    %scan3A_7 = arith.constant 80 : i32
    %barrier3A_8 = arith.constant 0 : index
    tpu.barrier barrier_id(%barrier3A_8)
    %mul3A_9 = arith.constant 640 : i32
    %mul3A_10 = arith.muli %arg1, %mul3A_9 : i32
    %mul3A_11 = arith.constant 640 : i32
    %mul3A_12 = arith.muli %arg1, %mul3A_11 : i32
    "tpu.region"() ({
      %run_scoped3A = tpu.sem_alloc : memref<!tpu.dma_semaphore, #tpu.memory_space<semaphore_mem>>
      %dma_start3A = arith.constant 0 : i32
      %dma_start3A_13 = tpu.memref_slice %arg6[%arg0, %mul3A_12, %dma_start3A] : memref<2x10240x128xf32, #tpu.memory_space<hbm>> -> memref<1x640x128xf32, #tpu.memory_space<hbm>>
      %dma_start3A_14 = tpu.memref_squeeze %dma_start3A_13 : memref<1x640x128xf32, #tpu.memory_space<hbm>> -> memref<640x128xf32, #tpu.memory_space<hbm>>
      %dma_start3A_15 = arith.constant 0 : i32
      %dma_start3A_16 = tpu.memref_slice %arg10[%mul3A_10, %dma_start3A_15] : memref<10240x128xf32, #tpu.memory_space<vmem_shared>> -> memref<640x128xf32, #tpu.memory_space<vmem_shared>>
      tpu.enqueue_dma source(%dma_start3A_16 : memref<640x128xf32, #tpu.memory_space<vmem_shared>>) target(%dma_start3A_14 : memref<640x128xf32, #tpu.memory_space<hbm>>) target_semaphore(%run_scoped3A : memref<!tpu.dma_semaphore, #tpu.memory_space<semaphore_mem>>)
      %dma_wait3A = arith.constant 0 : i32
      %dma_wait3A_17 = tpu.memref_slice %arg6[%arg0, %mul3A_12, %dma_wait3A] : memref<2x10240x128xf32, #tpu.memory_space<hbm>> -> memref<1x640x128xf32, #tpu.memory_space<hbm>>
      %dma_wait3A_18 = tpu.memref_squeeze %dma_wait3A_17 : memref<1x640x128xf32, #tpu.memory_space<hbm>> -> memref<640x128xf32, #tpu.memory_space<hbm>>
      %dma_wait3A_19 = arith.constant 0 : i32
      %dma_wait3A_20 = tpu.memref_slice %arg10[%mul3A_10, %dma_wait3A_19] : memref<10240x128xf32, #tpu.memory_space<vmem_shared>> -> memref<640x128xf32, #tpu.memory_space<vmem_shared>>
      tpu.wait_dma2 semaphore(%run_scoped3A : memref<!tpu.dma_semaphore, #tpu.memory_space<semaphore_mem>>) src(%dma_wait3A_20 : memref<640x128xf32, #tpu.memory_space<vmem_shared>>) dst(%dma_wait3A_18 : memref<640x128xf32, #tpu.memory_space<hbm>>)
      tpu.yield
    }) : () -> ()
    return
  }
}

#map = affine_map<(d0, d1) -> (0, 0)>
#map1 = affine_map<(d0, d1) -> (0, 0, 0)>
module attributes {stable_mosaic.version = 14 : i64} {
  func.func @_sc_scatter(%arg0: i32, %arg1: i32, %arg2: memref<10000x128xf32, #tpu.memory_space<hbm>>, %arg3: memref<32x80x128xi32, #tpu.memory_space<hbm>>, %arg4: memref<32x80x128xi32, #tpu.memory_space<hbm>>, %arg5: memref<640x128xf32, #tpu.memory_space<hbm>>, %arg6: memref<2x10240x128xf32, #tpu.memory_space<hbm>>, %arg7: memref<80x128xi32, #tpu.memory_space<vmem>>, %arg8: memref<80x128xi32, #tpu.memory_space<vmem>>, %arg9: memref<128x128xf32, #tpu.memory_space<vmem>>, %arg10: memref<10240x128xf32, #tpu.memory_space<vmem_shared>>) attributes {dimension_semantics = [#tpu.dimension_semantics<core_parallel>, #tpu.dimension_semantics<subcore_parallel>], iteration_bounds = array<i64: 2, 16>, scalar_prefetch = 0 : i64, scratch_operands = 4 : i64, tpu.core_type = #tpu.core_type<sc_vector_subcore>, window_params = [{transform_indices = #map}, {transform_indices = #map1}, {transform_indices = #map1}, {transform_indices = #map}, {transform_indices = #map1}]} {
    %mul3A = arith.constant 16 : i32
    %mul3A_0 = arith.muli %arg0, %mul3A : i32
    %add3A = arith.addi %mul3A_0, %arg1 : i32
    "tpu.region"() ({
      %run_scoped3A = tpu.sem_alloc : memref<!tpu.dma_semaphore, #tpu.memory_space<semaphore_mem>>
      %dma_start3A = arith.constant 0 : i32
      %dma_start3A_13 = arith.constant 0 : i32
      %dma_start3A_14 = tpu.memref_slice %arg3[%add3A, %dma_start3A, %dma_start3A_13] : memref<32x80x128xi32, #tpu.memory_space<hbm>> -> memref<1x80x128xi32, #tpu.memory_space<hbm>>
      %dma_start3A_15 = tpu.memref_squeeze %dma_start3A_14 : memref<1x80x128xi32, #tpu.memory_space<hbm>> -> memref<80x128xi32, #tpu.memory_space<hbm>>
      %dma_start3A_16 = arith.constant 0 : i32
      %dma_start3A_17 = arith.constant 0 : i32
      %dma_start3A_18 = tpu.memref_slice %arg3[%add3A, %dma_start3A_16, %dma_start3A_17] : memref<32x80x128xi32, #tpu.memory_space<hbm>> -> memref<1x80x128xi32, #tpu.memory_space<hbm>>
      %dma_start3A_19 = tpu.memref_squeeze %dma_start3A_18 : memref<1x80x128xi32, #tpu.memory_space<hbm>> -> memref<80x128xi32, #tpu.memory_space<hbm>>
      tpu.enqueue_dma source(%dma_start3A_19 : memref<80x128xi32, #tpu.memory_space<hbm>>) target(%arg7 : memref<80x128xi32, #tpu.memory_space<vmem>>) target_semaphore(%run_scoped3A : memref<!tpu.dma_semaphore, #tpu.memory_space<semaphore_mem>>)
      %dma_wait3A = arith.constant 0 : i32
      %dma_wait3A_20 = arith.constant 0 : i32
      %dma_wait3A_21 = tpu.memref_slice %arg3[%add3A, %dma_wait3A, %dma_wait3A_20] : memref<32x80x128xi32, #tpu.memory_space<hbm>> -> memref<1x80x128xi32, #tpu.memory_space<hbm>>
      %dma_wait3A_22 = tpu.memref_squeeze %dma_wait3A_21 : memref<1x80x128xi32, #tpu.memory_space<hbm>> -> memref<80x128xi32, #tpu.memory_space<hbm>>
      %dma_wait3A_23 = arith.constant 0 : i32
      %dma_wait3A_24 = arith.constant 0 : i32
      %dma_wait3A_25 = tpu.memref_slice %arg3[%add3A, %dma_wait3A_23, %dma_wait3A_24] : memref<32x80x128xi32, #tpu.memory_space<hbm>> -> memref<1x80x128xi32, #tpu.memory_space<hbm>>
      %dma_wait3A_26 = tpu.memref_squeeze %dma_wait3A_25 : memref<1x80x128xi32, #tpu.memory_space<hbm>> -> memref<80x128xi32, #tpu.memory_space<hbm>>
      tpu.wait_dma2 semaphore(%run_scoped3A : memref<!tpu.dma_semaphore, #tpu.memory_space<semaphore_mem>>) src(%dma_wait3A_26 : memref<80x128xi32, #tpu.memory_space<hbm>>) dst(%arg7 : memref<80x128xi32, #tpu.memory_space<vmem>>)
      tpu.yield
    }) : () -> ()
    "tpu.region"() ({
      %run_scoped3A = tpu.sem_alloc : memref<!tpu.dma_semaphore, #tpu.memory_space<semaphore_mem>>
      %dma_start3A = arith.constant 0 : i32
      %dma_start3A_13 = arith.constant 0 : i32
      %dma_start3A_14 = tpu.memref_slice %arg4[%add3A, %dma_start3A, %dma_start3A_13] : memref<32x80x128xi32, #tpu.memory_space<hbm>> -> memref<1x80x128xi32, #tpu.memory_space<hbm>>
      %dma_start3A_15 = tpu.memref_squeeze %dma_start3A_14 : memref<1x80x128xi32, #tpu.memory_space<hbm>> -> memref<80x128xi32, #tpu.memory_space<hbm>>
      %dma_start3A_16 = arith.constant 0 : i32
      %dma_start3A_17 = arith.constant 0 : i32
      %dma_start3A_18 = tpu.memref_slice %arg4[%add3A, %dma_start3A_16, %dma_start3A_17] : memref<32x80x128xi32, #tpu.memory_space<hbm>> -> memref<1x80x128xi32, #tpu.memory_space<hbm>>
      %dma_start3A_19 = tpu.memref_squeeze %dma_start3A_18 : memref<1x80x128xi32, #tpu.memory_space<hbm>> -> memref<80x128xi32, #tpu.memory_space<hbm>>
      tpu.enqueue_dma source(%dma_start3A_19 : memref<80x128xi32, #tpu.memory_space<hbm>>) target(%arg8 : memref<80x128xi32, #tpu.memory_space<vmem>>) target_semaphore(%run_scoped3A : memref<!tpu.dma_semaphore, #tpu.memory_space<semaphore_mem>>)
      %dma_wait3A = arith.constant 0 : i32
      %dma_wait3A_20 = arith.constant 0 : i32
      %dma_wait3A_21 = tpu.memref_slice %arg4[%add3A, %dma_wait3A, %dma_wait3A_20] : memref<32x80x128xi32, #tpu.memory_space<hbm>> -> memref<1x80x128xi32, #tpu.memory_space<hbm>>
      %dma_wait3A_22 = tpu.memref_squeeze %dma_wait3A_21 : memref<1x80x128xi32, #tpu.memory_space<hbm>> -> memref<80x128xi32, #tpu.memory_space<hbm>>
      %dma_wait3A_23 = arith.constant 0 : i32
      %dma_wait3A_24 = arith.constant 0 : i32
      %dma_wait3A_25 = tpu.memref_slice %arg4[%add3A, %dma_wait3A_23, %dma_wait3A_24] : memref<32x80x128xi32, #tpu.memory_space<hbm>> -> memref<1x80x128xi32, #tpu.memory_space<hbm>>
      %dma_wait3A_26 = tpu.memref_squeeze %dma_wait3A_25 : memref<1x80x128xi32, #tpu.memory_space<hbm>> -> memref<80x128xi32, #tpu.memory_space<hbm>>
      tpu.wait_dma2 semaphore(%run_scoped3A : memref<!tpu.dma_semaphore, #tpu.memory_space<semaphore_mem>>) src(%dma_wait3A_26 : memref<80x128xi32, #tpu.memory_space<hbm>>) dst(%arg8 : memref<80x128xi32, #tpu.memory_space<vmem>>)
      tpu.yield
    }) : () -> ()
    %mul3A_1 = arith.constant 640 : i32
    %mul3A_2 = arith.muli %arg1, %mul3A_1 : i32
    "tpu.region"() ({
      %run_scoped3A = tpu.sem_alloc : memref<!tpu.dma_semaphore, #tpu.memory_space<semaphore_mem>>
      %dma_start3A = arith.constant 0 : i32
      %dma_start3A_13 = tpu.memref_slice %arg10[%mul3A_2, %dma_start3A] : memref<10240x128xf32, #tpu.memory_space<vmem_shared>> -> memref<640x128xf32, #tpu.memory_space<vmem_shared>>
      tpu.enqueue_dma source(%arg5 : memref<640x128xf32, #tpu.memory_space<hbm>>) target(%dma_start3A_13 : memref<640x128xf32, #tpu.memory_space<vmem_shared>>) target_semaphore(%run_scoped3A : memref<!tpu.dma_semaphore, #tpu.memory_space<semaphore_mem>>)
      %dma_wait3A = arith.constant 0 : i32
      %dma_wait3A_14 = tpu.memref_slice %arg10[%mul3A_2, %dma_wait3A] : memref<10240x128xf32, #tpu.memory_space<vmem_shared>> -> memref<640x128xf32, #tpu.memory_space<vmem_shared>>
      tpu.wait_dma2 semaphore(%run_scoped3A : memref<!tpu.dma_semaphore, #tpu.memory_space<semaphore_mem>>) src(%arg5 : memref<640x128xf32, #tpu.memory_space<hbm>>) dst(%dma_wait3A_14 : memref<640x128xf32, #tpu.memory_space<vmem_shared>>)
      tpu.yield
    }) : () -> ()
    %barrier3A = arith.constant 0 : index
    tpu.barrier barrier_id(%barrier3A)
    %scan3A = arith.constant 0 : i32
    %scan3A_3 = arith.constant 0 : i32
    %scan3A_4 = arith.constant 80 : i32
    %scan3A_5 = arith.addi %scan3A_3, %scan3A_4 : i32
    %scan3A_6 = arith.constant 1 : i32
    scf.for %scan3A_13 = %scan3A_3 to %scan3A_5 step %scan3A_6  : i32 {
      "tpu.region"() ({
        %run_scoped3A = tpu.sem_alloc : memref<!tpu.dma_semaphore, #tpu.memory_space<semaphore_mem>>
        %dma_start3A = arith.constant 0 : i32
        %dma_start3A_14 = tpu.memref_slice %arg7[%scan3A_13, %dma_start3A] : memref<80x128xi32, #tpu.memory_space<vmem>> -> memref<1x128xi32, #tpu.memory_space<vmem>>
        %dma_start3A_15 = tpu.memref_squeeze %dma_start3A_14 : memref<1x128xi32, #tpu.memory_space<vmem>> -> memref<128xi32, #tpu.memory_space<vmem>>
        %dma_start3A_16 = arith.constant 0 : i32
        %dma_start3A_17 = arith.constant 0 : i32
        %dma_start3A_18 = tpu.memref_slice %arg2[%dma_start3A_16, %dma_start3A_17] : memref<10000x128xf32, #tpu.memory_space<hbm>> -> memref<10000x128xf32, #tpu.memory_space<hbm>>
        tpu.enqueue_indirect_dma source(%dma_start3A_18 : memref<10000x128xf32, #tpu.memory_space<hbm>>) target(%arg9 : memref<128x128xf32, #tpu.memory_space<vmem>>) offsets(%dma_start3A_15 : memref<128xi32, #tpu.memory_space<vmem>>) semaphore(%run_scoped3A : memref<!tpu.dma_semaphore, #tpu.memory_space<semaphore_mem>>)
        %dma_wait3A = arith.constant 0 : i32
        %dma_wait3A_19 = tpu.memref_slice %arg7[%scan3A_13, %dma_wait3A] : memref<80x128xi32, #tpu.memory_space<vmem>> -> memref<1x128xi32, #tpu.memory_space<vmem>>
        %dma_wait3A_20 = tpu.memref_squeeze %dma_wait3A_19 : memref<1x128xi32, #tpu.memory_space<vmem>> -> memref<128xi32, #tpu.memory_space<vmem>>
        %dma_wait3A_21 = arith.constant 0 : i32
        %dma_wait3A_22 = arith.constant 0 : i32
        %dma_wait3A_23 = tpu.memref_slice %arg2[%dma_wait3A_21, %dma_wait3A_22] : memref<10000x128xf32, #tpu.memory_space<hbm>> -> memref<10000x128xf32, #tpu.memory_space<hbm>>
        tpu.wait_indirect_dma semaphore(%run_scoped3A : memref<!tpu.dma_semaphore, #tpu.memory_space<semaphore_mem>>) src(%dma_wait3A_23 : memref<10000x128xf32, #tpu.memory_space<hbm>>) dst(%arg9 : memref<128x128xf32, #tpu.memory_space<vmem>>)
        tpu.yield
      }) : () -> ()
      "tpu.region"() ({
        %run_scoped3A = tpu.sem_alloc : memref<!tpu.dma_semaphore, #tpu.memory_space<semaphore_mem>>
        %dma_start3A = arith.constant 0 : i32
        %dma_start3A_14 = tpu.memref_slice %arg8[%scan3A_13, %dma_start3A] : memref<80x128xi32, #tpu.memory_space<vmem>> -> memref<1x128xi32, #tpu.memory_space<vmem>>
        %dma_start3A_15 = tpu.memref_squeeze %dma_start3A_14 : memref<1x128xi32, #tpu.memory_space<vmem>> -> memref<128xi32, #tpu.memory_space<vmem>>
        %dma_start3A_16 = arith.constant 0 : i32
        %dma_start3A_17 = arith.constant 0 : i32
        %dma_start3A_18 = tpu.memref_slice %arg10[%dma_start3A_16, %dma_start3A_17] : memref<10240x128xf32, #tpu.memory_space<vmem_shared>> -> memref<10240x128xf32, #tpu.memory_space<vmem_shared>>
        tpu.enqueue_indirect_dma source(%arg9 : memref<128x128xf32, #tpu.memory_space<vmem>>) target(%dma_start3A_18 : memref<10240x128xf32, #tpu.memory_space<vmem_shared>>) offsets(%dma_start3A_15 : memref<128xi32, #tpu.memory_space<vmem>>) semaphore(%run_scoped3A : memref<!tpu.dma_semaphore, #tpu.memory_space<semaphore_mem>>) {add = true}
        %dma_wait3A = arith.constant 0 : i32
        %dma_wait3A_19 = tpu.memref_slice %arg8[%scan3A_13, %dma_wait3A] : memref<80x128xi32, #tpu.memory_space<vmem>> -> memref<1x128xi32, #tpu.memory_space<vmem>>
        %dma_wait3A_20 = tpu.memref_squeeze %dma_wait3A_19 : memref<1x128xi32, #tpu.memory_space<vmem>> -> memref<128xi32, #tpu.memory_space<vmem>>
        %dma_wait3A_21 = arith.constant 0 : i32
        %dma_wait3A_22 = arith.constant 0 : i32
        %dma_wait3A_23 = tpu.memref_slice %arg10[%dma_wait3A_21, %dma_wait3A_22] : memref<10240x128xf32, #tpu.memory_space<vmem_shared>> -> memref<10240x128xf32, #tpu.memory_space<vmem_shared>>
        tpu.wait_indirect_dma semaphore(%run_scoped3A : memref<!tpu.dma_semaphore, #tpu.memory_space<semaphore_mem>>) src(%arg9 : memref<128x128xf32, #tpu.memory_space<vmem>>) dst(%dma_wait3A_23 : memref<10240x128xf32, #tpu.memory_space<vmem_shared>>)
        tpu.yield
      }) : () -> ()
    }
    %scan3A_7 = arith.constant 80 : i32
    %barrier3A_8 = arith.constant 0 : index
    tpu.barrier barrier_id(%barrier3A_8)
    %mul3A_9 = arith.constant 640 : i32
    %mul3A_10 = arith.muli %arg1, %mul3A_9 : i32
    %mul3A_11 = arith.constant 640 : i32
    %mul3A_12 = arith.muli %arg1, %mul3A_11 : i32
    "tpu.region"() ({
      %run_scoped3A = tpu.sem_alloc : memref<!tpu.dma_semaphore, #tpu.memory_space<semaphore_mem>>
      %dma_start3A = arith.constant 0 : i32
      %dma_start3A_13 = tpu.memref_slice %arg6[%arg0, %mul3A_12, %dma_start3A] : memref<2x10240x128xf32, #tpu.memory_space<hbm>> -> memref<1x640x128xf32, #tpu.memory_space<hbm>>
      %dma_start3A_14 = tpu.memref_squeeze %dma_start3A_13 : memref<1x640x128xf32, #tpu.memory_space<hbm>> -> memref<640x128xf32, #tpu.memory_space<hbm>>
      %dma_start3A_15 = arith.constant 0 : i32
      %dma_start3A_16 = tpu.memref_slice %arg10[%mul3A_10, %dma_start3A_15] : memref<10240x128xf32, #tpu.memory_space<vmem_shared>> -> memref<640x128xf32, #tpu.memory_space<vmem_shared>>
      tpu.enqueue_dma source(%dma_start3A_16 : memref<640x128xf32, #tpu.memory_space<vmem_shared>>) target(%dma_start3A_14 : memref<640x128xf32, #tpu.memory_space<hbm>>) target_semaphore(%run_scoped3A : memref<!tpu.dma_semaphore, #tpu.memory_space<semaphore_mem>>)
      %dma_wait3A = arith.constant 0 : i32
      %dma_wait3A_17 = tpu.memref_slice %arg6[%arg0, %mul3A_12, %dma_wait3A] : memref<2x10240x128xf32, #tpu.memory_space<hbm>> -> memref<1x640x128xf32, #tpu.memory_space<hbm>>
      %dma_wait3A_18 = tpu.memref_squeeze %dma_wait3A_17 : memref<1x640x128xf32, #tpu.memory_space<hbm>> -> memref<640x128xf32, #tpu.memory_space<hbm>>
      %dma_wait3A_19 = arith.constant 0 : i32
      %dma_wait3A_20 = tpu.memref_slice %arg10[%mul3A_10, %dma_wait3A_19] : memref<10240x128xf32, #tpu.memory_space<vmem_shared>> -> memref<640x128xf32, #tpu.memory_space<vmem_shared>>
      tpu.wait_dma2 semaphore(%run_scoped3A : memref<!tpu.dma_semaphore, #tpu.memory_space<semaphore_mem>>) src(%dma_wait3A_20 : memref<640x128xf32, #tpu.memory_space<vmem_shared>>) dst(%dma_wait3A_18 : memref<640x128xf32, #tpu.memory_space<hbm>>)
      tpu.yield
    }) : () -> ()
    return
  }
}

#map = affine_map<(d0, d1) -> (0, 0)>
#map1 = affine_map<(d0, d1) -> (0, 0, 0)>
module attributes {stable_mosaic.version = 14 : i64} {
  func.func @_sc_head_gather(%arg0: i32, %arg1: i32, %arg2: memref<10000x128xf32, #tpu.memory_space<hbm>>, %arg3: memref<10000x128xf32, #tpu.memory_space<hbm>>, %arg4: memref<32x30x128xi32, #tpu.memory_space<hbm>>, %arg5: memref<32x30x128xi32, #tpu.memory_space<hbm>>, %arg6: memref<122880x128xf32, #tpu.memory_space<hbm>>, %arg7: memref<30x128xi32, #tpu.memory_space<vmem>>, %arg8: memref<30x128xi32, #tpu.memory_space<vmem>>, %arg9: memref<128x128xf32, #tpu.memory_space<vmem>>) attributes {dimension_semantics = [#tpu.dimension_semantics<core_parallel>, #tpu.dimension_semantics<subcore_parallel>], iteration_bounds = array<i64: 2, 16>, scalar_prefetch = 0 : i64, scratch_operands = 3 : i64, tpu.core_type = #tpu.core_type<sc_vector_subcore>, window_params = [{transform_indices = #map}, {transform_indices = #map}, {transform_indices = #map1}, {transform_indices = #map1}, {transform_indices = #map}]} {
    %mul3A = arith.constant 16 : i32
    %mul3A_0 = arith.muli %arg0, %mul3A : i32
    %add3A = arith.addi %mul3A_0, %arg1 : i32
    "tpu.region"() ({
      %run_scoped3A = tpu.sem_alloc : memref<!tpu.dma_semaphore, #tpu.memory_space<semaphore_mem>>
      %dma_start3A = arith.constant 0 : i32
      %dma_start3A_6 = arith.constant 0 : i32
      %dma_start3A_7 = tpu.memref_slice %arg4[%add3A, %dma_start3A, %dma_start3A_6] : memref<32x30x128xi32, #tpu.memory_space<hbm>> -> memref<1x30x128xi32, #tpu.memory_space<hbm>>
      %dma_start3A_8 = tpu.memref_squeeze %dma_start3A_7 : memref<1x30x128xi32, #tpu.memory_space<hbm>> -> memref<30x128xi32, #tpu.memory_space<hbm>>
      %dma_start3A_9 = arith.constant 0 : i32
      %dma_start3A_10 = arith.constant 0 : i32
      %dma_start3A_11 = tpu.memref_slice %arg4[%add3A, %dma_start3A_9, %dma_start3A_10] : memref<32x30x128xi32, #tpu.memory_space<hbm>> -> memref<1x30x128xi32, #tpu.memory_space<hbm>>
      %dma_start3A_12 = tpu.memref_squeeze %dma_start3A_11 : memref<1x30x128xi32, #tpu.memory_space<hbm>> -> memref<30x128xi32, #tpu.memory_space<hbm>>
      tpu.enqueue_dma source(%dma_start3A_12 : memref<30x128xi32, #tpu.memory_space<hbm>>) target(%arg7 : memref<30x128xi32, #tpu.memory_space<vmem>>) target_semaphore(%run_scoped3A : memref<!tpu.dma_semaphore, #tpu.memory_space<semaphore_mem>>)
      %dma_wait3A = arith.constant 0 : i32
      %dma_wait3A_13 = arith.constant 0 : i32
      %dma_wait3A_14 = tpu.memref_slice %arg4[%add3A, %dma_wait3A, %dma_wait3A_13] : memref<32x30x128xi32, #tpu.memory_space<hbm>> -> memref<1x30x128xi32, #tpu.memory_space<hbm>>
      %dma_wait3A_15 = tpu.memref_squeeze %dma_wait3A_14 : memref<1x30x128xi32, #tpu.memory_space<hbm>> -> memref<30x128xi32, #tpu.memory_space<hbm>>
      %dma_wait3A_16 = arith.constant 0 : i32
      %dma_wait3A_17 = arith.constant 0 : i32
      %dma_wait3A_18 = tpu.memref_slice %arg4[%add3A, %dma_wait3A_16, %dma_wait3A_17] : memref<32x30x128xi32, #tpu.memory_space<hbm>> -> memref<1x30x128xi32, #tpu.memory_space<hbm>>
      %dma_wait3A_19 = tpu.memref_squeeze %dma_wait3A_18 : memref<1x30x128xi32, #tpu.memory_space<hbm>> -> memref<30x128xi32, #tpu.memory_space<hbm>>
      tpu.wait_dma2 semaphore(%run_scoped3A : memref<!tpu.dma_semaphore, #tpu.memory_space<semaphore_mem>>) src(%dma_wait3A_19 : memref<30x128xi32, #tpu.memory_space<hbm>>) dst(%arg7 : memref<30x128xi32, #tpu.memory_space<vmem>>)
      tpu.yield
    }) : () -> ()
    "tpu.region"() ({
      %run_scoped3A = tpu.sem_alloc : memref<!tpu.dma_semaphore, #tpu.memory_space<semaphore_mem>>
      %dma_start3A = arith.constant 0 : i32
      %dma_start3A_6 = arith.constant 0 : i32
      %dma_start3A_7 = tpu.memref_slice %arg5[%add3A, %dma_start3A, %dma_start3A_6] : memref<32x30x128xi32, #tpu.memory_space<hbm>> -> memref<1x30x128xi32, #tpu.memory_space<hbm>>
      %dma_start3A_8 = tpu.memref_squeeze %dma_start3A_7 : memref<1x30x128xi32, #tpu.memory_space<hbm>> -> memref<30x128xi32, #tpu.memory_space<hbm>>
      %dma_start3A_9 = arith.constant 0 : i32
      %dma_start3A_10 = arith.constant 0 : i32
      %dma_start3A_11 = tpu.memref_slice %arg5[%add3A, %dma_start3A_9, %dma_start3A_10] : memref<32x30x128xi32, #tpu.memory_space<hbm>> -> memref<1x30x128xi32, #tpu.memory_space<hbm>>
      %dma_start3A_12 = tpu.memref_squeeze %dma_start3A_11 : memref<1x30x128xi32, #tpu.memory_space<hbm>> -> memref<30x128xi32, #tpu.memory_space<hbm>>
      tpu.enqueue_dma source(%dma_start3A_12 : memref<30x128xi32, #tpu.memory_space<hbm>>) target(%arg8 : memref<30x128xi32, #tpu.memory_space<vmem>>) target_semaphore(%run_scoped3A : memref<!tpu.dma_semaphore, #tpu.memory_space<semaphore_mem>>)
      %dma_wait3A = arith.constant 0 : i32
      %dma_wait3A_13 = arith.constant 0 : i32
      %dma_wait3A_14 = tpu.memref_slice %arg5[%add3A, %dma_wait3A, %dma_wait3A_13] : memref<32x30x128xi32, #tpu.memory_space<hbm>> -> memref<1x30x128xi32, #tpu.memory_space<hbm>>
      %dma_wait3A_15 = tpu.memref_squeeze %dma_wait3A_14 : memref<1x30x128xi32, #tpu.memory_space<hbm>> -> memref<30x128xi32, #tpu.memory_space<hbm>>
      %dma_wait3A_16 = arith.constant 0 : i32
      %dma_wait3A_17 = arith.constant 0 : i32
      %dma_wait3A_18 = tpu.memref_slice %arg5[%add3A, %dma_wait3A_16, %dma_wait3A_17] : memref<32x30x128xi32, #tpu.memory_space<hbm>> -> memref<1x30x128xi32, #tpu.memory_space<hbm>>
      %dma_wait3A_19 = tpu.memref_squeeze %dma_wait3A_18 : memref<1x30x128xi32, #tpu.memory_space<hbm>> -> memref<30x128xi32, #tpu.memory_space<hbm>>
      tpu.wait_dma2 semaphore(%run_scoped3A : memref<!tpu.dma_semaphore, #tpu.memory_space<semaphore_mem>>) src(%dma_wait3A_19 : memref<30x128xi32, #tpu.memory_space<hbm>>) dst(%arg8 : memref<30x128xi32, #tpu.memory_space<vmem>>)
      tpu.yield
    }) : () -> ()
    %scan3A = arith.constant 0 : i32
    %scan3A_1 = arith.constant 0 : i32
    %scan3A_2 = arith.constant 30 : i32
    %scan3A_3 = arith.addi %scan3A_1, %scan3A_2 : i32
    %scan3A_4 = arith.constant 1 : i32
    scf.for %scan3A_6 = %scan3A_1 to %scan3A_3 step %scan3A_4  : i32 {
      %mul3A_7 = arith.constant 3840 : i32
      %mul3A_8 = arith.muli %add3A, %mul3A_7 : i32
      %mul3A_9 = arith.constant 128 : i32
      %mul3A_10 = arith.muli %scan3A_6, %mul3A_9 : i32
      %add3A_11 = arith.addi %mul3A_8, %mul3A_10 : i32
      "tpu.region"() ({
        %run_scoped3A = tpu.sem_alloc : memref<!tpu.dma_semaphore, #tpu.memory_space<semaphore_mem>>
        %dma_start3A = arith.constant 0 : i32
        %dma_start3A_12 = tpu.memref_slice %arg7[%scan3A_6, %dma_start3A] : memref<30x128xi32, #tpu.memory_space<vmem>> -> memref<1x128xi32, #tpu.memory_space<vmem>>
        %dma_start3A_13 = tpu.memref_squeeze %dma_start3A_12 : memref<1x128xi32, #tpu.memory_space<vmem>> -> memref<128xi32, #tpu.memory_space<vmem>>
        %dma_start3A_14 = arith.constant 0 : i32
        %dma_start3A_15 = arith.constant 0 : i32
        %dma_start3A_16 = tpu.memref_slice %arg2[%dma_start3A_14, %dma_start3A_15] : memref<10000x128xf32, #tpu.memory_space<hbm>> -> memref<10000x128xf32, #tpu.memory_space<hbm>>
        tpu.enqueue_indirect_dma source(%dma_start3A_16 : memref<10000x128xf32, #tpu.memory_space<hbm>>) target(%arg9 : memref<128x128xf32, #tpu.memory_space<vmem>>) offsets(%dma_start3A_13 : memref<128xi32, #tpu.memory_space<vmem>>) semaphore(%run_scoped3A : memref<!tpu.dma_semaphore, #tpu.memory_space<semaphore_mem>>)
        %dma_wait3A = arith.constant 0 : i32
        %dma_wait3A_17 = tpu.memref_slice %arg7[%scan3A_6, %dma_wait3A] : memref<30x128xi32, #tpu.memory_space<vmem>> -> memref<1x128xi32, #tpu.memory_space<vmem>>
        %dma_wait3A_18 = tpu.memref_squeeze %dma_wait3A_17 : memref<1x128xi32, #tpu.memory_space<vmem>> -> memref<128xi32, #tpu.memory_space<vmem>>
        %dma_wait3A_19 = arith.constant 0 : i32
        %dma_wait3A_20 = arith.constant 0 : i32
        %dma_wait3A_21 = tpu.memref_slice %arg2[%dma_wait3A_19, %dma_wait3A_20] : memref<10000x128xf32, #tpu.memory_space<hbm>> -> memref<10000x128xf32, #tpu.memory_space<hbm>>
        tpu.wait_indirect_dma semaphore(%run_scoped3A : memref<!tpu.dma_semaphore, #tpu.memory_space<semaphore_mem>>) src(%dma_wait3A_21 : memref<10000x128xf32, #tpu.memory_space<hbm>>) dst(%arg9 : memref<128x128xf32, #tpu.memory_space<vmem>>)
        tpu.yield
      }) : () -> ()
      "tpu.region"() ({
        %run_scoped3A = tpu.sem_alloc : memref<!tpu.dma_semaphore, #tpu.memory_space<semaphore_mem>>
        %dma_start3A = arith.constant 0 : i32
        %dma_start3A_12 = tpu.memref_slice %arg8[%scan3A_6, %dma_start3A] : memref<30x128xi32, #tpu.memory_space<vmem>> -> memref<1x128xi32, #tpu.memory_space<vmem>>
        %dma_start3A_13 = tpu.memref_squeeze %dma_start3A_12 : memref<1x128xi32, #tpu.memory_space<vmem>> -> memref<128xi32, #tpu.memory_space<vmem>>
        %dma_start3A_14 = arith.constant 0 : i32
        %dma_start3A_15 = arith.constant 0 : i32
        %dma_start3A_16 = tpu.memref_slice %arg3[%dma_start3A_14, %dma_start3A_15] : memref<10000x128xf32, #tpu.memory_space<hbm>> -> memref<10000x128xf32, #tpu.memory_space<hbm>>
        tpu.enqueue_indirect_dma source(%dma_start3A_16 : memref<10000x128xf32, #tpu.memory_space<hbm>>) target(%arg9 : memref<128x128xf32, #tpu.memory_space<vmem>>) offsets(%dma_start3A_13 : memref<128xi32, #tpu.memory_space<vmem>>) semaphore(%run_scoped3A : memref<!tpu.dma_semaphore, #tpu.memory_space<semaphore_mem>>) {add = true}
        %dma_wait3A = arith.constant 0 : i32
        %dma_wait3A_17 = tpu.memref_slice %arg8[%scan3A_6, %dma_wait3A] : memref<30x128xi32, #tpu.memory_space<vmem>> -> memref<1x128xi32, #tpu.memory_space<vmem>>
        %dma_wait3A_18 = tpu.memref_squeeze %dma_wait3A_17 : memref<1x128xi32, #tpu.memory_space<vmem>> -> memref<128xi32, #tpu.memory_space<vmem>>
        %dma_wait3A_19 = arith.constant 0 : i32
        %dma_wait3A_20 = arith.constant 0 : i32
        %dma_wait3A_21 = tpu.memref_slice %arg3[%dma_wait3A_19, %dma_wait3A_20] : memref<10000x128xf32, #tpu.memory_space<hbm>> -> memref<10000x128xf32, #tpu.memory_space<hbm>>
        tpu.wait_indirect_dma semaphore(%run_scoped3A : memref<!tpu.dma_semaphore, #tpu.memory_space<semaphore_mem>>) src(%dma_wait3A_21 : memref<10000x128xf32, #tpu.memory_space<hbm>>) dst(%arg9 : memref<128x128xf32, #tpu.memory_space<vmem>>)
        tpu.yield
      }) : () -> ()
      "tpu.region"() ({
        %run_scoped3A = tpu.sem_alloc : memref<!tpu.dma_semaphore, #tpu.memory_space<semaphore_mem>>
        %dma_start3A = arith.constant 0 : i32
        %dma_start3A_12 = tpu.memref_slice %arg6[%add3A_11, %dma_start3A] : memref<122880x128xf32, #tpu.memory_space<hbm>> -> memref<128x128xf32, #tpu.memory_space<hbm>>
        %dma_start3A_13 = arith.constant 0 : i32
        %dma_start3A_14 = tpu.memref_slice %arg6[%add3A_11, %dma_start3A_13] : memref<122880x128xf32, #tpu.memory_space<hbm>> -> memref<128x128xf32, #tpu.memory_space<hbm>>
        tpu.enqueue_dma source(%arg9 : memref<128x128xf32, #tpu.memory_space<vmem>>) target(%dma_start3A_14 : memref<128x128xf32, #tpu.memory_space<hbm>>) target_semaphore(%run_scoped3A : memref<!tpu.dma_semaphore, #tpu.memory_space<semaphore_mem>>)
        %dma_wait3A = arith.constant 0 : i32
        %dma_wait3A_15 = tpu.memref_slice %arg6[%add3A_11, %dma_wait3A] : memref<122880x128xf32, #tpu.memory_space<hbm>> -> memref<128x128xf32, #tpu.memory_space<hbm>>
        %dma_wait3A_16 = arith.constant 0 : i32
        %dma_wait3A_17 = tpu.memref_slice %arg6[%add3A_11, %dma_wait3A_16] : memref<122880x128xf32, #tpu.memory_space<hbm>> -> memref<128x128xf32, #tpu.memory_space<hbm>>
        tpu.wait_dma2 semaphore(%run_scoped3A : memref<!tpu.dma_semaphore, #tpu.memory_space<semaphore_mem>>) src(%arg9 : memref<128x128xf32, #tpu.memory_space<vmem>>) dst(%dma_wait3A_17 : memref<128x128xf32, #tpu.memory_space<hbm>>)
        tpu.yield
      }) : () -> ()
    }
    %scan3A_5 = arith.constant 30 : i32
    return
  }
}

module attributes {stable_mosaic.version = 14 : i64} {
  func.func @_tc_first_body(%arg0: i32, %arg1: memref<2000x128xf32, #tpu.memory_space<vmem>>, %arg2: memref<128x128xf32, #tpu.memory_space<vmem>>, %arg3: memref<2000x128xf32, #tpu.memory_space<vmem>>) attributes {dimension_semantics = [#tpu.dimension_semantics<arbitrary>], iteration_bounds = array<i64: 5>, scalar_prefetch = 0 : i64, scratch_operands = 0 : i64, tpu.core_type = #tpu.core_type<tc>, window_params = [{transform_indices = @transform_0, window_bounds = array<i64: 2000, 128>}, {pipeline_mode = #tpu.pipeline_mode<synchronous>, transform_indices = @transform_1, window_bounds = array<i64: 128, 128>}, {transform_indices = @transform_2, window_bounds = array<i64: 2000, 128>}]} {
    %get3A = arith.constant 0 : index
    %get3A_0 = arith.constant 0 : index
    %get3A_1 = vector.load %arg1[%get3A, %get3A_0] : memref<2000x128xf32, #tpu.memory_space<vmem>>, vector<2000x128xf32>
    %get3A_2 = arith.constant 0 : index
    %get3A_3 = arith.constant 0 : index
    %get3A_4 = vector.load %arg2[%get3A_2, %get3A_3] : memref<128x128xf32, #tpu.memory_space<vmem>>, vector<128x128xf32>
    %dot_general3A = arith.constant dense<0.000000e+00> : vector<2000x128xf32>
    %dot_general3A_5 = tpu.matmul %get3A_1, %get3A_4, %dot_general3A {dimension_numbers = #tpu.dot_dimension_numbers<[1], [0], [0], [1], [0, 0, 1, 1], [], []>, transpose_lhs_hint = false} : vector<2000x128xf32>, vector<128x128xf32>, vector<2000x128xf32> -> vector<2000x128xf32>
    %swap3A = arith.constant 0 : index
    %swap3A_6 = arith.constant 0 : index
    %swap3A_7 = vector.load %arg3[%swap3A, %swap3A_6] : memref<2000x128xf32, #tpu.memory_space<vmem>>, vector<2000x128xf32>
    tpu.vector_store %arg3[%swap3A, %swap3A_6], %dot_general3A_5 {strides = array<i32>} : memref<2000x128xf32, #tpu.memory_space<vmem>>, vector<2000x128xf32>,
    return
  }
  func.func @transform_0(%arg0: i32) -> (i32, i32) {
    %c0_i32 = arith.constant 0 : i32
    %c0_i32_0 = arith.constant 0 : i32
    return %arg0, %c0_i32 : i32, i32
  }
  func.func @transform_1(%arg0: i32) -> (i32, i32) {
    %c0_i32 = arith.constant 0 : i32
    %c0_i32_0 = arith.constant 0 : i32
    %c0_i32_1 = arith.constant 0 : i32
    return %c0_i32, %c0_i32_0 : i32, i32
  }
  func.func @transform_2(%arg0: i32) -> (i32, i32) {
    %c0_i32 = arith.constant 0 : i32
    %c0_i32_0 = arith.constant 0 : i32
    return %arg0, %c0_i32 : i32, i32
  }
}

module attributes {stable_mosaic.version = 14 : i64} {
  func.func @_tc_scale_body(%arg0: i32, %arg1: memref<2000x128xf32, #tpu.memory_space<vmem>>, %arg2: memref<2000x16xf32, #tpu.memory_space<vmem>>, %arg3: memref<2000x16xf32, #tpu.memory_space<vmem>>, %arg4: memref<2000x128xf32, #tpu.memory_space<vmem>>) attributes {dimension_semantics = [#tpu.dimension_semantics<arbitrary>], iteration_bounds = array<i64: 5>, scalar_prefetch = 0 : i64, scratch_operands = 0 : i64, tpu.core_type = #tpu.core_type<tc>, window_params = [{transform_indices = @transform_0, window_bounds = array<i64: 2000, 128>}, {transform_indices = @transform_1, window_bounds = array<i64: 2000, 16>}, {transform_indices = @transform_2, window_bounds = array<i64: 2000, 16>}, {transform_indices = @transform_3, window_bounds = array<i64: 2000, 128>}]} {
    %get3A = arith.constant 0 : index
    %get3A_0 = arith.constant 0 : index
    %get3A_1 = vector.load %arg1[%get3A, %get3A_0] : memref<2000x128xf32, #tpu.memory_space<vmem>>, vector<2000x128xf32>
    %get3A_2 = arith.constant 0 : index
    %get3A_3 = arith.constant 0 : index
    %get3A_4 = vector.load %arg2[%get3A_2, %get3A_3] : memref<2000x16xf32, #tpu.memory_space<vmem>>, vector<2000x16xf32>
    %get3A_5 = arith.constant 0 : index
    %get3A_6 = arith.constant 0 : index
    %get3A_7 = vector.load %arg3[%get3A_5, %get3A_6] : memref<2000x16xf32, #tpu.memory_space<vmem>>, vector<2000x16xf32>
    %slice3A = vector.extract_strided_slice %get3A_4 {offsets = [0, 0], sizes = [2000, 1], strides = [1, 1]} : vector<2000x16xf32> to vector<2000x1xf32>
    %slice3A_8 = vector.extract_strided_slice %get3A_7 {offsets = [0, 0], sizes = [2000, 1], strides = [1, 1]} : vector<2000x16xf32> to vector<2000x1xf32>
    %add3A = arith.addf %slice3A, %slice3A_8 : vector<2000x1xf32>
    %add3A_9 = arith.constant 1.000000e+00 : f32
    %add3A_10 = vector.broadcast %add3A_9 : f32 to vector<2000x1xf32>
    %add3A_11 = arith.addf %add3A, %add3A_10 : vector<2000x1xf32>
    %sqrt3A = math.sqrt %add3A_11 : vector<2000x1xf32>
    %div3A = arith.constant 1.000000e+00 : f32
    %div3A_12 = vector.broadcast %div3A : f32 to vector<2000x1xf32>
    %div3A_13 = arith.divf %div3A_12, %sqrt3A : vector<2000x1xf32>
    %mul3A = vector.broadcast %div3A_13 : vector<2000x1xf32> to vector<2000x128xf32>
    %mul3A_14 = arith.mulf %get3A_1, %mul3A : vector<2000x128xf32>
    %swap3A = arith.constant 0 : index
    %swap3A_15 = arith.constant 0 : index
    %swap3A_16 = vector.load %arg4[%swap3A, %swap3A_15] : memref<2000x128xf32, #tpu.memory_space<vmem>>, vector<2000x128xf32>
    tpu.vector_store %arg4[%swap3A, %swap3A_15], %mul3A_14 {strides = array<i32>} : memref<2000x128xf32, #tpu.memory_space<vmem>>, vector<2000x128xf32>,
    return
  }
  func.func @transform_0(%arg0: i32) -> (i32, i32) {
    %c0_i32 = arith.constant 0 : i32
    %c0_i32_0 = arith.constant 0 : i32
    return %arg0, %c0_i32 : i32, i32
  }
  func.func @transform_1(%arg0: i32) -> (i32, i32) {
    %c0_i32 = arith.constant 0 : i32
    %c0_i32_0 = arith.constant 0 : i32
    return %arg0, %c0_i32 : i32, i32
  }
  func.func @transform_2(%arg0: i32) -> (i32, i32) {
    %c0_i32 = arith.constant 0 : i32
    %c0_i32_0 = arith.constant 0 : i32
    return %arg0, %c0_i32 : i32, i32
  }
  func.func @transform_3(%arg0: i32) -> (i32, i32) {
    %c0_i32 = arith.constant 0 : i32
    %c0_i32_0 = arith.constant 0 : i32
    return %arg0, %c0_i32 : i32, i32
  }
}

module attributes {stable_mosaic.version = 14 : i64} {
  func.func @_tc_mid_body(%arg0: i32, %arg1: memref<1x2000x128xf32, #tpu.memory_space<vmem>>, %arg2: memref<1x2000x128xf32, #tpu.memory_space<vmem>>, %arg3: memref<2000x128xf32, #tpu.memory_space<vmem>>, %arg4: memref<2000x16xf32, #tpu.memory_space<vmem>>, %arg5: memref<2000x16xf32, #tpu.memory_space<vmem>>, %arg6: memref<1x128xf32, #tpu.memory_space<vmem>>, %arg7: memref<128x128xf32, #tpu.memory_space<vmem>>, %arg8: memref<2000x128xf32, #tpu.memory_space<vmem>>) attributes {dimension_semantics = [#tpu.dimension_semantics<arbitrary>], iteration_bounds = array<i64: 5>, scalar_prefetch = 0 : i64, scratch_operands = 0 : i64, tpu.core_type = #tpu.core_type<tc>, window_params = [{transform_indices = @transform_0, window_bounds = array<i64: 1, 2000, 128>}, {transform_indices = @transform_1, window_bounds = array<i64: 1, 2000, 128>}, {transform_indices = @transform_2, window_bounds = array<i64: 2000, 128>}, {transform_indices = @transform_3, window_bounds = array<i64: 2000, 16>}, {transform_indices = @transform_4, window_bounds = array<i64: 2000, 16>}, {pipeline_mode = #tpu.pipeline_mode<synchronous>, transform_indices = @transform_5, window_bounds = array<i64: 1, 128>}, {pipeline_mode = #tpu.pipeline_mode<synchronous>, transform_indices = @transform_6, window_bounds = array<i64: 128, 128>}, {transform_indices = @transform_7, window_bounds = array<i64: 2000, 128>}]} {
    %get3A = arith.constant 0 : index
    %get3A_0 = arith.constant 0 : index
    %get3A_1 = vector.load %arg4[%get3A, %get3A_0] : memref<2000x16xf32, #tpu.memory_space<vmem>>, vector<2000x16xf32>
    %get3A_2 = arith.constant 0 : index
    %get3A_3 = arith.constant 0 : index
    %get3A_4 = vector.load %arg5[%get3A_2, %get3A_3] : memref<2000x16xf32, #tpu.memory_space<vmem>>, vector<2000x16xf32>
    %slice3A = vector.extract_strided_slice %get3A_1 {offsets = [0, 0], sizes = [2000, 1], strides = [1, 1]} : vector<2000x16xf32> to vector<2000x1xf32>
    %slice3A_5 = vector.extract_strided_slice %get3A_4 {offsets = [0, 0], sizes = [2000, 1], strides = [1, 1]} : vector<2000x16xf32> to vector<2000x1xf32>
    %add3A = arith.addf %slice3A, %slice3A_5 : vector<2000x1xf32>
    %add3A_6 = arith.constant 1.000000e+00 : f32
    %add3A_7 = vector.broadcast %add3A_6 : f32 to vector<2000x1xf32>
    %add3A_8 = arith.addf %add3A, %add3A_7 : vector<2000x1xf32>
    %sqrt3A = math.sqrt %add3A_8 : vector<2000x1xf32>
    %div3A = arith.constant 1.000000e+00 : f32
    %div3A_9 = vector.broadcast %div3A : f32 to vector<2000x1xf32>
    %div3A_10 = arith.divf %div3A_9, %sqrt3A : vector<2000x1xf32>
    %get3A_11 = arith.constant 0 : index
    %get3A_12 = arith.constant 0 : index
    %get3A_13 = arith.constant 0 : index
    %get3A_14 = vector.load %arg1[%get3A_11, %get3A_12, %get3A_13] : memref<1x2000x128xf32, #tpu.memory_space<vmem>>, vector<1x2000x128xf32>
    %get3A_15 = vector.shape_cast %get3A_14 : vector<1x2000x128xf32> to vector<2000x128xf32>
    %get3A_16 = arith.constant 0 : index
    %get3A_17 = arith.constant 0 : index
    %get3A_18 = arith.constant 0 : index
    %get3A_19 = vector.load %arg2[%get3A_16, %get3A_17, %get3A_18] : memref<1x2000x128xf32, #tpu.memory_space<vmem>>, vector<1x2000x128xf32>
    %get3A_20 = vector.shape_cast %get3A_19 : vector<1x2000x128xf32> to vector<2000x128xf32>
    %add3A_21 = arith.addf %get3A_15, %get3A_20 : vector<2000x128xf32>
    %get3A_22 = arith.constant 0 : index
    %get3A_23 = arith.constant 0 : index
    %get3A_24 = vector.load %arg3[%get3A_22, %get3A_23] : memref<2000x128xf32, #tpu.memory_space<vmem>>, vector<2000x128xf32>
    %add3A_25 = arith.addf %add3A_21, %get3A_24 : vector<2000x128xf32>
    %mul3A = vector.broadcast %div3A_10 : vector<2000x1xf32> to vector<2000x128xf32>
    %mul3A_26 = arith.mulf %mul3A, %add3A_25 : vector<2000x128xf32>
    %get3A_27 = arith.constant 0 : index
    %get3A_28 = arith.constant 0 : index
    %get3A_29 = vector.load %arg6[%get3A_27, %get3A_28] : memref<1x128xf32, #tpu.memory_space<vmem>>, vector<1x128xf32>
    %add3A_30 = vector.broadcast %get3A_29 : vector<1x128xf32> to vector<2000x128xf32>
    %add3A_31 = arith.addf %mul3A_26, %add3A_30 : vector<2000x128xf32>
    %max3A = arith.constant 0.000000e+00 : f32
    %max3A_32 = vector.broadcast %max3A : f32 to vector<2000x128xf32>
    %max3A_33 = arith.maximumf %add3A_31, %max3A_32 : vector<2000x128xf32>
    %get3A_34 = arith.constant 0 : index
    %get3A_35 = arith.constant 0 : index
    %get3A_36 = vector.load %arg7[%get3A_34, %get3A_35] : memref<128x128xf32, #tpu.memory_space<vmem>>, vector<128x128xf32>
    %dot_general3A = arith.constant dense<0.000000e+00> : vector<2000x128xf32>
    %dot_general3A_37 = tpu.matmul %max3A_33, %get3A_36, %dot_general3A {dimension_numbers = #tpu.dot_dimension_numbers<[1], [0], [0], [1], [0, 0, 1, 1], [], []>, transpose_lhs_hint = false} : vector<2000x128xf32>, vector<128x128xf32>, vector<2000x128xf32> -> vector<2000x128xf32>
    %mul3A_38 = vector.broadcast %div3A_10 : vector<2000x1xf32> to vector<2000x128xf32>
    %mul3A_39 = arith.mulf %dot_general3A_37, %mul3A_38 : vector<2000x128xf32>
    %swap3A = arith.constant 0 : index
    %swap3A_40 = arith.constant 0 : index
    %swap3A_41 = vector.load %arg8[%swap3A, %swap3A_40] : memref<2000x128xf32, #tpu.memory_space<vmem>>, vector<2000x128xf32>
    tpu.vector_store %arg8[%swap3A, %swap3A_40], %mul3A_39 {strides = array<i32>} : memref<2000x128xf32, #tpu.memory_space<vmem>>, vector<2000x128xf32>,
    return
  }
  func.func @transform_0(%arg0: i32) -> (i32, i32, i32) {
    %c0_i32 = arith.constant 0 : i32
    %c0_i32_0 = arith.constant 0 : i32
    %c0_i32_1 = arith.constant 0 : i32
    return %c0_i32, %arg0, %c0_i32_0 : i32, i32, i32
  }
  func.func @transform_1(%arg0: i32) -> (i32, i32, i32) {
    %c1_i32 = arith.constant 1 : i32
    %c0_i32 = arith.constant 0 : i32
    %c0_i32_0 = arith.constant 0 : i32
    return %c1_i32, %arg0, %c0_i32 : i32, i32, i32
  }
  func.func @transform_2(%arg0: i32) -> (i32, i32) {
    %c0_i32 = arith.constant 0 : i32
    %c0_i32_0 = arith.constant 0 : i32
    return %arg0, %c0_i32 : i32, i32
  }
  func.func @transform_3(%arg0: i32) -> (i32, i32) {
    %c0_i32 = arith.constant 0 : i32
    %c0_i32_0 = arith.constant 0 : i32
    return %arg0, %c0_i32 : i32, i32
  }
  func.func @transform_4(%arg0: i32) -> (i32, i32) {
    %c0_i32 = arith.constant 0 : i32
    %c0_i32_0 = arith.constant 0 : i32
    return %arg0, %c0_i32 : i32, i32
  }
  func.func @transform_5(%arg0: i32) -> (i32, i32) {
    %c0_i32 = arith.constant 0 : i32
    %c0_i32_0 = arith.constant 0 : i32
    %c0_i32_1 = arith.constant 0 : i32
    return %c0_i32, %c0_i32_0 : i32, i32
  }
  func.func @transform_6(%arg0: i32) -> (i32, i32) {
    %c0_i32 = arith.constant 0 : i32
    %c0_i32_0 = arith.constant 0 : i32
    %c0_i32_1 = arith.constant 0 : i32
    return %c0_i32, %c0_i32_0 : i32, i32
  }
  func.func @transform_7(%arg0: i32) -> (i32, i32) {
    %c0_i32 = arith.constant 0 : i32
    %c0_i32_0 = arith.constant 0 : i32
    return %arg0, %c0_i32 : i32, i32
  }
}

module attributes {stable_mosaic.version = 14 : i64} {
  func.func @_tc_last_body(%arg0: i32, %arg1: memref<1x2000x128xf32, #tpu.memory_space<vmem>>, %arg2: memref<1x2000x128xf32, #tpu.memory_space<vmem>>, %arg3: memref<2000x128xf32, #tpu.memory_space<vmem>>, %arg4: memref<2000x16xf32, #tpu.memory_space<vmem>>, %arg5: memref<2000x16xf32, #tpu.memory_space<vmem>>, %arg6: memref<1x128xf32, #tpu.memory_space<vmem>>, %arg7: memref<128x128xf32, #tpu.memory_space<vmem>>, %arg8: memref<128x128xf32, #tpu.memory_space<vmem>>, %arg9: memref<2000x128xf32, #tpu.memory_space<vmem>>, %arg10: memref<2000x128xf32, #tpu.memory_space<vmem>>) attributes {dimension_semantics = [#tpu.dimension_semantics<arbitrary>], iteration_bounds = array<i64: 5>, scalar_prefetch = 0 : i64, scratch_operands = 0 : i64, tpu.core_type = #tpu.core_type<tc>, window_params = [{transform_indices = @transform_0, window_bounds = array<i64: 1, 2000, 128>}, {transform_indices = @transform_1, window_bounds = array<i64: 1, 2000, 128>}, {transform_indices = @transform_2, window_bounds = array<i64: 2000, 128>}, {transform_indices = @transform_3, window_bounds = array<i64: 2000, 16>}, {transform_indices = @transform_4, window_bounds = array<i64: 2000, 16>}, {pipeline_mode = #tpu.pipeline_mode<synchronous>, transform_indices = @transform_5, window_bounds = array<i64: 1, 128>}, {pipeline_mode = #tpu.pipeline_mode<synchronous>, transform_indices = @transform_6, window_bounds = array<i64: 128, 128>}, {pipeline_mode = #tpu.pipeline_mode<synchronous>, transform_indices = @transform_7, window_bounds = array<i64: 128, 128>}, {transform_indices = @transform_8, window_bounds = array<i64: 2000, 128>}, {transform_indices = @transform_9, window_bounds = array<i64: 2000, 128>}]} {
    %get3A = arith.constant 0 : index
    %get3A_0 = arith.constant 0 : index
    %get3A_1 = vector.load %arg4[%get3A, %get3A_0] : memref<2000x16xf32, #tpu.memory_space<vmem>>, vector<2000x16xf32>
    %get3A_2 = arith.constant 0 : index
    %get3A_3 = arith.constant 0 : index
    %get3A_4 = vector.load %arg5[%get3A_2, %get3A_3] : memref<2000x16xf32, #tpu.memory_space<vmem>>, vector<2000x16xf32>
    %slice3A = vector.extract_strided_slice %get3A_1 {offsets = [0, 0], sizes = [2000, 1], strides = [1, 1]} : vector<2000x16xf32> to vector<2000x1xf32>
    %slice3A_5 = vector.extract_strided_slice %get3A_4 {offsets = [0, 0], sizes = [2000, 1], strides = [1, 1]} : vector<2000x16xf32> to vector<2000x1xf32>
    %add3A = arith.addf %slice3A, %slice3A_5 : vector<2000x1xf32>
    %add3A_6 = arith.constant 1.000000e+00 : f32
    %add3A_7 = vector.broadcast %add3A_6 : f32 to vector<2000x1xf32>
    %add3A_8 = arith.addf %add3A, %add3A_7 : vector<2000x1xf32>
    %sqrt3A = math.sqrt %add3A_8 : vector<2000x1xf32>
    %div3A = arith.constant 1.000000e+00 : f32
    %div3A_9 = vector.broadcast %div3A : f32 to vector<2000x1xf32>
    %div3A_10 = arith.divf %div3A_9, %sqrt3A : vector<2000x1xf32>
    %get3A_11 = arith.constant 0 : index
    %get3A_12 = arith.constant 0 : index
    %get3A_13 = arith.constant 0 : index
    %get3A_14 = vector.load %arg1[%get3A_11, %get3A_12, %get3A_13] : memref<1x2000x128xf32, #tpu.memory_space<vmem>>, vector<1x2000x128xf32>
    %get3A_15 = vector.shape_cast %get3A_14 : vector<1x2000x128xf32> to vector<2000x128xf32>
    %get3A_16 = arith.constant 0 : index
    %get3A_17 = arith.constant 0 : index
    %get3A_18 = arith.constant 0 : index
    %get3A_19 = vector.load %arg2[%get3A_16, %get3A_17, %get3A_18] : memref<1x2000x128xf32, #tpu.memory_space<vmem>>, vector<1x2000x128xf32>
    %get3A_20 = vector.shape_cast %get3A_19 : vector<1x2000x128xf32> to vector<2000x128xf32>
    %add3A_21 = arith.addf %get3A_15, %get3A_20 : vector<2000x128xf32>
    %get3A_22 = arith.constant 0 : index
    %get3A_23 = arith.constant 0 : index
    %get3A_24 = vector.load %arg3[%get3A_22, %get3A_23] : memref<2000x128xf32, #tpu.memory_space<vmem>>, vector<2000x128xf32>
    %add3A_25 = arith.addf %add3A_21, %get3A_24 : vector<2000x128xf32>
    %mul3A = vector.broadcast %div3A_10 : vector<2000x1xf32> to vector<2000x128xf32>
    %mul3A_26 = arith.mulf %mul3A, %add3A_25 : vector<2000x128xf32>
    %get3A_27 = arith.constant 0 : index
    %get3A_28 = arith.constant 0 : index
    %get3A_29 = vector.load %arg6[%get3A_27, %get3A_28] : memref<1x128xf32, #tpu.memory_space<vmem>>, vector<1x128xf32>
    %add3A_30 = vector.broadcast %get3A_29 : vector<1x128xf32> to vector<2000x128xf32>
    %add3A_31 = arith.addf %mul3A_26, %add3A_30 : vector<2000x128xf32>
    %get3A_32 = arith.constant 0 : index
    %get3A_33 = arith.constant 0 : index
    %get3A_34 = vector.load %arg7[%get3A_32, %get3A_33] : memref<128x128xf32, #tpu.memory_space<vmem>>, vector<128x128xf32>
    %dot_general3A = arith.constant dense<0.000000e+00> : vector<2000x128xf32>
    %dot_general3A_35 = tpu.matmul %add3A_31, %get3A_34, %dot_general3A {dimension_numbers = #tpu.dot_dimension_numbers<[1], [0], [0], [1], [0, 0, 1, 1], [], []>, transpose_lhs_hint = false} : vector<2000x128xf32>, vector<128x128xf32>, vector<2000x128xf32> -> vector<2000x128xf32>
    %swap3A = arith.constant 0 : index
    %swap3A_36 = arith.constant 0 : index
    %swap3A_37 = vector.load %arg9[%swap3A, %swap3A_36] : memref<2000x128xf32, #tpu.memory_space<vmem>>, vector<2000x128xf32>
    tpu.vector_store %arg9[%swap3A, %swap3A_36], %dot_general3A_35 {strides = array<i32>} : memref<2000x128xf32, #tpu.memory_space<vmem>>, vector<2000x128xf32>,
    %get3A_38 = arith.constant 0 : index
    %get3A_39 = arith.constant 0 : index
    %get3A_40 = vector.load %arg8[%get3A_38, %get3A_39] : memref<128x128xf32, #tpu.memory_space<vmem>>, vector<128x128xf32>
    %dot_general3A_41 = arith.constant dense<0.000000e+00> : vector<2000x128xf32>
    %dot_general3A_42 = tpu.matmul %add3A_31, %get3A_40, %dot_general3A_41 {dimension_numbers = #tpu.dot_dimension_numbers<[1], [0], [0], [1], [0, 0, 1, 1], [], []>, transpose_lhs_hint = false} : vector<2000x128xf32>, vector<128x128xf32>, vector<2000x128xf32> -> vector<2000x128xf32>
    %swap3A_43 = arith.constant 0 : index
    %swap3A_44 = arith.constant 0 : index
    %swap3A_45 = vector.load %arg10[%swap3A_43, %swap3A_44] : memref<2000x128xf32, #tpu.memory_space<vmem>>, vector<2000x128xf32>
    tpu.vector_store %arg10[%swap3A_43, %swap3A_44], %dot_general3A_42 {strides = array<i32>} : memref<2000x128xf32, #tpu.memory_space<vmem>>, vector<2000x128xf32>,
    return
  }
  func.func @transform_0(%arg0: i32) -> (i32, i32, i32) {
    %c0_i32 = arith.constant 0 : i32
    %c0_i32_0 = arith.constant 0 : i32
    %c0_i32_1 = arith.constant 0 : i32
    return %c0_i32, %arg0, %c0_i32_0 : i32, i32, i32
  }
  func.func @transform_1(%arg0: i32) -> (i32, i32, i32) {
    %c1_i32 = arith.constant 1 : i32
    %c0_i32 = arith.constant 0 : i32
    %c0_i32_0 = arith.constant 0 : i32
    return %c1_i32, %arg0, %c0_i32 : i32, i32, i32
  }
  func.func @transform_2(%arg0: i32) -> (i32, i32) {
    %c0_i32 = arith.constant 0 : i32
    %c0_i32_0 = arith.constant 0 : i32
    return %arg0, %c0_i32 : i32, i32
  }
  func.func @transform_3(%arg0: i32) -> (i32, i32) {
    %c0_i32 = arith.constant 0 : i32
    %c0_i32_0 = arith.constant 0 : i32
    return %arg0, %c0_i32 : i32, i32
  }
  func.func @transform_4(%arg0: i32) -> (i32, i32) {
    %c0_i32 = arith.constant 0 : i32
    %c0_i32_0 = arith.constant 0 : i32
    return %arg0, %c0_i32 : i32, i32
  }
  func.func @transform_5(%arg0: i32) -> (i32, i32) {
    %c0_i32 = arith.constant 0 : i32
    %c0_i32_0 = arith.constant 0 : i32
    %c0_i32_1 = arith.constant 0 : i32
    return %c0_i32, %c0_i32_0 : i32, i32
  }
  func.func @transform_6(%arg0: i32) -> (i32, i32) {
    %c0_i32 = arith.constant 0 : i32
    %c0_i32_0 = arith.constant 0 : i32
    %c0_i32_1 = arith.constant 0 : i32
    return %c0_i32, %c0_i32_0 : i32, i32
  }
  func.func @transform_7(%arg0: i32) -> (i32, i32) {
    %c0_i32 = arith.constant 0 : i32
    %c0_i32_0 = arith.constant 0 : i32
    %c0_i32_1 = arith.constant 0 : i32
    return %c0_i32, %c0_i32_0 : i32, i32
  }
  func.func @transform_8(%arg0: i32) -> (i32, i32) {
    %c0_i32 = arith.constant 0 : i32
    %c0_i32_0 = arith.constant 0 : i32
    return %arg0, %c0_i32 : i32, i32
  }
  func.func @transform_9(%arg0: i32) -> (i32, i32) {
    %c0_i32 = arith.constant 0 : i32
    %c0_i32_0 = arith.constant 0 : i32
    return %arg0, %c0_i32 : i32, i32
  }
}

module attributes {stable_mosaic.version = 14 : i64} {
  func.func @_tc_head_body(%arg0: i32, %arg1: memref<4096x128xf32, #tpu.memory_space<vmem>>, %arg2: memref<1x128xf32, #tpu.memory_space<vmem>>, %arg3: memref<1x128xf32, #tpu.memory_space<vmem>>, %arg4: memref<1xf32, #tpu.memory_space<smem>>, %arg5: memref<4096xf32, #tpu.memory_space<vmem>>) attributes {dimension_semantics = [#tpu.dimension_semantics<arbitrary>], iteration_bounds = array<i64: 30>, scalar_prefetch = 0 : i64, scratch_operands = 0 : i64, tpu.core_type = #tpu.core_type<tc>, window_params = [{transform_indices = @transform_0, window_bounds = array<i64: 4096, 128>}, {pipeline_mode = #tpu.pipeline_mode<synchronous>, transform_indices = @transform_1, window_bounds = array<i64: 1, 128>}, {pipeline_mode = #tpu.pipeline_mode<synchronous>, transform_indices = @transform_2, window_bounds = array<i64: 1, 128>}, {transform_indices = @transform_3, window_bounds = array<i64: 1>}, {transform_indices = @transform_4, window_bounds = array<i64: 4096>}]} {
    %get3A = arith.constant 0 : index
    %get3A_0 = arith.constant 0 : index
    %get3A_1 = vector.load %arg1[%get3A, %get3A_0] : memref<4096x128xf32, #tpu.memory_space<vmem>>, vector<4096x128xf32>
    %get3A_2 = arith.constant 0 : index
    %get3A_3 = arith.constant 0 : index
    %get3A_4 = vector.load %arg2[%get3A_2, %get3A_3] : memref<1x128xf32, #tpu.memory_space<vmem>>, vector<1x128xf32>
    %add3A = vector.broadcast %get3A_4 : vector<1x128xf32> to vector<4096x128xf32>
    %add3A_5 = arith.addf %get3A_1, %add3A : vector<4096x128xf32>
    %max3A = arith.constant 0.000000e+00 : f32
    %max3A_6 = vector.broadcast %max3A : f32 to vector<4096x128xf32>
    %max3A_7 = arith.maximumf %add3A_5, %max3A_6 : vector<4096x128xf32>
    %convert_element_type3A = arith.truncf %max3A_7 : vector<4096x128xf32> to vector<4096x128xbf16>
    %convert_element_type3A_8 = arith.extf %convert_element_type3A : vector<4096x128xbf16> to vector<4096x128xf32>
    %get3A_9 = arith.constant 0 : index
    %get3A_10 = arith.constant 0 : index
    %get3A_11 = vector.load %arg3[%get3A_9, %get3A_10] : memref<1x128xf32, #tpu.memory_space<vmem>>, vector<1x128xf32>
    %convert_element_type3A_12 = arith.truncf %get3A_11 : vector<1x128xf32> to vector<1x128xbf16>
    %convert_element_type3A_13 = arith.extf %convert_element_type3A_12 : vector<1x128xbf16> to vector<1x128xf32>
    %mul3A = vector.broadcast %convert_element_type3A_13 : vector<1x128xf32> to vector<4096x128xf32>
    %mul3A_14 = arith.mulf %convert_element_type3A_8, %mul3A : vector<4096x128xf32>
    %reduce_sum3A = arith.constant dense<0.000000e+00> : vector<4096xf32>
    %reduce_sum3A_15 = vector.multi_reduction <add>, %mul3A_14, %reduce_sum3A [1] : vector<4096x128xf32> to vector<4096xf32>
    %get3A_16 = arith.constant 0 : index
    %get3A_17 = memref.load %arg4[%get3A_16] : memref<1xf32, #tpu.memory_space<smem>>
    %add3A_18 = vector.broadcast %get3A_17 : f32 to vector<4096xf32>
    %add3A_19 = arith.addf %reduce_sum3A_15, %add3A_18 : vector<4096xf32>
    %swap3A = arith.constant 0 : index
    %swap3A_20 = vector.load %arg5[%swap3A] : memref<4096xf32, #tpu.memory_space<vmem>>, vector<4096xf32>
    tpu.vector_store %arg5[%swap3A], %add3A_19 {strides = array<i32>} : memref<4096xf32, #tpu.memory_space<vmem>>, vector<4096xf32>,
    return
  }
  func.func @transform_0(%arg0: i32) -> (i32, i32) {
    %c0_i32 = arith.constant 0 : i32
    %c0_i32_0 = arith.constant 0 : i32
    return %arg0, %c0_i32 : i32, i32
  }
  func.func @transform_1(%arg0: i32) -> (i32, i32) {
    %c0_i32 = arith.constant 0 : i32
    %c0_i32_0 = arith.constant 0 : i32
    %c0_i32_1 = arith.constant 0 : i32
    return %c0_i32, %c0_i32_0 : i32, i32
  }
  func.func @transform_2(%arg0: i32) -> (i32, i32) {
    %c0_i32 = arith.constant 0 : i32
    %c0_i32_0 = arith.constant 0 : i32
    %c0_i32_1 = arith.constant 0 : i32
    return %c0_i32, %c0_i32_0 : i32, i32
  }
  func.func @transform_3(%arg0: i32) -> i32 {
    %c0_i32 = arith.constant 0 : i32
    %c0_i32_0 = arith.constant 0 : i32
    return %c0_i32 : i32
  }
  func.func @transform_4(%arg0: i32) -> i32 {
    %c0_i32 = arith.constant 0 : i32
    return %arg0 : i32
  }
}

</mosaic_0001>

<sc_bundles>
// kernel: kernel.15.cloned.1.call-start
scs
__scs_entry_jumppad:
0x0: {  	(pc) =	sbr.rel $0x88, $3  }
0x1: {  	(tag) =	ssettag $0x0;
	lr =	simm.s32 $0x1  }
0x2: {  	[smem:$0x3F8F] =	sst lr;
	_ =	strace $0xD0000000  }
0x3: {  	_ = 	snop  }
0x4: {  	_ = 	snop  }
0x5: {  	_ = 	snop  }
0x6: {  	_ = 	snop  }
0x7: {  	_ = 	snop  }
__scs_overlays_trampoline_lowered:
0x8: {  	[smem:$0x3F9E] =	sst s0  }
0x9: {  	[smem:$0x3F9F] =	sst s1  }
0xa: {  	[smem:$0x3FA0] =	sst s2  }
0xb: {  	[smem:$0x3FA1] =	sst s3  }
0xc: {  	[smem:$0x3FA2] =	sst s4  }
0xd: {  	[smem:$0x3FA3] =	sst s5  }
0xe: {  	[smem:$0x3FA4] =	sst s6  }
0xf: {  	[smem:$0x3FA5] =	sst s7  }
0x10: {  	[smem:$0x3FA6] =	sst s8  }
0x11: {  	[smem:$0x3FA7] =	sst s9;
	s0 =	simm.s32 @!p0 $0x0  }
0x12: {  	s1 =	sld [smem:$0x3F8D];
	s0 =	simm.s32 @p0 $0x1  }
0x13: {  	[smem:$0x3FA8] =	sst s0;
	s0 =	simm.s32 @!p1 $0x0  }
0x14: {  	s2 =	sld [smem:$0x3F8C];
	s0 =	simm.s32 @p1 $0x1  }
0x15: {  	[smem:$0x3FA9] =	sst s0;
	s0 =	simm.s32 @!p2 $0x0  }
0x16: {  	s3 =	sld [smem:$0x3FDB];
	s0 =	simm.s32 @p2 $0x1  }
0x17: {  	s4 =	simm.s32 $0x1BF5;
	[smem:$0x3FAB] =	sst s0  }
0x18: {  	s0 =	sld [smem:$0x3F8E];
	_ =	swait.ge [sflag:s4], $0x0  }
0x19: {  	s7 =	sld [smem:$0x3F8F]  }
0x1a: {  	s8 =	sadd.s32 $0xFFFFE003, lr  }
0x1b: {  	s9 =	sadd.s32 $0xFFFFFEF7, lr;
	s5 =	simm.s32 $0xFFFFFFFF;
	p2 =	slt.u32 s8, $0xFFFFF086  }
0x1c: {  	p1 =	slt.u32 s9, $0xF7A;
	s5 =	simm.s32 @!p2 $0x0  }
0x1d: {  	s5 =	simm.s32 @p1 $0x1;
	p0 =	seq.s32 s7, s2  }
0x1e: {  	s7 =	smul.u32 @!p0 $0xF7A, s2;
	p2 =	seq.s32 @!p0 s5, $0x0  }
0x1f: {  	s9 =	smul.u32 $0xF7A, s1;
	s8 =	simm.s32 @!p0 $0x1BF5;
	p2 =	por !p2, p0  }
0x20: {  	[sflag:s8] =	ssyncset.s32 @!p0 $0xFFFFF086;
	s6 =	sadd.s32 @!p0 s3, s7;
	s7 =	simm.s32 @!p0 $0x108  }
0x21: {  	s3 =	sadd.s32 s3, s9;
	s6 =	sadd.s32 @!p0 $0x88, s6;
	s7 =	simm.s32 @p2 $0x1082  }
0x22: {  	[simem:s7], [sflag:s8] =	dma.local @!p0 [hbm:s6], $0xF7A  }
0x23: {  	s9 =	sor.u32 $0xD0000000, s2;
	s6 =	simm.s32 $0x108;
	_ =	swait.ge @!p0 [sflag:s8], $0x0  }
0x24: {  	s3 =	sadd.s32 $0x88, s3;
	s6 =	simm.s32 @!p1 $0x1082;
	[sflag:s4] =	ssyncset.s32 $0xFFFFF086  }
0x25: {  	[simem:s6], [sflag:s4] =	dma.local [hbm:s3], $0xF7A  }
0x26: {  	[smem:$0x3F8F] =	sst s1;
	(tag) =	ssettag s2;
	_ =	strace s9  }
0x27: {  	s1 =	sld [smem:$0x3F9F]  }
0x28: {  	s2 =	sld [smem:$0x3FA0]  }
0x29: {  	s4 =	sld [smem:$0x3FA2]  }
0x2a: {  	p0 =	seq.s32 s5, $0x0;
	s5 =	sld [smem:$0x3FA3]  }
0x2b: {  	s6 =	sld [smem:$0x3FA4]  }
0x2c: {  	s7 =	sld [smem:$0x3FA5]  }
0x2d: {  	s3 =	simm.s32 $0x108;
	s8 =	sld [smem:$0x3FA6]  }
0x2e: {  	s3 =	simm.s32 @!p0 $0x1082;
	s9 =	sld [smem:$0x3FA7]  }
0x2f: {  	lr =	sadd.s32 s0, s3;
	s0 =	sld [smem:$0x3F9E]  }
0x30: {  	s3 =	sld [smem:$0x3FA1]  }
0x31: {  	[smem:$0x3FAA] =	sst s10  }
0x32: {  	s10 =	sld [smem:$0x3FA8];
	_ =	sdelay $0x3  }
0x33: {  	p0 =	seq.s32 s10, $0x1;
	s10 =	sld [smem:$0x3FAA];
	_ =	sdelay $0x3  }
0x34: {  	[smem:$0x3FAA] =	sst s10  }
0x35: {  	s10 =	sld [smem:$0x3FA9];
	_ =	sdelay $0x3  }
0x36: {  	p1 =	seq.s32 s10, $0x1;
	s10 =	sld [smem:$0x3FAA];
	_ =	sdelay $0x3  }
0x37: {  	[smem:$0x3FAA] =	sst s10  }
0x38: {  	s10 =	sld [smem:$0x3FAB]  }
0x39: {  	_ = 	snop;
	(pc) =	sbr.ind lr, $3  }
0x3a: {  	_ = 	snop  }
0x3b: {  	_ = 	snop  }
0x3c: {  	p2 =	seq.s32 s10, $0x1;
	s10 =	sld [smem:$0x3FAA]  }
0x3d: {  	_ =	shalt  }
0x3e: {  	_ =	shalt  }
0x3f: {  	_ =	shalt  }
0x40: {  	_ =	shalt  }
0x41: {  	_ =	shalt  }
0x42: {  	_ =	shalt  }
0x43: {  	_ =	shalt  }
0x44: {  	_ =	shalt  }
0x45: {  	_ =	shalt  }
0x46: {  	_ =	shalt  }
0x47: {  	_ =	shalt  }
0x48: {  	_ =	shalt  }
0x49: {  	_ =	shalt  }
0x4a: {  	_ =	shalt  }
0x4b: {  	_ =	shalt  }
0x4c: {  	_ =	shalt  }
0x4d: {  	_ =	shalt  }
0x4e: {  	_ =	shalt  }
0x4f: {  	_ =	shalt  }
0x50: {  	_ =	shalt  }
0x51: {  	_ =	shalt  }
0x52: {  	_ =	shalt  }
0x53: {  	_ =	shalt  }
0x54: {  	_ =	shalt  }
0x55: {  	_ =	shalt  }
0x56: {  	_ =	shalt  }
0x57: {  	_ =	shalt  }
0x58: {  	_ =	shalt  }
0x59: {  	_ =	shalt  }
0x5a: {  	_ =	shalt  }
0x5b: {  	_ =	shalt  }
0x5c: {  	_ =	shalt  }
0x5d: {  	_ =	shalt  }
0x5e: {  	_ =	shalt  }
0x5f: {  	_ =	shalt  }
0x60: {  	_ =	shalt  }
0x61: {  	_ =	shalt  }
0x62: {  	_ =	shalt  }
0x63: {  	_ =	shalt  }
0x64: {  	_ =	shalt  }
0x65: {  	_ =	shalt  }
0x66: {  	_ =	shalt  }
0x67: {  	_ =	shalt  }
0x68: {  	_ =	shalt  }
0x69: {  	_ =	shalt  }
0x6a: {  	_ =	shalt  }
0x6b: {  	_ =	shalt  }
0x6c: {  	_ =	shalt  }
0x6d: {  	_ =	shalt  }
0x6e: {  	_ =	shalt  }
0x6f: {  	_ =	shalt  }
0x70: {  	_ =	shalt  }
0x71: {  	_ =	shalt  }
0x72: {  	_ =	shalt  }
0x73: {  	_ =	shalt  }
0x74: {  	_ =	shalt  }
0x75: {  	_ =	shalt  }
0x76: {  	_ =	shalt  }
0x77: {  	_ =	shalt  }
0x78: {  	_ =	shalt  }
0x79: {  	_ =	shalt  }
0x7a: {  	_ =	shalt  }
0x7b: {  	_ =	shalt  }
0x7c: {  	_ =	shalt  }
0x7d: {  	_ =	shalt  }
0x7e: {  	_ =	shalt  }
0x7f: {  	_ =	shalt  }
0x80: {  	_ =	shalt  }
0x81: {  	_ =	shalt  }
0x82: {  	_ =	shalt  }
0x83: {  	_ =	shalt  }
0x84: {  	_ =	shalt  }
0x85: {  	_ =	shalt  }
0x86: {  	_ =	shalt  }
0x87: {  	_ =	shalt  }
.Lfunc_end0:
.L_simem_size_0:
called_computation_lowered:
.L_overlay_start_0:
0x88: {  	s2 =	sld [smem:$0x3FD9]  }
0x89: {  	s3 =	sld [smem:$0x3FFE];
	_ =	sdelay $0x1  }
0x8a: {  	s1 =	srdreg.scid  }
0x8b: {  	s0 =	sand.u32 $0x1, s1  }
0x8c: {  	s14 =	sshll.u32 s0, $0xA;
	s2 =	sadd.s32 s3, s2  }
0x8d: {  	s2 =	sadd.s32 s2, s14  }
0x8e: {  	[smem:$0x3FB6] =	sst s2  }
0x8f: {  	_ = 	snop  }
0x90: {  	s2 =	sld [smem:$0x3FD0];
	_ =	sdelay $0x2  }
0x91: {  	s15 =	simm.s32 $0xA;
	s4 =	simm.s32 $0x10  }
0x92: {  	[smem:s4], [sflag:s15] =	dma.local [hbm:s2], $0x1  }
0x93: {  	_ =	swait.eq [sflag:s15], $0x1  }
0x94: {  	[sflag:s15] =	ssyncset.done $0x0  }
0x95: {  	s16 =	sld [smem:$0x10];
	[sflag:s15] =	ssyncadd.s32 $0xFFFFFFFF  }
0x96: {  	s17 =	sld [smem:$0x11];
	(tm) =	ssettm $0x1  }
0x97: {  	s18 =	sld [smem:$0x3FFB];
	_ =	sdelay $0x3  }
0x98: {  	_ =	strace s18  }
0x99: {  	s4 =	sld [smem:$0x3FFC];
	_ =	sdelay $0x3  }
0x9a: {  	_ =	strace s4  }
0x9b: {  	s4 =	sld [smem:$0x3FFD];
	_ =	sdelay $0x3  }
0x9c: {  	_ =	strace s4  }
0x9d: {  	_ =	strace $0x8FFFFFFF  }
0x9e: {  	s19 =	sld [smem:$0x3FDB];
	_ =	sdelay $0x1  }
0x9f: {  	s5 =	simm.s32 $_scs_section_size  }
0xa0: {  	s6 =	simm.s32 $_size__tile_overlayer_lowered;
	s7 =	simm.s32 $_tile_overlayer_lowered  }
0xa1: {  	s22 =	simm.s32 $0x1BFF;
	s21 =	sshll.u32 s7, $0x1;
	s4 =	sadd.s32 s5, s19  }
0xa2: {  	s8 =	simm.s32 $0x0;
	s20 =	sshll.u32 s6, $0x1;
	s6 =	sadd.s32 s21, s4  }
0xa3: {  	[timem:s8], [sflag:s22] =	dma.local [hbm:s6], s20  }
0xa4: {  	_ =	swait.ge [sflag:s22], s20  }
0xa5: {  	s5 =	ssub.s32 $0x0, s20;
	[sflag:s22] =	ssyncset.done $0x0  }
0xa6: {  	[sflag:s22] =	ssyncadd.s32 s5;
	_ =	sdelay $0x1  }
0xa7: {  	s23 =	simm.s32 $0x1B8B  }
0xa8: {  	_ =	swait.ge [sflag:s23], $0x1  }
0xa9: {  	[sflag:s23] =	ssyncset.done $0x0  }
0xaa: {  	s25 =	simm.s32 $0x1B8E;
	s24 =	sld [smem:$0x3FFE];
	[sflag:s23] =	ssyncadd.s32 $0xFFFFFFFF  }
0xab: {  	s26 =	simm.s32 $execute0_lowered;
	[smem:$0x3FD2] =	sst s25  }
0xac: {  	s6 =	sshll.u32 s26, $0x1;
	_ =	strace $0x80000046;
	[dreg:$0x1] =	wrdreg $0xFFFFFFFF  }
0xad: {  	s28 =	simm.s32 $_size_execute0_lowered;
	s4 =	sadd.s32 s4, s6;
	[dreg:$0x0] =	wrdreg $0x0  }
0xae: {  	s6 =	sshll.u32 s28, $0x1;
	[dreg:$0x2] =	wrdreg s4  }
0xaf: {  	[dreg:$0x3] =	wrdreg s6  }
0xb0: {  	[dreg:$0x4] =	wrdreg $0xC0  }
0xb1: {  	_ =	task [dreg:s8], $0x5FFFF  }
0xb2: {  	[dreg:$0x1] =	wrdreg $0xFFFFFFFF  }
0xb3: {  	[dreg:$0x0] =	wrdreg $0x60  }
0xb4: {  	[dreg:$0x2] =	wrdreg s24  }
0xb5: {  	[dreg:$0x3] =	wrdreg s17  }
0xb6: {  	[dreg:$0x4] =	wrdreg s16  }
0xb7: {  	[dreg:$0x5] =	wrdreg $0x68000  }
0xb8: {  	[dreg:$0x6] =	wrdreg $0x9  }
0xb9: {  	_ =	task.clear_ibuf [dreg:s8], $0x7FFFF;
	_ =	strace $0x90000046  }
0xba: {  	s29 =	simm.s32 $0x9;
	_ =	strace $0x80000048  }
0xbb: {  	_ =	swait.ge [sflag:s29], $0x1  }
0xbc: {  	[sflag:s29] =	ssyncadd.s32 $0xFFFFFFFF  }
0xbd: {  	_ =	strace $0x90000048  }
0xbe: {  	_ =	sfence  }
0xbf: {  	s30 =	sld [smem:$0x0];
	_ =	sdelay $0x2  }
0xc0: {  	s31 =	sshll.u32 s1, $0xD;
	s1 =	sshrl.u32 s1, $0x2  }
0xc1: {  	s3 =	sand.u32 $0x4000, s31;
	s1 =	sadd.s32 s1, s30  }
0xc2: {  	s0 =	sor.u32 s3, s0;
	s1 =	sshll.u32 s1, $0x11  }
0xc3: {  	s0 =	sor.u32 s1, s0  }
0xc4: {  	s0 =	sadd.s32 $0x8F2B, s0  }
0xc5: {  	[sflag:s0] =	ssyncadd.remote.s32 $0x1  }
0xc6: {  	_ =	sfence.sel $0xFFFF  }
0xc7: {  	[dreg:$0x0] =	wrdreg $0xFFFFFFFF;
	(pc) =	sbr.abs _section_cstart, $3  }
0xc8: {  	[dreg:$0x1] =	wrdreg $0xFFFFFFFF  }
0xc9: {  	_ =	task.clear_ibuf [dreg:s8], $0x2FFFF;
	_ =	strace $0x9FFFFFFF  }
0xca: {  	(tm) =	ssettm $0x7FFFFFFF  }
0xcb: {  	_ =	shalt  }
tec
execute0_lowered:
.L_overlay_start_1:
0x0: {  	(tag) =	ssettag $0x1  }
0x1: {  	s6 =	rddreg [dreg:$0x0]  }
0x2: {  	s1 =	rddreg [dreg:$0x1]  }
0x3: {  	s2 =	rddreg [dreg:$0x2]  }
0x4: {  	s3 =	rddreg [dreg:$0x3]  }
0x5: {  	s4 =	srdreg.scid;
	s0 =	rddreg [dreg:$0x4];
	s5 =	simm.s32 $0x0  }
0x6: {  	s13 =	simm.s32 $0x80;
	s14 =	simm.s32 $0x1;
	s7 =	sand.u32 $0x1, s4  }
0x7: {  	s15 =	simm.s32 $0x0;
	s4 =	stileid.u32;
	s9 =	smul.u32 $0x140000, s7  }
0x8: {  	[smem:$0x7FF] =	sst s5;
	s8 =	sshll.u32 s7, $0x4;
	s10 =	smul.u32 $0x14000, s4  }
0x9: {  	_ =	strace $0x80000047;
	s7 =	ssub.s32 $0x2, s7;
	s29 =	smul.u32 $0x50000, s4  }
0xa: {  	s31 =	sshll.u32 s4, $0x6;
	s8 =	sor.u32 s4, s8;
	s11 =	sshrl.u32 s7, $0x1  }
0xb: {  	s8 =	smul.u32 $0x500, s8;
	s9 =	sadd.s32 s10, s9;
	s11 =	ssub.s32 s7, s11  }
0xc: {  	s30 =	sshrl.u32 s29, $0x2;
	s10 =	simm.s32 $0x2800;
	s9 =	sshrl.u32 s9, $0x3  }
0xd: {  	s12 =	sadd.s32 s30, s3;
	s8 =	sadd.s32 s8, s6;
	s9 =	sadd.s32 s9, s6  }
0xe: {  	s12 =	sshrl.u32 s12, $0x3;
	s6 =	sadd.s32 $0x2800, s8;
	s7 =	sadd.s32 $0x16800, s9  }
0xf: {  	s8 =	smax.u32 s11, $0x1;
	s9 =	simm.s32 $0x2;
	s11 =	sor.u32 $0x1C02, s31  }
.LBB2_1:
0x10: {  	[tilespmem:s5], [sflag:$0x2] =	stream.linear.gather [hbm4b:s6+s5], $0x2800, $0x38;
	[tilespmem:$0x1A800] =	vst v63  }
0x11: {  	_ =	swait.ge [sflag:s9], $0x2800  }
0x12: {  	[sflag:s9] =	ssyncset.done $0x0  }
0x13: {  	[sflag:s9] =	ssyncadd.s32 $0xFFFFD800  }
0x14: {  	[tilespmem:s10], [sflag:$0x2] =	stream.linear.gather [hbm4b:s1+s5], $0x4000, $0x38;
	[tilespmem:$0x1A800] =	vst v63  }
0x15: {  	_ =	swait.ge [sflag:s9], $0x4000  }
0x16: {  	[sflag:s9] =	ssyncset.done $0x0  }
0x17: {  	[sflag:s9] =	ssyncadd.s32 $0xFFFFC000  }
0x18: {  	[spmem:s12], [sflag:s11] =	dma.local [hbm:s2], $0x2800  }
0x19: {  	_ =	swait.ge [sflag:s9], $0x2800  }
0x1a: {  	[sflag:s9] =	ssyncset.done $0x0  }
0x1b: {  	[sflag:s9] =	ssyncadd.s32 $0xFFFFD800  }
0x1c: {  	s16 =	simm.s32 $0x0;
	[bflag:$0x0] =	sbarrier.arrive $0xFFFF  }
0x1d: {  	[spmem:s3] =	stream.indirect.scatter.add.f32 [tilespmem:s10], [sflag:$0x1], $0x80, s16, s13, $0xb8;
	[tilespmem:$0x1A800] =	vst v63  }
0x1e: {  	s24 =	simm.s32 $0x80  }
0x1f: {  	[spmem:s3] =	stream.indirect.scatter.add.f32 [tilespmem:s10], [sflag:$0x1], $0x80, s24, s13, $0xb8;
	[tilespmem:$0x1A800] =	vst v63  }
0x20: {  	s25 =	simm.s32 $0x100  }
0x21: {  	[spmem:s3] =	stream.indirect.scatter.add.f32 [tilespmem:s10], [sflag:$0x1], $0x80, s25, s13, $0xb8;
	[tilespmem:$0x1A800] =	vst v63  }
0x22: {  	s26 =	simm.s32 $0x180  }
0x23: {  	[spmem:s3] =	stream.indirect.scatter.add.f32 [tilespmem:s10], [sflag:$0x1], $0x80, s26, s13, $0xb8;
	[tilespmem:$0x1A800] =	vst v63  }
0x24: {  	s28 =	simm.s32 $0x200  }
0x25: {  	[spmem:s3] =	stream.indirect.scatter.add.f32 [tilespmem:s10], [sflag:$0x1], $0x80, s28, s13, $0xb8;
	[tilespmem:$0x1A800] =	vst v63  }
0x26: {  	s29 =	simm.s32 $0x280  }
0x27: {  	[spmem:s3] =	stream.indirect.scatter.add.f32 [tilespmem:s10], [sflag:$0x1], $0x80, s29, s13, $0xb8;
	[tilespmem:$0x1A800] =	vst v63  }
0x28: {  	s30 =	simm.s32 $0x300  }
0x29: {  	[spmem:s3] =	stream.indirect.scatter.add.f32 [tilespmem:s10], [sflag:$0x1], $0x80, s30, s13, $0xb8;
	[tilespmem:$0x1A800] =	vst v63  }
0x2a: {  	s31 =	simm.s32 $0x380  }
0x2b: {  	[spmem:s3] =	stream.indirect.scatter.add.f32 [tilespmem:s10], [sflag:$0x1], $0x80, s31, s13, $0xb8;
	[tilespmem:$0x1A800] =	vst v63  }
0x2c: {  	_ =	swait.ge [sflag:s14], $0x4000  }
0x2d: {  	[sflag:s14] =	ssyncset.done $0x0  }
0x2e: {  	[sflag:s14] =	ssyncadd.s32 $0xFFFFC000  }
0x2f: {  	_ =	swait.ge [sflag:s14], $0x4000  }
0x30: {  	[sflag:s14] =	ssyncset.done $0x0  }
0x31: {  	[sflag:s14] =	ssyncadd.s32 $0xFFFFC000  }
0x32: {  	_ =	swait.ge [sflag:s14], $0x4000  }
0x33: {  	[sflag:s14] =	ssyncset.done $0x0  }
0x34: {  	[sflag:s14] =	ssyncadd.s32 $0xFFFFC000  }
0x35: {  	_ =	swait.ge [sflag:s14], $0x4000  }
0x36: {  	[sflag:s14] =	ssyncset.done $0x0  }
0x37: {  	[sflag:s14] =	ssyncadd.s32 $0xFFFFC000  }
0x38: {  	_ =	swait.ge [sflag:s14], $0x4000  }
0x39: {  	[sflag:s14] =	ssyncset.done $0x0  }
0x3a: {  	[sflag:s14] =	ssyncadd.s32 $0xFFFFC000  }
0x3b: {  	_ =	swait.ge [sflag:s14], $0x4000  }
0x3c: {  	[sflag:s14] =	ssyncset.done $0x0  }
0x3d: {  	[sflag:s14] =	ssyncadd.s32 $0xFFFFC000  }
0x3e: {  	_ =	swait.ge [sflag:s14], $0x4000  }
0x3f: {  	[sflag:s14] =	ssyncset.done $0x0  }
0x40: {  	[sflag:s14] =	ssyncadd.s32 $0xFFFFC000  }
0x41: {  	_ =	swait.ge [sflag:s14], $0x4000  }
0x42: {  	s18 =	simm.s32 $0x2000;
	s16 =	simm.s32 $0x1000;
	[sflag:s14] =	ssyncset.done $0x0  }
.LBB2_2:
0x43: {  	s19 =	sshra.s32 s16, $0x2  }
0x44: {  	[sflag:s14] =	ssyncadd.s32 $0xFFFFC000;
	s16 =	smov.u32 s18;
	s17 =	sadd.s32 $0x1000, s18  }
0x45: {  	[spmem:s3] =	stream.indirect.scatter.add.f32 [tilespmem:s10], [sflag:$0x1], $0x80, s19, s13, $0xb8;
	[tilespmem:$0x1A800] =	vst v63  }
0x46: {  	p0 =	sne.s32 s18, $0x9000;
	s18 =	sadd.s32 $0x80, s19  }
0x47: {  	[spmem:s3] =	stream.indirect.scatter.add.f32 [tilespmem:s10], [sflag:$0x1], $0x80, s18, s13, $0xb8;
	[tilespmem:$0x1A800] =	vst v63  }
0x48: {  	s18 =	sadd.s32 $0x100, s19  }
0x49: {  	[spmem:s3] =	stream.indirect.scatter.add.f32 [tilespmem:s10], [sflag:$0x1], $0x80, s18, s13, $0xb8;
	[tilespmem:$0x1A800] =	vst v63  }
0x4a: {  	s18 =	sadd.s32 $0x180, s19  }
0x4b: {  	[spmem:s3] =	stream.indirect.scatter.add.f32 [tilespmem:s10], [sflag:$0x1], $0x80, s18, s13, $0xb8;
	[tilespmem:$0x1A800] =	vst v63  }
0x4c: {  	s18 =	sadd.s32 $0x200, s19  }
0x4d: {  	[spmem:s3] =	stream.indirect.scatter.add.f32 [tilespmem:s10], [sflag:$0x1], $0x80, s18, s13, $0xb8;
	[tilespmem:$0x1A800] =	vst v63  }
0x4e: {  	s18 =	sadd.s32 $0x280, s19  }
0x4f: {  	[spmem:s3] =	stream.indirect.scatter.add.f32 [tilespmem:s10], [sflag:$0x1], $0x80, s18, s13, $0xb8;
	[tilespmem:$0x1A800] =	vst v63  }
0x50: {  	s18 =	sadd.s32 $0x300, s19  }
0x51: {  	[spmem:s3] =	stream.indirect.scatter.add.f32 [tilespmem:s10], [sflag:$0x1], $0x80, s18, s13, $0xb8;
	[tilespmem:$0x1A800] =	vst v63  }
0x52: {  	s18 =	sadd.s32 $0x380, s19  }
0x53: {  	[spmem:s3] =	stream.indirect.scatter.add.f32 [tilespmem:s10], [sflag:$0x1], $0x80, s18, s13, $0xb8;
	[tilespmem:$0x1A800] =	vst v63  }
0x54: {  	_ =	swait.ge [sflag:s14], $0x4000  }
0x55: {  	[sflag:s14] =	ssyncset.done $0x0  }
0x56: {  	[sflag:s14] =	ssyncadd.s32 $0xFFFFC000  }
0x57: {  	_ =	swait.ge [sflag:s14], $0x4000  }
0x58: {  	[sflag:s14] =	ssyncset.done $0x0  }
0x59: {  	[sflag:s14] =	ssyncadd.s32 $0xFFFFC000  }
0x5a: {  	_ =	swait.ge [sflag:s14], $0x4000  }
0x5b: {  	[sflag:s14] =	ssyncset.done $0x0  }
0x5c: {  	[sflag:s14] =	ssyncadd.s32 $0xFFFFC000  }
0x5d: {  	_ =	swait.ge [sflag:s14], $0x4000  }
0x5e: {  	[sflag:s14] =	ssyncset.done $0x0  }
0x5f: {  	[sflag:s14] =	ssyncadd.s32 $0xFFFFC000  }
0x60: {  	_ =	swait.ge [sflag:s14], $0x4000  }
0x61: {  	[sflag:s14] =	ssyncset.done $0x0  }
0x62: {  	[sflag:s14] =	ssyncadd.s32 $0xFFFFC000  }
0x63: {  	_ =	swait.ge [sflag:s14], $0x4000  }
0x64: {  	[sflag:s14] =	ssyncset.done $0x0  }
0x65: {  	[sflag:s14] =	ssyncadd.s32 $0xFFFFC000  }
.Ltmp0:
0x66: {  	_ =	swait.ge [sflag:s14], $0x4000;
	(pc) =	sbr.rel @p0 .LBB2_2-.Ltmp0, $4  }
0x67: {  	[sflag:s14] =	ssyncset.done $0x0  }
0x68: {  	[sflag:s14] =	ssyncadd.s32 $0xFFFFC000  }
0x69: {  	_ =	swait.ge [sflag:s14], $0x4000  }
0x6a: {  	s18 =	smov.u32 s17;
	[sflag:s14] =	ssyncset.done $0x0  }
0x6b: {  	s16 =	sshra.s32 s16, $0x2;
	[sflag:s14] =	ssyncadd.s32 $0xFFFFC000  }
0x6c: {  	[spmem:s3] =	stream.indirect.scatter.add.f32 [tilespmem:s10], [sflag:$0x1], $0x80, s16, s13, $0xb8;
	[tilespmem:$0x1A800] =	vst v63  }
0x6d: {  	s17 =	sadd.s32 $0x80, s16  }
0x6e: {  	[spmem:s3] =	stream.indirect.scatter.add.f32 [tilespmem:s10], [sflag:$0x1], $0x80, s17, s13, $0xb8;
	[tilespmem:$0x1A800] =	vst v63  }
0x6f: {  	s26 =	sadd.s32 $0x100, s16  }
0x70: {  	[spmem:s3] =	stream.indirect.scatter.add.f32 [tilespmem:s10], [sflag:$0x1], $0x80, s26, s13, $0xb8;
	[tilespmem:$0x1A800] =	vst v63  }
0x71: {  	s28 =	sadd.s32 $0x180, s16  }
0x72: {  	[spmem:s3] =	stream.indirect.scatter.add.f32 [tilespmem:s10], [sflag:$0x1], $0x80, s28, s13, $0xb8;
	[tilespmem:$0x1A800] =	vst v63  }
0x73: {  	s29 =	sadd.s32 $0x200, s16  }
0x74: {  	[spmem:s3] =	stream.indirect.scatter.add.f32 [tilespmem:s10], [sflag:$0x1], $0x80, s29, s13, $0xb8;
	[tilespmem:$0x1A800] =	vst v63  }
0x75: {  	s30 =	sadd.s32 $0x280, s16  }
0x76: {  	[spmem:s3] =	stream.indirect.scatter.add.f32 [tilespmem:s10], [sflag:$0x1], $0x80, s30, s13, $0xb8;
	[tilespmem:$0x1A800] =	vst v63  }
0x77: {  	s31 =	sadd.s32 $0x300, s16  }
0x78: {  	[spmem:s3] =	stream.indirect.scatter.add.f32 [tilespmem:s10], [sflag:$0x1], $0x80, s31, s13, $0xb8;
	[tilespmem:$0x1A800] =	vst v63  }
0x79: {  	s16 =	sadd.s32 $0x380, s16  }
0x7a: {  	[spmem:s3] =	stream.indirect.scatter.add.f32 [tilespmem:s10], [sflag:$0x1], $0x80, s16, s13, $0xb8;
	[tilespmem:$0x1A800] =	vst v63  }
0x7b: {  	_ =	swait.ge [sflag:s14], $0x4000  }
0x7c: {  	[sflag:s14] =	ssyncset.done $0x0  }
0x7d: {  	[sflag:s14] =	ssyncadd.s32 $0xFFFFC000  }
0x7e: {  	_ =	swait.ge [sflag:s14], $0x4000  }
0x7f: {  	[sflag:s14] =	ssyncset.done $0x0  }
0x80: {  	[sflag:s14] =	ssyncadd.s32 $0xFFFFC000  }
0x81: {  	_ =	swait.ge [sflag:s14], $0x4000  }
0x82: {  	[sflag:s14] =	ssyncset.done $0x0  }
0x83: {  	[sflag:s14] =	ssyncadd.s32 $0xFFFFC000  }
0x84: {  	_ =	swait.ge [sflag:s14], $0x4000  }
0x85: {  	[sflag:s14] =	ssyncset.done $0x0  }
0x86: {  	[sflag:s14] =	ssyncadd.s32 $0xFFFFC000  }
0x87: {  	_ =	swait.ge [sflag:s14], $0x4000  }
0x88: {  	[sflag:s14] =	ssyncset.done $0x0  }
0x89: {  	[sflag:s14] =	ssyncadd.s32 $0xFFFFC000  }
0x8a: {  	_ =	swait.ge [sflag:s14], $0x4000  }
0x8b: {  	[sflag:s14] =	ssyncset.done $0x0  }
0x8c: {  	[sflag:s14] =	ssyncadd.s32 $0xFFFFC000  }
0x8d: {  	_ =	swait.ge [sflag:s14], $0x4000  }
0x8e: {  	[sflag:s14] =	ssyncset.done $0x0  }
0x8f: {  	[sflag:s14] =	ssyncadd.s32 $0xFFFFC000  }
0x90: {  	_ =	swait.ge [sflag:s14], $0x4000  }
0x91: {  	s15 =	sadd.s32 $0x1, s15;
	[sflag:s14] =	ssyncset.done $0x0  }
0x92: {  	p0 =	sne.s32 s15, s8;
	[sflag:s14] =	ssyncadd.s32 $0xFFFFC000  }
.Ltmp1:
0x93: {  	[bflag:$0x0] =	sbarrier.arrive $0xFFFF;
	(pc) =	sbr.rel @p0 .LBB2_1-.Ltmp1, $4  }
0x94: {  	[hbm:s7], [sflag:s11] =	dma.local [spmem:s12], $0x2800  }
0x95: {  	_ =	swait.ge [sflag:s9], $0x2800  }
0x96: {  	[sflag:s9] =	ssyncset.done $0x0  }
0x97: {  	[sflag:s9] =	ssyncadd.s32 $0xFFFFD800  }
0x98: {  	_ =	sfence.sel $0x180000  }
0x99: {  	[bflag:$0x0] =	sbarrier.arrive $0xFFFF  }
0x9a: {  	p0 =	sne.s32 s4, $0x0;
	_ =	strace $0x90000047  }
0x9b: {  	s0 =	sadd.s32 @!p0 $0x100000, s0;
	[bflag:$0x2] =	sbarrier.arrive $0xFFFF  }
0x9c: {  	[sflag:s0] =	ssyncadd.tile.s32 @!p0 $0x1;
	_ =	shalt  }
.Lfunc_end2:
_tile_overlayer_lowered:
.L_overlay_start_2:
0x9d: {  	(tag) =	ssettag $0x2  }
0x9e: {  	s0 =	rddreg [dreg:$0x0];
	s2 =	stileid.u32  }
0x9f: {  	s1 =	rddreg [dreg:$0x1];
	p0 =	sne.s32 s2, $0x0  }
0xa0: {  	s3 =	rddreg [dreg:$0x2];
	[bflag:$0x3] =	sbarrier.arrive $0xFFFF;
	s2 =	simm.s32 @!p0 $0x1C02  }
0xa1: {  	[timem:s3], [sflag:s2] =	dma.local @!p0 [hbm:s0], s1  }
0xa2: {  	s0 =	simm.s32 @!p0 $0x2  }
0xa3: {  	_ =	swait.ge @!p0 [sflag:s0], s1  }
0xa4: {  	s1 =	ssub.s32 @!p0 $0x0, s1;
	[sflag:s0] =	ssyncset.done @!p0 $0x0  }
0xa5: {  	[sflag:s0] =	ssyncadd.s32 @!p0 s1  }
0xa6: {  	[bflag:$0x3] =	sbarrier.arrive $0xFFFF  }
0xa7: {  	_ =	shalt  }

// kernel: kernel.18.cloned.1.call-start
scs
__scs_entry_jumppad:
0x0: {  	(pc) =	sbr.rel $0x88, $3  }
0x1: {  	(tag) =	ssettag $0x0;
	lr =	simm.s32 $0x1  }
0x2: {  	[smem:$0x3F8F] =	sst lr;
	_ =	strace $0xD0000000  }
0x3: {  	_ = 	snop  }
0x4: {  	_ = 	snop  }
0x5: {  	_ = 	snop  }
0x6: {  	_ = 	snop  }
0x7: {  	_ = 	snop  }
__scs_overlays_trampoline_lowered:
0x8: {  	[smem:$0x3F9E] =	sst s0  }
0x9: {  	[smem:$0x3F9F] =	sst s1  }
0xa: {  	[smem:$0x3FA0] =	sst s2  }
0xb: {  	[smem:$0x3FA1] =	sst s3  }
0xc: {  	[smem:$0x3FA2] =	sst s4  }
0xd: {  	[smem:$0x3FA3] =	sst s5  }
0xe: {  	[smem:$0x3FA4] =	sst s6  }
0xf: {  	[smem:$0x3FA5] =	sst s7  }
0x10: {  	[smem:$0x3FA6] =	sst s8  }
0x11: {  	[smem:$0x3FA7] =	sst s9;
	s0 =	simm.s32 @!p0 $0x0  }
0x12: {  	s1 =	sld [smem:$0x3F8D];
	s0 =	simm.s32 @p0 $0x1  }
0x13: {  	[smem:$0x3FA8] =	sst s0;
	s0 =	simm.s32 @!p1 $0x0  }
0x14: {  	s2 =	sld [smem:$0x3F8C];
	s0 =	simm.s32 @p1 $0x1  }
0x15: {  	[smem:$0x3FA9] =	sst s0;
	s0 =	simm.s32 @!p2 $0x0  }
0x16: {  	s3 =	sld [smem:$0x3FDB];
	s0 =	simm.s32 @p2 $0x1  }
0x17: {  	s4 =	simm.s32 $0x1BF5;
	[smem:$0x3FAB] =	sst s0  }
0x18: {  	s0 =	sld [smem:$0x3F8E];
	_ =	swait.ge [sflag:s4], $0x0  }
0x19: {  	s7 =	sld [smem:$0x3F8F]  }
0x1a: {  	s8 =	sadd.s32 $0xFFFFE003, lr  }
0x1b: {  	s9 =	sadd.s32 $0xFFFFFEF7, lr;
	s5 =	simm.s32 $0xFFFFFFFF;
	p2 =	slt.u32 s8, $0xFFFFF086  }
0x1c: {  	p1 =	slt.u32 s9, $0xF7A;
	s5 =	simm.s32 @!p2 $0x0  }
0x1d: {  	s5 =	simm.s32 @p1 $0x1;
	p0 =	seq.s32 s7, s2  }
0x1e: {  	s7 =	smul.u32 @!p0 $0xF7A, s2;
	p2 =	seq.s32 @!p0 s5, $0x0  }
0x1f: {  	s9 =	smul.u32 $0xF7A, s1;
	s8 =	simm.s32 @!p0 $0x1BF5;
	p2 =	por !p2, p0  }
0x20: {  	[sflag:s8] =	ssyncset.s32 @!p0 $0xFFFFF086;
	s6 =	sadd.s32 @!p0 s3, s7;
	s7 =	simm.s32 @!p0 $0x108  }
0x21: {  	s3 =	sadd.s32 s3, s9;
	s6 =	sadd.s32 @!p0 $0x88, s6;
	s7 =	simm.s32 @p2 $0x1082  }
0x22: {  	[simem:s7], [sflag:s8] =	dma.local @!p0 [hbm:s6], $0xF7A  }
0x23: {  	s9 =	sor.u32 $0xD0000000, s2;
	s6 =	simm.s32 $0x108;
	_ =	swait.ge @!p0 [sflag:s8], $0x0  }
0x24: {  	s3 =	sadd.s32 $0x88, s3;
	s6 =	simm.s32 @!p1 $0x1082;
	[sflag:s4] =	ssyncset.s32 $0xFFFFF086  }
0x25: {  	[simem:s6], [sflag:s4] =	dma.local [hbm:s3], $0xF7A  }
0x26: {  	[smem:$0x3F8F] =	sst s1;
	(tag) =	ssettag s2;
	_ =	strace s9  }
0x27: {  	s1 =	sld [smem:$0x3F9F]  }
0x28: {  	s2 =	sld [smem:$0x3FA0]  }
0x29: {  	s4 =	sld [smem:$0x3FA2]  }
0x2a: {  	p0 =	seq.s32 s5, $0x0;
	s5 =	sld [smem:$0x3FA3]  }
0x2b: {  	s6 =	sld [smem:$0x3FA4]  }
0x2c: {  	s7 =	sld [smem:$0x3FA5]  }
0x2d: {  	s3 =	simm.s32 $0x108;
	s8 =	sld [smem:$0x3FA6]  }
0x2e: {  	s3 =	simm.s32 @!p0 $0x1082;
	s9 =	sld [smem:$0x3FA7]  }
0x2f: {  	lr =	sadd.s32 s0, s3;
	s0 =	sld [smem:$0x3F9E]  }
0x30: {  	s3 =	sld [smem:$0x3FA1]  }
0x31: {  	[smem:$0x3FAA] =	sst s10  }
0x32: {  	s10 =	sld [smem:$0x3FA8];
	_ =	sdelay $0x3  }
0x33: {  	p0 =	seq.s32 s10, $0x1;
	s10 =	sld [smem:$0x3FAA];
	_ =	sdelay $0x3  }
0x34: {  	[smem:$0x3FAA] =	sst s10  }
0x35: {  	s10 =	sld [smem:$0x3FA9];
	_ =	sdelay $0x3  }
0x36: {  	p1 =	seq.s32 s10, $0x1;
	s10 =	sld [smem:$0x3FAA];
	_ =	sdelay $0x3  }
0x37: {  	[smem:$0x3FAA] =	sst s10  }
0x38: {  	s10 =	sld [smem:$0x3FAB]  }
0x39: {  	_ = 	snop;
	(pc) =	sbr.ind lr, $3  }
0x3a: {  	_ = 	snop  }
0x3b: {  	_ = 	snop  }
0x3c: {  	p2 =	seq.s32 s10, $0x1;
	s10 =	sld [smem:$0x3FAA]  }
0x3d: {  	_ =	shalt  }
0x3e: {  	_ =	shalt  }
0x3f: {  	_ =	shalt  }
0x40: {  	_ =	shalt  }
0x41: {  	_ =	shalt  }
0x42: {  	_ =	shalt  }
0x43: {  	_ =	shalt  }
0x44: {  	_ =	shalt  }
0x45: {  	_ =	shalt  }
0x46: {  	_ =	shalt  }
0x47: {  	_ =	shalt  }
0x48: {  	_ =	shalt  }
0x49: {  	_ =	shalt  }
0x4a: {  	_ =	shalt  }
0x4b: {  	_ =	shalt  }
0x4c: {  	_ =	shalt  }
0x4d: {  	_ =	shalt  }
0x4e: {  	_ =	shalt  }
0x4f: {  	_ =	shalt  }
0x50: {  	_ =	shalt  }
0x51: {  	_ =	shalt  }
0x52: {  	_ =	shalt  }
0x53: {  	_ =	shalt  }
0x54: {  	_ =	shalt  }
0x55: {  	_ =	shalt  }
0x56: {  	_ =	shalt  }
0x57: {  	_ =	shalt  }
0x58: {  	_ =	shalt  }
0x59: {  	_ =	shalt  }
0x5a: {  	_ =	shalt  }
0x5b: {  	_ =	shalt  }
0x5c: {  	_ =	shalt  }
0x5d: {  	_ =	shalt  }
0x5e: {  	_ =	shalt  }
0x5f: {  	_ =	shalt  }
0x60: {  	_ =	shalt  }
0x61: {  	_ =	shalt  }
0x62: {  	_ =	shalt  }
0x63: {  	_ =	shalt  }
0x64: {  	_ =	shalt  }
0x65: {  	_ =	shalt  }
0x66: {  	_ =	shalt  }
0x67: {  	_ =	shalt  }
0x68: {  	_ =	shalt  }
0x69: {  	_ =	shalt  }
0x6a: {  	_ =	shalt  }
0x6b: {  	_ =	shalt  }
0x6c: {  	_ =	shalt  }
0x6d: {  	_ =	shalt  }
0x6e: {  	_ =	shalt  }
0x6f: {  	_ =	shalt  }
0x70: {  	_ =	shalt  }
0x71: {  	_ =	shalt  }
0x72: {  	_ =	shalt  }
0x73: {  	_ =	shalt  }
0x74: {  	_ =	shalt  }
0x75: {  	_ =	shalt  }
0x76: {  	_ =	shalt  }
0x77: {  	_ =	shalt  }
0x78: {  	_ =	shalt  }
0x79: {  	_ =	shalt  }
0x7a: {  	_ =	shalt  }
0x7b: {  	_ =	shalt  }
0x7c: {  	_ =	shalt  }
0x7d: {  	_ =	shalt  }
0x7e: {  	_ =	shalt  }
0x7f: {  	_ =	shalt  }
0x80: {  	_ =	shalt  }
0x81: {  	_ =	shalt  }
0x82: {  	_ =	shalt  }
0x83: {  	_ =	shalt  }
0x84: {  	_ =	shalt  }
0x85: {  	_ =	shalt  }
0x86: {  	_ =	shalt  }
0x87: {  	_ =	shalt  }
.Lfunc_end0:
.L_simem_size_0:
called_computation.1_lowered:
.L_overlay_start_0:
0x88: {  	s2 =	sld [smem:$0x3FD9]  }
0x89: {  	s3 =	sld [smem:$0x3FFE];
	_ =	sdelay $0x1  }
0x8a: {  	s1 =	srdreg.scid  }
0x8b: {  	s0 =	sand.u32 $0x1, s1  }
0x8c: {  	s14 =	sshll.u32 s0, $0xA;
	s2 =	sadd.s32 s3, s2  }
0x8d: {  	s2 =	sadd.s32 s2, s14  }
0x8e: {  	[smem:$0x3FB6] =	sst s2  }
0x8f: {  	_ = 	snop  }
0x90: {  	s2 =	sld [smem:$0x3FD0];
	_ =	sdelay $0x2  }
0x91: {  	s15 =	simm.s32 $0xA;
	s4 =	simm.s32 $0x10  }
0x92: {  	[smem:s4], [sflag:s15] =	dma.local [hbm:s2], $0x1  }
0x93: {  	_ =	swait.eq [sflag:s15], $0x1  }
0x94: {  	[sflag:s15] =	ssyncset.done $0x0  }
0x95: {  	[sflag:s15] =	ssyncadd.s32 $0xFFFFFFFF  }
0x96: {  	s16 =	sld [smem:$0x10];
	(tm) =	ssettm $0x1  }
0x97: {  	s17 =	sld [smem:$0x3FFB];
	_ =	sdelay $0x3  }
0x98: {  	_ =	strace s17  }
0x99: {  	s3 =	sld [smem:$0x3FFC];
	_ =	sdelay $0x3  }
0x9a: {  	_ =	strace s3  }
0x9b: {  	s3 =	sld [smem:$0x3FFD];
	_ =	sdelay $0x3  }
0x9c: {  	_ =	strace s3  }
0x9d: {  	_ =	strace $0x8FFFFFFF  }
0x9e: {  	s18 =	sld [smem:$0x3FDB];
	_ =	sdelay $0x1  }
0x9f: {  	s19 =	simm.s32 $_scs_section_size  }
0xa0: {  	s5 =	simm.s32 $_size__tile_overlayer_lowered;
	s6 =	simm.s32 $_tile_overlayer_lowered  }
0xa1: {  	s22 =	simm.s32 $0x1BFF;
	s21 =	sshll.u32 s6, $0x1;
	s3 =	sadd.s32 s19, s18  }
0xa2: {  	s7 =	simm.s32 $0x0;
	s20 =	sshll.u32 s5, $0x1;
	s5 =	sadd.s32 s21, s3  }
0xa3: {  	[timem:s7], [sflag:s22] =	dma.local [hbm:s5], s20  }
0xa4: {  	_ =	swait.ge [sflag:s22], s20  }
0xa5: {  	s4 =	ssub.s32 $0x0, s20;
	[sflag:s22] =	ssyncset.done $0x0  }
0xa6: {  	[sflag:s22] =	ssyncadd.s32 s4;
	_ =	sdelay $0x1  }
0xa7: {  	s23 =	simm.s32 $0x1B8B  }
0xa8: {  	_ =	swait.ge [sflag:s23], $0x1  }
0xa9: {  	[sflag:s23] =	ssyncset.done $0x0  }
0xaa: {  	s25 =	simm.s32 $0x1B8E;
	s24 =	sld [smem:$0x3FFE];
	[sflag:s23] =	ssyncadd.s32 $0xFFFFFFFF  }
0xab: {  	s26 =	simm.s32 $execute0_lowered;
	[smem:$0x3FD2] =	sst s25  }
0xac: {  	s5 =	sshll.u32 s26, $0x1;
	_ =	strace $0x80000049;
	[dreg:$0x1] =	wrdreg $0xFFFFFFFF  }
0xad: {  	s28 =	simm.s32 $_size_execute0_lowered;
	s3 =	sadd.s32 s3, s5;
	[dreg:$0x0] =	wrdreg $0x0  }
0xae: {  	s5 =	sshll.u32 s28, $0x1;
	[dreg:$0x2] =	wrdreg s3  }
0xaf: {  	[dreg:$0x3] =	wrdreg s5  }
0xb0: {  	[dreg:$0x4] =	wrdreg $0xC0  }
0xb1: {  	_ =	task [dreg:s7], $0x5FFFF  }
0xb2: {  	[dreg:$0x1] =	wrdreg $0xFFFFFFFF  }
0xb3: {  	[dreg:$0x0] =	wrdreg $0x60  }
0xb4: {  	[dreg:$0x2] =	wrdreg s24  }
0xb5: {  	[dreg:$0x3] =	wrdreg s16  }
0xb6: {  	[dreg:$0x4] =	wrdreg $0x90000  }
0xb7: {  	[dreg:$0x5] =	wrdreg $0x9  }
0xb8: {  	_ =	task.clear_ibuf [dreg:s7], $0x6FFFF;
	_ =	strace $0x90000049  }
0xb9: {  	s29 =	simm.s32 $0x9;
	_ =	strace $0x8000004B  }
0xba: {  	_ =	swait.ge [sflag:s29], $0x1  }
0xbb: {  	[sflag:s29] =	ssyncadd.s32 $0xFFFFFFFF  }
0xbc: {  	_ =	strace $0x9000004B  }
0xbd: {  	_ =	sfence  }
0xbe: {  	s30 =	sld [smem:$0x0];
	_ =	sdelay $0x2  }
0xbf: {  	s31 =	sshll.u32 s1, $0xD;
	s1 =	sshrl.u32 s1, $0x2  }
0xc0: {  	s3 =	sand.u32 $0x4000, s31;
	s1 =	sadd.s32 s1, s30  }
0xc1: {  	s0 =	sor.u32 s3, s0;
	s1 =	sshll.u32 s1, $0x11  }
0xc2: {  	s0 =	sor.u32 s1, s0  }
0xc3: {  	s0 =	sadd.s32 $0x8F2B, s0  }
0xc4: {  	[sflag:s0] =	ssyncadd.remote.s32 $0x1  }
0xc5: {  	_ =	sfence.sel $0xFFFF  }
0xc6: {  	[dreg:$0x0] =	wrdreg $0xFFFFFFFF;
	(pc) =	sbr.abs _section_cstart, $3  }
0xc7: {  	[dreg:$0x1] =	wrdreg $0xFFFFFFFF  }
0xc8: {  	_ =	task.clear_ibuf [dreg:s7], $0x2FFFF;
	_ =	strace $0x9FFFFFFF  }
0xc9: {  	(tm) =	ssettm $0x7FFFFFFF  }
tec
execute0_lowered:
.L_overlay_start_1:
0x0: {  	(tag) =	ssettag $0x1  }
0x1: {  	s6 =	rddreg [dreg:$0x0]  }
0x2: {  	s1 =	rddreg [dreg:$0x1]  }
0x3: {  	s2 =	rddreg [dreg:$0x2]  }
0x4: {  	s3 =	srdreg.scid;
	s0 =	rddreg [dreg:$0x3]  }
0x5: {  	s4 =	simm.s32 $0x0;
	s14 =	simm.s32 $0x80;
	s15 =	simm.s32 $0x5000  }
0x6: {  	s16 =	simm.s32 $0x0;
	s7 =	sand.u32 $0x1, s3;
	s3 =	stileid.u32  }
0x7: {  	[smem:$0x7FF] =	sst s4;
	s8 =	smul.u32 $0x140000, s7;
	s5 =	sshll.u32 s7, $0x4  }
0x8: {  	s9 =	smul.u32 $0x14000, s3;
	_ =	strace $0x8000004A;
	s7 =	ssub.s32 $0x2, s7  }
0x9: {  	s30 =	smul.u32 $0x50000, s3;
	s12 =	sshll.u32 s3, $0x6;
	s10 =	sor.u32 s3, s5  }
0xa: {  	s5 =	sadd.s32 $0x3DA00, s6;
	s31 =	sshrl.u32 s7, $0x1;
	s12 =	sor.u32 $0x1C01, s12  }
0xb: {  	s10 =	smul.u32 $0x500, s10;
	s8 =	sadd.s32 s9, s8;
	s9 =	sshrl.u32 s30, $0x2  }
0xc: {  	s11 =	ssub.s32 s7, s31;
	s8 =	sshrl.u32 s8, $0x3;
	s13 =	sadd.s32 s9, s2  }
0xd: {  	s9 =	smax.u32 s11, $0x1;
	s11 =	simm.s32 $0x2800;
	s10 =	sadd.s32 s10, s6  }
0xe: {  	s8 =	sadd.s32 s8, s6;
	s13 =	sshrl.u32 s13, $0x3;
	s6 =	sadd.s32 $0xC800, s10  }
0xf: {  	s7 =	sadd.s32 $0x2800, s10;
	s8 =	sadd.s32 $0x64C00, s8;
	s10 =	simm.s32 $0x1  }
.LBB2_1:
0x10: {  	[tilespmem:s4], [sflag:$0x1] =	stream.linear.gather [hbm4b:s6+s4], $0x2800, $0x38;
	[tilespmem:$0x1D000] =	vst v63  }
0x11: {  	_ =	swait.ge [sflag:s10], $0x2800  }
0x12: {  	[sflag:s10] =	ssyncset.done $0x0  }
0x13: {  	[sflag:s10] =	ssyncadd.s32 $0xFFFFD800  }
0x14: {  	[tilespmem:s11], [sflag:$0x1] =	stream.linear.gather [hbm4b:s7+s4], $0x2800, $0x38;
	[tilespmem:$0x1D000] =	vst v63  }
0x15: {  	_ =	swait.ge [sflag:s10], $0x2800  }
0x16: {  	[sflag:s10] =	ssyncset.done $0x0  }
0x17: {  	[sflag:s10] =	ssyncadd.s32 $0xFFFFD800  }
0x18: {  	[spmem:s13], [sflag:s12] =	dma.local [hbm:s1], $0x2800  }
0x19: {  	_ =	swait.ge [sflag:s10], $0x2800  }
0x1a: {  	[sflag:s10] =	ssyncset.done $0x0  }
0x1b: {  	[sflag:s10] =	ssyncadd.s32 $0xFFFFD800  }
0x1c: {  	s17 =	simm.s32 $0x0;
	[bflag:$0x0] =	sbarrier.arrive $0xFFFF  }
0x1d: {  	[tilespmem:s15], [sflag:$0x1] =	stream.indirect.gather [hbm4b:s5+s14], $0x80, s17, s14, $0xb8;
	[tilespmem:$0x1D000] =	vst v63  }
0x1e: {  	_ =	swait.ge [sflag:s10], $0x4000  }
0x1f: {  	[sflag:s10] =	ssyncset.done $0x0  }
0x20: {  	s31 =	simm.s32 $0x2800;
	[sflag:s10] =	ssyncadd.s32 $0xFFFFC000  }
0x21: {  	[spmem:s2] =	stream.indirect.scatter.add.f32 [tilespmem:s15], [sflag:$0x1], $0x80, s31, s14, $0xb8;
	[tilespmem:$0x1D000] =	vst v63  }
0x22: {  	_ =	swait.ge [sflag:s10], $0x4000  }
0x23: {  	s18 =	simm.s32 $0x400;
	s17 =	simm.s32 $0x200;
	[sflag:s10] =	ssyncset.done $0x0  }
.LBB2_2:
0x24: {  	s19 =	sshra.s32 s17, $0x2  }
0x25: {  	[sflag:s10] =	ssyncadd.s32 $0xFFFFC000;
	s17 =	smov.u32 s18;
	s20 =	sadd.s32 $0x200, s18  }
0x26: {  	[tilespmem:s15], [sflag:$0x1] =	stream.indirect.gather [hbm4b:s5+s14], $0x80, s19, s14, $0xb8;
	[tilespmem:$0x1D000] =	vst v63  }
0x27: {  	p0 =	sne.s32 s18, $0x9E00;
	_ =	swait.ge [sflag:s10], $0x4000  }
.Ltmp0:
0x28: {  	[sflag:s10] =	ssyncset.done $0x0;
	(pc) =	sbr.rel @p0 .LBB2_2-.Ltmp0, $4  }
0x29: {  	s18 =	sadd.s32 $0x2800, s19;
	[sflag:s10] =	ssyncadd.s32 $0xFFFFC000  }
0x2a: {  	[spmem:s2] =	stream.indirect.scatter.add.f32 [tilespmem:s15], [sflag:$0x1], $0x80, s18, s14, $0xb8;
	[tilespmem:$0x1D000] =	vst v63  }
0x2b: {  	_ =	swait.ge [sflag:s10], $0x4000  }
0x2c: {  	s18 =	smov.u32 s20;
	[sflag:s10] =	ssyncset.done $0x0  }
0x2d: {  	s17 =	sshra.s32 s17, $0x2;
	[sflag:s10] =	ssyncadd.s32 $0xFFFFC000  }
0x2e: {  	[tilespmem:s15], [sflag:$0x1] =	stream.indirect.gather [hbm4b:s5+s14], $0x80, s17, s14, $0xb8;
	[tilespmem:$0x1D000] =	vst v63  }
0x2f: {  	_ =	swait.ge [sflag:s10], $0x4000  }
0x30: {  	[sflag:s10] =	ssyncset.done $0x0  }
0x31: {  	s17 =	sadd.s32 $0x2800, s17;
	[sflag:s10] =	ssyncadd.s32 $0xFFFFC000  }
0x32: {  	[spmem:s2] =	stream.indirect.scatter.add.f32 [tilespmem:s15], [sflag:$0x1], $0x80, s17, s14, $0xb8;
	[tilespmem:$0x1D000] =	vst v63  }
0x33: {  	_ =	swait.ge [sflag:s10], $0x4000  }
0x34: {  	s16 =	sadd.s32 $0x1, s16;
	[sflag:s10] =	ssyncset.done $0x0  }
0x35: {  	p0 =	sne.s32 s16, s9;
	[sflag:s10] =	ssyncadd.s32 $0xFFFFC000  }
.Ltmp1:
0x36: {  	[bflag:$0x0] =	sbarrier.arrive $0xFFFF;
	(pc) =	sbr.rel @p0 .LBB2_1-.Ltmp1, $4  }
0x37: {  	[hbm:s8], [sflag:s12] =	dma.local [spmem:s13], $0x2800  }
0x38: {  	_ =	swait.ge [sflag:s10], $0x2800  }
0x39: {  	[sflag:s10] =	ssyncset.done $0x0  }
0x3a: {  	[sflag:s10] =	ssyncadd.s32 $0xFFFFD800  }
0x3b: {  	_ =	sfence.sel $0x180000  }
0x3c: {  	[bflag:$0x0] =	sbarrier.arrive $0xFFFF  }
0x3d: {  	p0 =	sne.s32 s3, $0x0;
	_ =	strace $0x9000004A  }
0x3e: {  	s0 =	sadd.s32 @!p0 $0x100000, s0;
	[bflag:$0x2] =	sbarrier.arrive $0xFFFF  }
0x3f: {  	[sflag:s0] =	ssyncadd.tile.s32 @!p0 $0x1;
	_ =	shalt  }
.Lfunc_end2:
_tile_overlayer_lowered:
.L_overlay_start_2:
0x40: {  	(tag) =	ssettag $0x2  }
0x41: {  	s0 =	rddreg [dreg:$0x0];
	s2 =	stileid.u32  }
0x42: {  	s1 =	rddreg [dreg:$0x1];
	p0 =	sne.s32 s2, $0x0  }
0x43: {  	s3 =	rddreg [dreg:$0x2];
	[bflag:$0x3] =	sbarrier.arrive $0xFFFF;
	s2 =	simm.s32 @!p0 $0x1C01  }
0x44: {  	[timem:s3], [sflag:s2] =	dma.local @!p0 [hbm:s0], s1  }
0x45: {  	s0 =	simm.s32 @!p0 $0x1  }
0x46: {  	_ =	swait.ge @!p0 [sflag:s0], s1  }
0x47: {  	s1 =	ssub.s32 @!p0 $0x0, s1;
	[sflag:s0] =	ssyncset.done @!p0 $0x0  }
0x48: {  	[sflag:s0] =	ssyncadd.s32 @!p0 s1  }
0x49: {  	[bflag:$0x3] =	sbarrier.arrive $0xFFFF  }
0x4a: {  	_ =	shalt  }

// kernel: kernel.21.cloned.1.call-start
scs
__scs_entry_jumppad:
0x0: {  	(pc) =	sbr.rel $0x88, $3  }
0x1: {  	(tag) =	ssettag $0x0;
	lr =	simm.s32 $0x1  }
0x2: {  	[smem:$0x3F8F] =	sst lr;
	_ =	strace $0xD0000000  }
0x3: {  	_ = 	snop  }
0x4: {  	_ = 	snop  }
0x5: {  	_ = 	snop  }
0x6: {  	_ = 	snop  }
0x7: {  	_ = 	snop  }
__scs_overlays_trampoline_lowered:
0x8: {  	[smem:$0x3F9E] =	sst s0  }
0x9: {  	[smem:$0x3F9F] =	sst s1  }
0xa: {  	[smem:$0x3FA0] =	sst s2  }
0xb: {  	[smem:$0x3FA1] =	sst s3  }
0xc: {  	[smem:$0x3FA2] =	sst s4  }
0xd: {  	[smem:$0x3FA3] =	sst s5  }
0xe: {  	[smem:$0x3FA4] =	sst s6  }
0xf: {  	[smem:$0x3FA5] =	sst s7  }
0x10: {  	[smem:$0x3FA6] =	sst s8  }
0x11: {  	[smem:$0x3FA7] =	sst s9;
	s0 =	simm.s32 @!p0 $0x0  }
0x12: {  	s1 =	sld [smem:$0x3F8D];
	s0 =	simm.s32 @p0 $0x1  }
0x13: {  	[smem:$0x3FA8] =	sst s0;
	s0 =	simm.s32 @!p1 $0x0  }
0x14: {  	s2 =	sld [smem:$0x3F8C];
	s0 =	simm.s32 @p1 $0x1  }
0x15: {  	[smem:$0x3FA9] =	sst s0;
	s0 =	simm.s32 @!p2 $0x0  }
0x16: {  	s3 =	sld [smem:$0x3FDB];
	s0 =	simm.s32 @p2 $0x1  }
0x17: {  	s4 =	simm.s32 $0x1BF5;
	[smem:$0x3FAB] =	sst s0  }
0x18: {  	s0 =	sld [smem:$0x3F8E];
	_ =	swait.ge [sflag:s4], $0x0  }
0x19: {  	s7 =	sld [smem:$0x3F8F]  }
0x1a: {  	s8 =	sadd.s32 $0xFFFFE003, lr  }
0x1b: {  	s9 =	sadd.s32 $0xFFFFFEF7, lr;
	s5 =	simm.s32 $0xFFFFFFFF;
	p2 =	slt.u32 s8, $0xFFFFF086  }
0x1c: {  	p1 =	slt.u32 s9, $0xF7A;
	s5 =	simm.s32 @!p2 $0x0  }
0x1d: {  	s5 =	simm.s32 @p1 $0x1;
	p0 =	seq.s32 s7, s2  }
0x1e: {  	s7 =	smul.u32 @!p0 $0xF7A, s2;
	p2 =	seq.s32 @!p0 s5, $0x0  }
0x1f: {  	s9 =	smul.u32 $0xF7A, s1;
	s8 =	simm.s32 @!p0 $0x1BF5;
	p2 =	por !p2, p0  }
0x20: {  	[sflag:s8] =	ssyncset.s32 @!p0 $0xFFFFF086;
	s6 =	sadd.s32 @!p0 s3, s7;
	s7 =	simm.s32 @!p0 $0x108  }
0x21: {  	s3 =	sadd.s32 s3, s9;
	s6 =	sadd.s32 @!p0 $0x88, s6;
	s7 =	simm.s32 @p2 $0x1082  }
0x22: {  	[simem:s7], [sflag:s8] =	dma.local @!p0 [hbm:s6], $0xF7A  }
0x23: {  	s9 =	sor.u32 $0xD0000000, s2;
	s6 =	simm.s32 $0x108;
	_ =	swait.ge @!p0 [sflag:s8], $0x0  }
0x24: {  	s3 =	sadd.s32 $0x88, s3;
	s6 =	simm.s32 @!p1 $0x1082;
	[sflag:s4] =	ssyncset.s32 $0xFFFFF086  }
0x25: {  	[simem:s6], [sflag:s4] =	dma.local [hbm:s3], $0xF7A  }
0x26: {  	[smem:$0x3F8F] =	sst s1;
	(tag) =	ssettag s2;
	_ =	strace s9  }
0x27: {  	s1 =	sld [smem:$0x3F9F]  }
0x28: {  	s2 =	sld [smem:$0x3FA0]  }
0x29: {  	s4 =	sld [smem:$0x3FA2]  }
0x2a: {  	p0 =	seq.s32 s5, $0x0;
	s5 =	sld [smem:$0x3FA3]  }
0x2b: {  	s6 =	sld [smem:$0x3FA4]  }
0x2c: {  	s7 =	sld [smem:$0x3FA5]  }
0x2d: {  	s3 =	simm.s32 $0x108;
	s8 =	sld [smem:$0x3FA6]  }
0x2e: {  	s3 =	simm.s32 @!p0 $0x1082;
	s9 =	sld [smem:$0x3FA7]  }
0x2f: {  	lr =	sadd.s32 s0, s3;
	s0 =	sld [smem:$0x3F9E]  }
0x30: {  	s3 =	sld [smem:$0x3FA1]  }
0x31: {  	[smem:$0x3FAA] =	sst s10  }
0x32: {  	s10 =	sld [smem:$0x3FA8];
	_ =	sdelay $0x3  }
0x33: {  	p0 =	seq.s32 s10, $0x1;
	s10 =	sld [smem:$0x3FAA];
	_ =	sdelay $0x3  }
0x34: {  	[smem:$0x3FAA] =	sst s10  }
0x35: {  	s10 =	sld [smem:$0x3FA9];
	_ =	sdelay $0x3  }
0x36: {  	p1 =	seq.s32 s10, $0x1;
	s10 =	sld [smem:$0x3FAA];
	_ =	sdelay $0x3  }
0x37: {  	[smem:$0x3FAA] =	sst s10  }
0x38: {  	s10 =	sld [smem:$0x3FAB]  }
0x39: {  	_ = 	snop;
	(pc) =	sbr.ind lr, $3  }
0x3a: {  	_ = 	snop  }
0x3b: {  	_ = 	snop  }
0x3c: {  	p2 =	seq.s32 s10, $0x1;
	s10 =	sld [smem:$0x3FAA]  }
0x3d: {  	_ =	shalt  }
0x3e: {  	_ =	shalt  }
0x3f: {  	_ =	shalt  }
0x40: {  	_ =	shalt  }
0x41: {  	_ =	shalt  }
0x42: {  	_ =	shalt  }
0x43: {  	_ =	shalt  }
0x44: {  	_ =	shalt  }
0x45: {  	_ =	shalt  }
0x46: {  	_ =	shalt  }
0x47: {  	_ =	shalt  }
0x48: {  	_ =	shalt  }
0x49: {  	_ =	shalt  }
0x4a: {  	_ =	shalt  }
0x4b: {  	_ =	shalt  }
0x4c: {  	_ =	shalt  }
0x4d: {  	_ =	shalt  }
0x4e: {  	_ =	shalt  }
0x4f: {  	_ =	shalt  }
0x50: {  	_ =	shalt  }
0x51: {  	_ =	shalt  }
0x52: {  	_ =	shalt  }
0x53: {  	_ =	shalt  }
0x54: {  	_ =	shalt  }
0x55: {  	_ =	shalt  }
0x56: {  	_ =	shalt  }
0x57: {  	_ =	shalt  }
0x58: {  	_ =	shalt  }
0x59: {  	_ =	shalt  }
0x5a: {  	_ =	shalt  }
0x5b: {  	_ =	shalt  }
0x5c: {  	_ =	shalt  }
0x5d: {  	_ =	shalt  }
0x5e: {  	_ =	shalt  }
0x5f: {  	_ =	shalt  }
0x60: {  	_ =	shalt  }
0x61: {  	_ =	shalt  }
0x62: {  	_ =	shalt  }
0x63: {  	_ =	shalt  }
0x64: {  	_ =	shalt  }
0x65: {  	_ =	shalt  }
0x66: {  	_ =	shalt  }
0x67: {  	_ =	shalt  }
0x68: {  	_ =	shalt  }
0x69: {  	_ =	shalt  }
0x6a: {  	_ =	shalt  }
0x6b: {  	_ =	shalt  }
0x6c: {  	_ =	shalt  }
0x6d: {  	_ =	shalt  }
0x6e: {  	_ =	shalt  }
0x6f: {  	_ =	shalt  }
0x70: {  	_ =	shalt  }
0x71: {  	_ =	shalt  }
0x72: {  	_ =	shalt  }
0x73: {  	_ =	shalt  }
0x74: {  	_ =	shalt  }
0x75: {  	_ =	shalt  }
0x76: {  	_ =	shalt  }
0x77: {  	_ =	shalt  }
0x78: {  	_ =	shalt  }
0x79: {  	_ =	shalt  }
0x7a: {  	_ =	shalt  }
0x7b: {  	_ =	shalt  }
0x7c: {  	_ =	shalt  }
0x7d: {  	_ =	shalt  }
0x7e: {  	_ =	shalt  }
0x7f: {  	_ =	shalt  }
0x80: {  	_ =	shalt  }
0x81: {  	_ =	shalt  }
0x82: {  	_ =	shalt  }
0x83: {  	_ =	shalt  }
0x84: {  	_ =	shalt  }
0x85: {  	_ =	shalt  }
0x86: {  	_ =	shalt  }
0x87: {  	_ =	shalt  }
.Lfunc_end0:
.L_simem_size_0:
called_computation.2_lowered:
.L_overlay_start_0:
0x88: {  	s2 =	sld [smem:$0x3FD9]  }
0x89: {  	s3 =	sld [smem:$0x3FFE];
	_ =	sdelay $0x1  }
0x8a: {  	s1 =	srdreg.scid  }
0x8b: {  	s0 =	sand.u32 $0x1, s1  }
0x8c: {  	s14 =	sshll.u32 s0, $0xA;
	s2 =	sadd.s32 s3, s2  }
0x8d: {  	s2 =	sadd.s32 s2, s14  }
0x8e: {  	[smem:$0x3FB6] =	sst s2  }
0x8f: {  	_ = 	snop  }
0x90: {  	s2 =	sld [smem:$0x3FD0];
	_ =	sdelay $0x2  }
0x91: {  	s15 =	simm.s32 $0xA;
	s4 =	simm.s32 $0x10  }
0x92: {  	[smem:s4], [sflag:s15] =	dma.local [hbm:s2], $0x1  }
0x93: {  	_ =	swait.eq [sflag:s15], $0x1  }
0x94: {  	[sflag:s15] =	ssyncset.done $0x0  }
0x95: {  	[sflag:s15] =	ssyncadd.s32 $0xFFFFFFFF  }
0x96: {  	s16 =	sld [smem:$0x10];
	(tm) =	ssettm $0x1  }
0x97: {  	s17 =	sld [smem:$0x3FFB];
	_ =	sdelay $0x3  }
0x98: {  	_ =	strace s17  }
0x99: {  	s3 =	sld [smem:$0x3FFC];
	_ =	sdelay $0x3  }
0x9a: {  	_ =	strace s3  }
0x9b: {  	s3 =	sld [smem:$0x3FFD];
	_ =	sdelay $0x3  }
0x9c: {  	_ =	strace s3  }
0x9d: {  	_ =	strace $0x8FFFFFFF  }
0x9e: {  	s18 =	sld [smem:$0x3FDB];
	_ =	sdelay $0x1  }
0x9f: {  	s19 =	simm.s32 $_scs_section_size  }
0xa0: {  	s5 =	simm.s32 $_size__tile_overlayer_lowered;
	s6 =	simm.s32 $_tile_overlayer_lowered  }
0xa1: {  	s22 =	simm.s32 $0x1BFF;
	s21 =	sshll.u32 s6, $0x1;
	s3 =	sadd.s32 s19, s18  }
0xa2: {  	s7 =	simm.s32 $0x0;
	s20 =	sshll.u32 s5, $0x1;
	s5 =	sadd.s32 s21, s3  }
0xa3: {  	[timem:s7], [sflag:s22] =	dma.local [hbm:s5], s20  }
0xa4: {  	_ =	swait.ge [sflag:s22], s20  }
0xa5: {  	s4 =	ssub.s32 $0x0, s20;
	[sflag:s22] =	ssyncset.done $0x0  }
0xa6: {  	[sflag:s22] =	ssyncadd.s32 s4;
	_ =	sdelay $0x1  }
0xa7: {  	s23 =	simm.s32 $0x1B8B  }
0xa8: {  	_ =	swait.ge [sflag:s23], $0x1  }
0xa9: {  	[sflag:s23] =	ssyncset.done $0x0  }
0xaa: {  	s25 =	simm.s32 $0x1B8E;
	s24 =	sld [smem:$0x3FFE];
	[sflag:s23] =	ssyncadd.s32 $0xFFFFFFFF  }
0xab: {  	s26 =	simm.s32 $execute0_lowered;
	[smem:$0x3FD2] =	sst s25  }
0xac: {  	s5 =	sshll.u32 s26, $0x1;
	_ =	strace $0x8000004C;
	[dreg:$0x1] =	wrdreg $0xFFFFFFFF  }
0xad: {  	s28 =	simm.s32 $_size_execute0_lowered;
	s3 =	sadd.s32 s3, s5;
	[dreg:$0x0] =	wrdreg $0x0  }
0xae: {  	s5 =	sshll.u32 s28, $0x1;
	[dreg:$0x2] =	wrdreg s3  }
0xaf: {  	[dreg:$0x3] =	wrdreg s5  }
0xb0: {  	[dreg:$0x4] =	wrdreg $0xC0  }
0xb1: {  	_ =	task [dreg:s7], $0x5FFFF  }
0xb2: {  	[dreg:$0x1] =	wrdreg $0xFFFFFFFF  }
0xb3: {  	[dreg:$0x0] =	wrdreg $0x60  }
0xb4: {  	[dreg:$0x2] =	wrdreg s24  }
0xb5: {  	[dreg:$0x3] =	wrdreg s16  }
0xb6: {  	[dreg:$0x4] =	wrdreg $0x90000  }
0xb7: {  	[dreg:$0x5] =	wrdreg $0x9  }
0xb8: {  	_ =	task.clear_ibuf [dreg:s7], $0x6FFFF;
	_ =	strace $0x9000004C  }
0xb9: {  	s29 =	simm.s32 $0x9;
	_ =	strace $0x8000004E  }
0xba: {  	_ =	swait.ge [sflag:s29], $0x1  }
0xbb: {  	[sflag:s29] =	ssyncadd.s32 $0xFFFFFFFF  }
0xbc: {  	_ =	strace $0x9000004E  }
0xbd: {  	_ =	sfence  }
0xbe: {  	s30 =	sld [smem:$0x0];
	_ =	sdelay $0x2  }
0xbf: {  	s31 =	sshll.u32 s1, $0xD;
	s1 =	sshrl.u32 s1, $0x2  }
0xc0: {  	s3 =	sand.u32 $0x4000, s31;
	s1 =	sadd.s32 s1, s30  }
0xc1: {  	s0 =	sor.u32 s3, s0;
	s1 =	sshll.u32 s1, $0x11  }
0xc2: {  	s0 =	sor.u32 s1, s0  }
0xc3: {  	s0 =	sadd.s32 $0x8F2B, s0  }
0xc4: {  	[sflag:s0] =	ssyncadd.remote.s32 $0x1  }
0xc5: {  	_ =	sfence.sel $0xFFFF  }
0xc6: {  	[dreg:$0x0] =	wrdreg $0xFFFFFFFF;
	(pc) =	sbr.abs _section_cstart, $3  }
0xc7: {  	[dreg:$0x1] =	wrdreg $0xFFFFFFFF  }
0xc8: {  	_ =	task.clear_ibuf [dreg:s7], $0x2FFFF;
	_ =	strace $0x9FFFFFFF  }
0xc9: {  	(tm) =	ssettm $0x7FFFFFFF  }
tec
execute0_lowered:
.L_overlay_start_1:
0x0: {  	(tag) =	ssettag $0x1  }
0x1: {  	s6 =	rddreg [dreg:$0x0]  }
0x2: {  	s1 =	rddreg [dreg:$0x1]  }
0x3: {  	s2 =	rddreg [dreg:$0x2]  }
0x4: {  	s3 =	srdreg.scid;
	s0 =	rddreg [dreg:$0x3]  }
0x5: {  	s4 =	simm.s32 $0x0;
	s14 =	simm.s32 $0x80;
	s15 =	simm.s32 $0x5000  }
0x6: {  	s16 =	simm.s32 $0x0;
	s7 =	sand.u32 $0x1, s3;
	s3 =	stileid.u32  }
0x7: {  	[smem:$0x7FF] =	sst s4;
	s8 =	smul.u32 $0x140000, s7;
	s5 =	sshll.u32 s7, $0x4  }
0x8: {  	s9 =	smul.u32 $0x14000, s3;
	_ =	strace $0x8000004D;
	s7 =	ssub.s32 $0x2, s7  }
0x9: {  	s30 =	smul.u32 $0x50000, s3;
	s12 =	sshll.u32 s3, $0x6;
	s10 =	sor.u32 s3, s5  }
0xa: {  	s5 =	sadd.s32 $0x3DA00, s6;
	s31 =	sshrl.u32 s7, $0x1;
	s12 =	sor.u32 $0x1C01, s12  }
0xb: {  	s10 =	smul.u32 $0x500, s10;
	s8 =	sadd.s32 s9, s8;
	s9 =	sshrl.u32 s30, $0x2  }
0xc: {  	s11 =	ssub.s32 s7, s31;
	s8 =	sshrl.u32 s8, $0x3;
	s13 =	sadd.s32 s9, s2  }
0xd: {  	s9 =	smax.u32 s11, $0x1;
	s11 =	simm.s32 $0x2800;
	s10 =	sadd.s32 s10, s6  }
0xe: {  	s8 =	sadd.s32 s8, s6;
	s13 =	sshrl.u32 s13, $0x3;
	s6 =	sadd.s32 $0xC800, s10  }
0xf: {  	s7 =	sadd.s32 $0x2800, s10;
	s8 =	sadd.s32 $0x64C00, s8;
	s10 =	simm.s32 $0x1  }
.LBB2_1:
0x10: {  	[tilespmem:s4], [sflag:$0x1] =	stream.linear.gather [hbm4b:s6+s4], $0x2800, $0x38;
	[tilespmem:$0x1D000] =	vst v63  }
0x11: {  	_ =	swait.ge [sflag:s10], $0x2800  }
0x12: {  	[sflag:s10] =	ssyncset.done $0x0  }
0x13: {  	[sflag:s10] =	ssyncadd.s32 $0xFFFFD800  }
0x14: {  	[tilespmem:s11], [sflag:$0x1] =	stream.linear.gather [hbm4b:s7+s4], $0x2800, $0x38;
	[tilespmem:$0x1D000] =	vst v63  }
0x15: {  	_ =	swait.ge [sflag:s10], $0x2800  }
0x16: {  	[sflag:s10] =	ssyncset.done $0x0  }
0x17: {  	[sflag:s10] =	ssyncadd.s32 $0xFFFFD800  }
0x18: {  	[spmem:s13], [sflag:s12] =	dma.local [hbm:s1], $0x2800  }
0x19: {  	_ =	swait.ge [sflag:s10], $0x2800  }
0x1a: {  	[sflag:s10] =	ssyncset.done $0x0  }
0x1b: {  	[sflag:s10] =	ssyncadd.s32 $0xFFFFD800  }
0x1c: {  	s17 =	simm.s32 $0x0;
	[bflag:$0x0] =	sbarrier.arrive $0xFFFF  }
0x1d: {  	[tilespmem:s15], [sflag:$0x1] =	stream.indirect.gather [hbm4b:s5+s14], $0x80, s17, s14, $0xb8;
	[tilespmem:$0x1D000] =	vst v63  }
0x1e: {  	_ =	swait.ge [sflag:s10], $0x4000  }
0x1f: {  	[sflag:s10] =	ssyncset.done $0x0  }
0x20: {  	s31 =	simm.s32 $0x2800;
	[sflag:s10] =	ssyncadd.s32 $0xFFFFC000  }
0x21: {  	[spmem:s2] =	stream.indirect.scatter.add.f32 [tilespmem:s15], [sflag:$0x1], $0x80, s31, s14, $0xb8;
	[tilespmem:$0x1D000] =	vst v63  }
0x22: {  	_ =	swait.ge [sflag:s10], $0x4000  }
0x23: {  	s18 =	simm.s32 $0x400;
	s17 =	simm.s32 $0x200;
	[sflag:s10] =	ssyncset.done $0x0  }
.LBB2_2:
0x24: {  	s19 =	sshra.s32 s17, $0x2  }
0x25: {  	[sflag:s10] =	ssyncadd.s32 $0xFFFFC000;
	s17 =	smov.u32 s18;
	s20 =	sadd.s32 $0x200, s18  }
0x26: {  	[tilespmem:s15], [sflag:$0x1] =	stream.indirect.gather [hbm4b:s5+s14], $0x80, s19, s14, $0xb8;
	[tilespmem:$0x1D000] =	vst v63  }
0x27: {  	p0 =	sne.s32 s18, $0x9E00;
	_ =	swait.ge [sflag:s10], $0x4000  }
.Ltmp0:
0x28: {  	[sflag:s10] =	ssyncset.done $0x0;
	(pc) =	sbr.rel @p0 .LBB2_2-.Ltmp0, $4  }
0x29: {  	s18 =	sadd.s32 $0x2800, s19;
	[sflag:s10] =	ssyncadd.s32 $0xFFFFC000  }
0x2a: {  	[spmem:s2] =	stream.indirect.scatter.add.f32 [tilespmem:s15], [sflag:$0x1], $0x80, s18, s14, $0xb8;
	[tilespmem:$0x1D000] =	vst v63  }
0x2b: {  	_ =	swait.ge [sflag:s10], $0x4000  }
0x2c: {  	s18 =	smov.u32 s20;
	[sflag:s10] =	ssyncset.done $0x0  }
0x2d: {  	s17 =	sshra.s32 s17, $0x2;
	[sflag:s10] =	ssyncadd.s32 $0xFFFFC000  }
0x2e: {  	[tilespmem:s15], [sflag:$0x1] =	stream.indirect.gather [hbm4b:s5+s14], $0x80, s17, s14, $0xb8;
	[tilespmem:$0x1D000] =	vst v63  }
0x2f: {  	_ =	swait.ge [sflag:s10], $0x4000  }
0x30: {  	[sflag:s10] =	ssyncset.done $0x0  }
0x31: {  	s17 =	sadd.s32 $0x2800, s17;
	[sflag:s10] =	ssyncadd.s32 $0xFFFFC000  }
0x32: {  	[spmem:s2] =	stream.indirect.scatter.add.f32 [tilespmem:s15], [sflag:$0x1], $0x80, s17, s14, $0xb8;
	[tilespmem:$0x1D000] =	vst v63  }
0x33: {  	_ =	swait.ge [sflag:s10], $0x4000  }
0x34: {  	s16 =	sadd.s32 $0x1, s16;
	[sflag:s10] =	ssyncset.done $0x0  }
0x35: {  	p0 =	sne.s32 s16, s9;
	[sflag:s10] =	ssyncadd.s32 $0xFFFFC000  }
.Ltmp1:
0x36: {  	[bflag:$0x0] =	sbarrier.arrive $0xFFFF;
	(pc) =	sbr.rel @p0 .LBB2_1-.Ltmp1, $4  }
0x37: {  	[hbm:s8], [sflag:s12] =	dma.local [spmem:s13], $0x2800  }
0x38: {  	_ =	swait.ge [sflag:s10], $0x2800  }
0x39: {  	[sflag:s10] =	ssyncset.done $0x0  }
0x3a: {  	[sflag:s10] =	ssyncadd.s32 $0xFFFFD800  }
0x3b: {  	_ =	sfence.sel $0x180000  }
0x3c: {  	[bflag:$0x0] =	sbarrier.arrive $0xFFFF  }
0x3d: {  	p0 =	sne.s32 s3, $0x0;
	_ =	strace $0x9000004D  }
0x3e: {  	s0 =	sadd.s32 @!p0 $0x100000, s0;
	[bflag:$0x2] =	sbarrier.arrive $0xFFFF  }
0x3f: {  	[sflag:s0] =	ssyncadd.tile.s32 @!p0 $0x1;
	_ =	shalt  }
.Lfunc_end2:
_tile_overlayer_lowered:
.L_overlay_start_2:
0x40: {  	(tag) =	ssettag $0x2  }
0x41: {  	s0 =	rddreg [dreg:$0x0];
	s2 =	stileid.u32  }
0x42: {  	s1 =	rddreg [dreg:$0x1];
	p0 =	sne.s32 s2, $0x0  }
0x43: {  	s3 =	rddreg [dreg:$0x2];
	[bflag:$0x3] =	sbarrier.arrive $0xFFFF;
	s2 =	simm.s32 @!p0 $0x1C01  }
0x44: {  	[timem:s3], [sflag:s2] =	dma.local @!p0 [hbm:s0], s1  }
0x45: {  	s0 =	simm.s32 @!p0 $0x1  }
0x46: {  	_ =	swait.ge @!p0 [sflag:s0], s1  }
0x47: {  	s1 =	ssub.s32 @!p0 $0x0, s1;
	[sflag:s0] =	ssyncset.done @!p0 $0x0  }
0x48: {  	[sflag:s0] =	ssyncadd.s32 @!p0 s1  }
0x49: {  	[bflag:$0x3] =	sbarrier.arrive $0xFFFF  }
0x4a: {  	_ =	shalt  }

// kernel: kernel.24.cloned.1.call-start
scs
__scs_entry_jumppad:
0x0: {  	(pc) =	sbr.rel $0x88, $3  }
0x1: {  	(tag) =	ssettag $0x0;
	lr =	simm.s32 $0x1  }
0x2: {  	[smem:$0x3F8F] =	sst lr;
	_ =	strace $0xD0000000  }
0x3: {  	_ = 	snop  }
0x4: {  	_ = 	snop  }
0x5: {  	_ = 	snop  }
0x6: {  	_ = 	snop  }
0x7: {  	_ = 	snop  }
__scs_overlays_trampoline_lowered:
0x8: {  	[smem:$0x3F9E] =	sst s0  }
0x9: {  	[smem:$0x3F9F] =	sst s1  }
0xa: {  	[smem:$0x3FA0] =	sst s2  }
0xb: {  	[smem:$0x3FA1] =	sst s3  }
0xc: {  	[smem:$0x3FA2] =	sst s4  }
0xd: {  	[smem:$0x3FA3] =	sst s5  }
0xe: {  	[smem:$0x3FA4] =	sst s6  }
0xf: {  	[smem:$0x3FA5] =	sst s7  }
0x10: {  	[smem:$0x3FA6] =	sst s8  }
0x11: {  	[smem:$0x3FA7] =	sst s9;
	s0 =	simm.s32 @!p0 $0x0  }
0x12: {  	s1 =	sld [smem:$0x3F8D];
	s0 =	simm.s32 @p0 $0x1  }
0x13: {  	[smem:$0x3FA8] =	sst s0;
	s0 =	simm.s32 @!p1 $0x0  }
0x14: {  	s2 =	sld [smem:$0x3F8C];
	s0 =	simm.s32 @p1 $0x1  }
0x15: {  	[smem:$0x3FA9] =	sst s0;
	s0 =	simm.s32 @!p2 $0x0  }
0x16: {  	s3 =	sld [smem:$0x3FDB];
	s0 =	simm.s32 @p2 $0x1  }
0x17: {  	s4 =	simm.s32 $0x1BF5;
	[smem:$0x3FAB] =	sst s0  }
0x18: {  	s0 =	sld [smem:$0x3F8E];
	_ =	swait.ge [sflag:s4], $0x0  }
0x19: {  	s7 =	sld [smem:$0x3F8F]  }
0x1a: {  	s8 =	sadd.s32 $0xFFFFE003, lr  }
0x1b: {  	s9 =	sadd.s32 $0xFFFFFEF7, lr;
	s5 =	simm.s32 $0xFFFFFFFF;
	p2 =	slt.u32 s8, $0xFFFFF086  }
0x1c: {  	p1 =	slt.u32 s9, $0xF7A;
	s5 =	simm.s32 @!p2 $0x0  }
0x1d: {  	s5 =	simm.s32 @p1 $0x1;
	p0 =	seq.s32 s7, s2  }
0x1e: {  	s7 =	smul.u32 @!p0 $0xF7A, s2;
	p2 =	seq.s32 @!p0 s5, $0x0  }
0x1f: {  	s9 =	smul.u32 $0xF7A, s1;
	s8 =	simm.s32 @!p0 $0x1BF5;
	p2 =	por !p2, p0  }
0x20: {  	[sflag:s8] =	ssyncset.s32 @!p0 $0xFFFFF086;
	s6 =	sadd.s32 @!p0 s3, s7;
	s7 =	simm.s32 @!p0 $0x108  }
0x21: {  	s3 =	sadd.s32 s3, s9;
	s6 =	sadd.s32 @!p0 $0x88, s6;
	s7 =	simm.s32 @p2 $0x1082  }
0x22: {  	[simem:s7], [sflag:s8] =	dma.local @!p0 [hbm:s6], $0xF7A  }
0x23: {  	s9 =	sor.u32 $0xD0000000, s2;
	s6 =	simm.s32 $0x108;
	_ =	swait.ge @!p0 [sflag:s8], $0x0  }
0x24: {  	s3 =	sadd.s32 $0x88, s3;
	s6 =	simm.s32 @!p1 $0x1082;
	[sflag:s4] =	ssyncset.s32 $0xFFFFF086  }
0x25: {  	[simem:s6], [sflag:s4] =	dma.local [hbm:s3], $0xF7A  }
0x26: {  	[smem:$0x3F8F] =	sst s1;
	(tag) =	ssettag s2;
	_ =	strace s9  }
0x27: {  	s1 =	sld [smem:$0x3F9F]  }
0x28: {  	s2 =	sld [smem:$0x3FA0]  }
0x29: {  	s4 =	sld [smem:$0x3FA2]  }
0x2a: {  	p0 =	seq.s32 s5, $0x0;
	s5 =	sld [smem:$0x3FA3]  }
0x2b: {  	s6 =	sld [smem:$0x3FA4]  }
0x2c: {  	s7 =	sld [smem:$0x3FA5]  }
0x2d: {  	s3 =	simm.s32 $0x108;
	s8 =	sld [smem:$0x3FA6]  }
0x2e: {  	s3 =	simm.s32 @!p0 $0x1082;
	s9 =	sld [smem:$0x3FA7]  }
0x2f: {  	lr =	sadd.s32 s0, s3;
	s0 =	sld [smem:$0x3F9E]  }
0x30: {  	s3 =	sld [smem:$0x3FA1]  }
0x31: {  	[smem:$0x3FAA] =	sst s10  }
0x32: {  	s10 =	sld [smem:$0x3FA8];
	_ =	sdelay $0x3  }
0x33: {  	p0 =	seq.s32 s10, $0x1;
	s10 =	sld [smem:$0x3FAA];
	_ =	sdelay $0x3  }
0x34: {  	[smem:$0x3FAA] =	sst s10  }
0x35: {  	s10 =	sld [smem:$0x3FA9];
	_ =	sdelay $0x3  }
0x36: {  	p1 =	seq.s32 s10, $0x1;
	s10 =	sld [smem:$0x3FAA];
	_ =	sdelay $0x3  }
0x37: {  	[smem:$0x3FAA] =	sst s10  }
0x38: {  	s10 =	sld [smem:$0x3FAB]  }
0x39: {  	_ = 	snop;
	(pc) =	sbr.ind lr, $3  }
0x3a: {  	_ = 	snop  }
0x3b: {  	_ = 	snop  }
0x3c: {  	p2 =	seq.s32 s10, $0x1;
	s10 =	sld [smem:$0x3FAA]  }
0x3d: {  	_ =	shalt  }
0x3e: {  	_ =	shalt  }
0x3f: {  	_ =	shalt  }
0x40: {  	_ =	shalt  }
0x41: {  	_ =	shalt  }
0x42: {  	_ =	shalt  }
0x43: {  	_ =	shalt  }
0x44: {  	_ =	shalt  }
0x45: {  	_ =	shalt  }
0x46: {  	_ =	shalt  }
0x47: {  	_ =	shalt  }
0x48: {  	_ =	shalt  }
0x49: {  	_ =	shalt  }
0x4a: {  	_ =	shalt  }
0x4b: {  	_ =	shalt  }
0x4c: {  	_ =	shalt  }
0x4d: {  	_ =	shalt  }
0x4e: {  	_ =	shalt  }
0x4f: {  	_ =	shalt  }
0x50: {  	_ =	shalt  }
0x51: {  	_ =	shalt  }
0x52: {  	_ =	shalt  }
0x53: {  	_ =	shalt  }
0x54: {  	_ =	shalt  }
0x55: {  	_ =	shalt  }
0x56: {  	_ =	shalt  }
0x57: {  	_ =	shalt  }
0x58: {  	_ =	shalt  }
0x59: {  	_ =	shalt  }
0x5a: {  	_ =	shalt  }
0x5b: {  	_ =	shalt  }
0x5c: {  	_ =	shalt  }
0x5d: {  	_ =	shalt  }
0x5e: {  	_ =	shalt  }
0x5f: {  	_ =	shalt  }
0x60: {  	_ =	shalt  }
0x61: {  	_ =	shalt  }
0x62: {  	_ =	shalt  }
0x63: {  	_ =	shalt  }
0x64: {  	_ =	shalt  }
0x65: {  	_ =	shalt  }
0x66: {  	_ =	shalt  }
0x67: {  	_ =	shalt  }
0x68: {  	_ =	shalt  }
0x69: {  	_ =	shalt  }
0x6a: {  	_ =	shalt  }
0x6b: {  	_ =	shalt  }
0x6c: {  	_ =	shalt  }
0x6d: {  	_ =	shalt  }
0x6e: {  	_ =	shalt  }
0x6f: {  	_ =	shalt  }
0x70: {  	_ =	shalt  }
0x71: {  	_ =	shalt  }
0x72: {  	_ =	shalt  }
0x73: {  	_ =	shalt  }
0x74: {  	_ =	shalt  }
0x75: {  	_ =	shalt  }
0x76: {  	_ =	shalt  }
0x77: {  	_ =	shalt  }
0x78: {  	_ =	shalt  }
0x79: {  	_ =	shalt  }
0x7a: {  	_ =	shalt  }
0x7b: {  	_ =	shalt  }
0x7c: {  	_ =	shalt  }
0x7d: {  	_ =	shalt  }
0x7e: {  	_ =	shalt  }
0x7f: {  	_ =	shalt  }
0x80: {  	_ =	shalt  }
0x81: {  	_ =	shalt  }
0x82: {  	_ =	shalt  }
0x83: {  	_ =	shalt  }
0x84: {  	_ =	shalt  }
0x85: {  	_ =	shalt  }
0x86: {  	_ =	shalt  }
0x87: {  	_ =	shalt  }
.Lfunc_end0:
.L_simem_size_0:
called_computation.3_lowered:
.L_overlay_start_0:
0x88: {  	s2 =	sld [smem:$0x3FD9]  }
0x89: {  	s3 =	sld [smem:$0x3FFE];
	_ =	sdelay $0x1  }
0x8a: {  	s1 =	srdreg.scid  }
0x8b: {  	s0 =	sand.u32 $0x1, s1  }
0x8c: {  	s14 =	sshll.u32 s0, $0xA;
	s2 =	sadd.s32 s3, s2  }
0x8d: {  	s2 =	sadd.s32 s2, s14  }
0x8e: {  	[smem:$0x3FB6] =	sst s2  }
0x8f: {  	_ = 	snop  }
0x90: {  	s2 =	sld [smem:$0x3FD0];
	_ =	sdelay $0x2  }
0x91: {  	s15 =	simm.s32 $0xA;
	s4 =	simm.s32 $0x10  }
0x92: {  	[smem:s4], [sflag:s15] =	dma.local [hbm:s2], $0x1  }
0x93: {  	_ =	swait.eq [sflag:s15], $0x1  }
0x94: {  	[sflag:s15] =	ssyncset.done $0x0  }
0x95: {  	[sflag:s15] =	ssyncadd.s32 $0xFFFFFFFF  }
0x96: {  	s16 =	sld [smem:$0x10];
	(tm) =	ssettm $0x1  }
0x97: {  	s17 =	sld [smem:$0x3FFB];
	_ =	sdelay $0x3  }
0x98: {  	_ =	strace s17  }
0x99: {  	s3 =	sld [smem:$0x3FFC];
	_ =	sdelay $0x3  }
0x9a: {  	_ =	strace s3  }
0x9b: {  	s3 =	sld [smem:$0x3FFD];
	_ =	sdelay $0x3  }
0x9c: {  	_ =	strace s3  }
0x9d: {  	_ =	strace $0x8FFFFFFF  }
0x9e: {  	s18 =	sld [smem:$0x3FDB];
	_ =	sdelay $0x1  }
0x9f: {  	s19 =	simm.s32 $_scs_section_size  }
0xa0: {  	s5 =	simm.s32 $_size__tile_overlayer_lowered;
	s6 =	simm.s32 $_tile_overlayer_lowered  }
0xa1: {  	s22 =	simm.s32 $0x1BFF;
	s21 =	sshll.u32 s6, $0x1;
	s3 =	sadd.s32 s19, s18  }
0xa2: {  	s7 =	simm.s32 $0x0;
	s20 =	sshll.u32 s5, $0x1;
	s5 =	sadd.s32 s21, s3  }
0xa3: {  	[timem:s7], [sflag:s22] =	dma.local [hbm:s5], s20  }
0xa4: {  	_ =	swait.ge [sflag:s22], s20  }
0xa5: {  	s4 =	ssub.s32 $0x0, s20;
	[sflag:s22] =	ssyncset.done $0x0  }
0xa6: {  	[sflag:s22] =	ssyncadd.s32 s4;
	_ =	sdelay $0x1  }
0xa7: {  	s23 =	simm.s32 $0x1B8B  }
0xa8: {  	_ =	swait.ge [sflag:s23], $0x1  }
0xa9: {  	[sflag:s23] =	ssyncset.done $0x0  }
0xaa: {  	s25 =	simm.s32 $0x1B8E;
	s24 =	sld [smem:$0x3FFE];
	[sflag:s23] =	ssyncadd.s32 $0xFFFFFFFF  }
0xab: {  	s26 =	simm.s32 $execute0_lowered;
	[smem:$0x3FD2] =	sst s25  }
0xac: {  	s5 =	sshll.u32 s26, $0x1;
	_ =	strace $0x8000004F;
	[dreg:$0x1] =	wrdreg $0xFFFFFFFF  }
0xad: {  	s28 =	simm.s32 $_size_execute0_lowered;
	s3 =	sadd.s32 s3, s5;
	[dreg:$0x0] =	wrdreg $0x0  }
0xae: {  	s5 =	sshll.u32 s28, $0x1;
	[dreg:$0x2] =	wrdreg s3  }
0xaf: {  	[dreg:$0x3] =	wrdreg s5  }
0xb0: {  	[dreg:$0x4] =	wrdreg $0xC0  }
0xb1: {  	_ =	task [dreg:s7], $0x5FFFF  }
0xb2: {  	[dreg:$0x1] =	wrdreg $0xFFFFFFFF  }
0xb3: {  	[dreg:$0x0] =	wrdreg $0x60  }
0xb4: {  	[dreg:$0x2] =	wrdreg s24  }
0xb5: {  	[dreg:$0x3] =	wrdreg s16  }
0xb6: {  	[dreg:$0x4] =	wrdreg $0x90000  }
0xb7: {  	[dreg:$0x5] =	wrdreg $0x9  }
0xb8: {  	_ =	task.clear_ibuf [dreg:s7], $0x6FFFF;
	_ =	strace $0x9000004F  }
0xb9: {  	s29 =	simm.s32 $0x9;
	_ =	strace $0x80000051  }
0xba: {  	_ =	swait.ge [sflag:s29], $0x1  }
0xbb: {  	[sflag:s29] =	ssyncadd.s32 $0xFFFFFFFF  }
0xbc: {  	_ =	strace $0x90000051  }
0xbd: {  	_ =	sfence  }
0xbe: {  	s30 =	sld [smem:$0x0];
	_ =	sdelay $0x2  }
0xbf: {  	s31 =	sshll.u32 s1, $0xD;
	s1 =	sshrl.u32 s1, $0x2  }
0xc0: {  	s3 =	sand.u32 $0x4000, s31;
	s1 =	sadd.s32 s1, s30  }
0xc1: {  	s0 =	sor.u32 s3, s0;
	s1 =	sshll.u32 s1, $0x11  }
0xc2: {  	s0 =	sor.u32 s1, s0  }
0xc3: {  	s0 =	sadd.s32 $0x8F2B, s0  }
0xc4: {  	[sflag:s0] =	ssyncadd.remote.s32 $0x1  }
0xc5: {  	_ =	sfence.sel $0xFFFF  }
0xc6: {  	[dreg:$0x0] =	wrdreg $0xFFFFFFFF;
	(pc) =	sbr.abs _section_cstart, $3  }
0xc7: {  	[dreg:$0x1] =	wrdreg $0xFFFFFFFF  }
0xc8: {  	_ =	task.clear_ibuf [dreg:s7], $0x2FFFF;
	_ =	strace $0x9FFFFFFF  }
0xc9: {  	(tm) =	ssettm $0x7FFFFFFF  }
tec
execute0_lowered:
.L_overlay_start_1:
0x0: {  	(tag) =	ssettag $0x1  }
0x1: {  	s6 =	rddreg [dreg:$0x0]  }
0x2: {  	s1 =	rddreg [dreg:$0x1]  }
0x3: {  	s2 =	rddreg [dreg:$0x2]  }
0x4: {  	s3 =	srdreg.scid;
	s0 =	rddreg [dreg:$0x3]  }
0x5: {  	s4 =	simm.s32 $0x0;
	s14 =	simm.s32 $0x80;
	s15 =	simm.s32 $0x5000  }
0x6: {  	s16 =	simm.s32 $0x0;
	s7 =	sand.u32 $0x1, s3;
	s3 =	stileid.u32  }
0x7: {  	[smem:$0x7FF] =	sst s4;
	s8 =	smul.u32 $0x140000, s7;
	s5 =	sshll.u32 s7, $0x4  }
0x8: {  	s9 =	smul.u32 $0x14000, s3;
	_ =	strace $0x80000050;
	s7 =	ssub.s32 $0x2, s7  }
0x9: {  	s30 =	smul.u32 $0x50000, s3;
	s12 =	sshll.u32 s3, $0x6;
	s10 =	sor.u32 s3, s5  }
0xa: {  	s5 =	sadd.s32 $0x3DA00, s6;
	s31 =	sshrl.u32 s7, $0x1;
	s12 =	sor.u32 $0x1C01, s12  }
0xb: {  	s10 =	smul.u32 $0x500, s10;
	s8 =	sadd.s32 s9, s8;
	s9 =	sshrl.u32 s30, $0x2  }
0xc: {  	s11 =	ssub.s32 s7, s31;
	s8 =	sshrl.u32 s8, $0x3;
	s13 =	sadd.s32 s9, s2  }
0xd: {  	s9 =	smax.u32 s11, $0x1;
	s11 =	simm.s32 $0x2800;
	s10 =	sadd.s32 s10, s6  }
0xe: {  	s8 =	sadd.s32 s8, s6;
	s13 =	sshrl.u32 s13, $0x3;
	s6 =	sadd.s32 $0xC800, s10  }
0xf: {  	s7 =	sadd.s32 $0x2800, s10;
	s8 =	sadd.s32 $0x64C00, s8;
	s10 =	simm.s32 $0x1  }
.LBB2_1:
0x10: {  	[tilespmem:s4], [sflag:$0x1] =	stream.linear.gather [hbm4b:s6+s4], $0x2800, $0x38;
	[tilespmem:$0x1D000] =	vst v63  }
0x11: {  	_ =	swait.ge [sflag:s10], $0x2800  }
0x12: {  	[sflag:s10] =	ssyncset.done $0x0  }
0x13: {  	[sflag:s10] =	ssyncadd.s32 $0xFFFFD800  }
0x14: {  	[tilespmem:s11], [sflag:$0x1] =	stream.linear.gather [hbm4b:s7+s4], $0x2800, $0x38;
	[tilespmem:$0x1D000] =	vst v63  }
0x15: {  	_ =	swait.ge [sflag:s10], $0x2800  }
0x16: {  	[sflag:s10] =	ssyncset.done $0x0  }
0x17: {  	[sflag:s10] =	ssyncadd.s32 $0xFFFFD800  }
0x18: {  	[spmem:s13], [sflag:s12] =	dma.local [hbm:s1], $0x2800  }
0x19: {  	_ =	swait.ge [sflag:s10], $0x2800  }
0x1a: {  	[sflag:s10] =	ssyncset.done $0x0  }
0x1b: {  	[sflag:s10] =	ssyncadd.s32 $0xFFFFD800  }
0x1c: {  	s17 =	simm.s32 $0x0;
	[bflag:$0x0] =	sbarrier.arrive $0xFFFF  }
0x1d: {  	[tilespmem:s15], [sflag:$0x1] =	stream.indirect.gather [hbm4b:s5+s14], $0x80, s17, s14, $0xb8;
	[tilespmem:$0x1D000] =	vst v63  }
0x1e: {  	_ =	swait.ge [sflag:s10], $0x4000  }
0x1f: {  	[sflag:s10] =	ssyncset.done $0x0  }
0x20: {  	s31 =	simm.s32 $0x2800;
	[sflag:s10] =	ssyncadd.s32 $0xFFFFC000  }
0x21: {  	[spmem:s2] =	stream.indirect.scatter.add.f32 [tilespmem:s15], [sflag:$0x1], $0x80, s31, s14, $0xb8;
	[tilespmem:$0x1D000] =	vst v63  }
0x22: {  	_ =	swait.ge [sflag:s10], $0x4000  }
0x23: {  	s18 =	simm.s32 $0x400;
	s17 =	simm.s32 $0x200;
	[sflag:s10] =	ssyncset.done $0x0  }
.LBB2_2:
0x24: {  	s19 =	sshra.s32 s17, $0x2  }
0x25: {  	[sflag:s10] =	ssyncadd.s32 $0xFFFFC000;
	s17 =	smov.u32 s18;
	s20 =	sadd.s32 $0x200, s18  }
0x26: {  	[tilespmem:s15], [sflag:$0x1] =	stream.indirect.gather [hbm4b:s5+s14], $0x80, s19, s14, $0xb8;
	[tilespmem:$0x1D000] =	vst v63  }
0x27: {  	p0 =	sne.s32 s18, $0x9E00;
	_ =	swait.ge [sflag:s10], $0x4000  }
.Ltmp0:
0x28: {  	[sflag:s10] =	ssyncset.done $0x0;
	(pc) =	sbr.rel @p0 .LBB2_2-.Ltmp0, $4  }
0x29: {  	s18 =	sadd.s32 $0x2800, s19;
	[sflag:s10] =	ssyncadd.s32 $0xFFFFC000  }
0x2a: {  	[spmem:s2] =	stream.indirect.scatter.add.f32 [tilespmem:s15], [sflag:$0x1], $0x80, s18, s14, $0xb8;
	[tilespmem:$0x1D000] =	vst v63  }
0x2b: {  	_ =	swait.ge [sflag:s10], $0x4000  }
0x2c: {  	s18 =	smov.u32 s20;
	[sflag:s10] =	ssyncset.done $0x0  }
0x2d: {  	s17 =	sshra.s32 s17, $0x2;
	[sflag:s10] =	ssyncadd.s32 $0xFFFFC000  }
0x2e: {  	[tilespmem:s15], [sflag:$0x1] =	stream.indirect.gather [hbm4b:s5+s14], $0x80, s17, s14, $0xb8;
	[tilespmem:$0x1D000] =	vst v63  }
0x2f: {  	_ =	swait.ge [sflag:s10], $0x4000  }
0x30: {  	[sflag:s10] =	ssyncset.done $0x0  }
0x31: {  	s17 =	sadd.s32 $0x2800, s17;
	[sflag:s10] =	ssyncadd.s32 $0xFFFFC000  }
0x32: {  	[spmem:s2] =	stream.indirect.scatter.add.f32 [tilespmem:s15], [sflag:$0x1], $0x80, s17, s14, $0xb8;
	[tilespmem:$0x1D000] =	vst v63  }
0x33: {  	_ =	swait.ge [sflag:s10], $0x4000  }
0x34: {  	s16 =	sadd.s32 $0x1, s16;
	[sflag:s10] =	ssyncset.done $0x0  }
0x35: {  	p0 =	sne.s32 s16, s9;
	[sflag:s10] =	ssyncadd.s32 $0xFFFFC000  }
.Ltmp1:
0x36: {  	[bflag:$0x0] =	sbarrier.arrive $0xFFFF;
	(pc) =	sbr.rel @p0 .LBB2_1-.Ltmp1, $4  }
0x37: {  	[hbm:s8], [sflag:s12] =	dma.local [spmem:s13], $0x2800  }
0x38: {  	_ =	swait.ge [sflag:s10], $0x2800  }
0x39: {  	[sflag:s10] =	ssyncset.done $0x0  }
0x3a: {  	[sflag:s10] =	ssyncadd.s32 $0xFFFFD800  }
0x3b: {  	_ =	sfence.sel $0x180000  }
0x3c: {  	[bflag:$0x0] =	sbarrier.arrive $0xFFFF  }
0x3d: {  	p0 =	sne.s32 s3, $0x0;
	_ =	strace $0x90000050  }
0x3e: {  	s0 =	sadd.s32 @!p0 $0x100000, s0;
	[bflag:$0x2] =	sbarrier.arrive $0xFFFF  }
0x3f: {  	[sflag:s0] =	ssyncadd.tile.s32 @!p0 $0x1;
	_ =	shalt  }
.Lfunc_end2:
_tile_overlayer_lowered:
.L_overlay_start_2:
0x40: {  	(tag) =	ssettag $0x2  }
0x41: {  	s0 =	rddreg [dreg:$0x0];
	s2 =	stileid.u32  }
0x42: {  	s1 =	rddreg [dreg:$0x1];
	p0 =	sne.s32 s2, $0x0  }
0x43: {  	s3 =	rddreg [dreg:$0x2];
	[bflag:$0x3] =	sbarrier.arrive $0xFFFF;
	s2 =	simm.s32 @!p0 $0x1C01  }
0x44: {  	[timem:s3], [sflag:s2] =	dma.local @!p0 [hbm:s0], s1  }
0x45: {  	s0 =	simm.s32 @!p0 $0x1  }
0x46: {  	_ =	swait.ge @!p0 [sflag:s0], s1  }
0x47: {  	s1 =	ssub.s32 @!p0 $0x0, s1;
	[sflag:s0] =	ssyncset.done @!p0 $0x0  }
0x48: {  	[sflag:s0] =	ssyncadd.s32 @!p0 s1  }
0x49: {  	[bflag:$0x3] =	sbarrier.arrive $0xFFFF  }
0x4a: {  	_ =	shalt  }

// kernel: kernel.27.cloned.1.call-start
scs
__scs_entry_jumppad:
0x0: {  	(pc) =	sbr.rel $0x88, $3  }
0x1: {  	(tag) =	ssettag $0x0;
	lr =	simm.s32 $0x1  }
0x2: {  	[smem:$0x3F8F] =	sst lr;
	_ =	strace $0xD0000000  }
0x3: {  	_ = 	snop  }
0x4: {  	_ = 	snop  }
0x5: {  	_ = 	snop  }
0x6: {  	_ = 	snop  }
0x7: {  	_ = 	snop  }
__scs_overlays_trampoline_lowered:
0x8: {  	[smem:$0x3F9E] =	sst s0  }
0x9: {  	[smem:$0x3F9F] =	sst s1  }
0xa: {  	[smem:$0x3FA0] =	sst s2  }
0xb: {  	[smem:$0x3FA1] =	sst s3  }
0xc: {  	[smem:$0x3FA2] =	sst s4  }
0xd: {  	[smem:$0x3FA3] =	sst s5  }
0xe: {  	[smem:$0x3FA4] =	sst s6  }
0xf: {  	[smem:$0x3FA5] =	sst s7  }
0x10: {  	[smem:$0x3FA6] =	sst s8  }
0x11: {  	[smem:$0x3FA7] =	sst s9;
	s0 =	simm.s32 @!p0 $0x0  }
0x12: {  	s1 =	sld [smem:$0x3F8D];
	s0 =	simm.s32 @p0 $0x1  }
0x13: {  	[smem:$0x3FA8] =	sst s0;
	s0 =	simm.s32 @!p1 $0x0  }
0x14: {  	s2 =	sld [smem:$0x3F8C];
	s0 =	simm.s32 @p1 $0x1  }
0x15: {  	[smem:$0x3FA9] =	sst s0;
	s0 =	simm.s32 @!p2 $0x0  }
0x16: {  	s3 =	sld [smem:$0x3FDB];
	s0 =	simm.s32 @p2 $0x1  }
0x17: {  	s4 =	simm.s32 $0x1BF5;
	[smem:$0x3FAB] =	sst s0  }
0x18: {  	s0 =	sld [smem:$0x3F8E];
	_ =	swait.ge [sflag:s4], $0x0  }
0x19: {  	s7 =	sld [smem:$0x3F8F]  }
0x1a: {  	s8 =	sadd.s32 $0xFFFFE003, lr  }
0x1b: {  	s9 =	sadd.s32 $0xFFFFFEF7, lr;
	s5 =	simm.s32 $0xFFFFFFFF;
	p2 =	slt.u32 s8, $0xFFFFF086  }
0x1c: {  	p1 =	slt.u32 s9, $0xF7A;
	s5 =	simm.s32 @!p2 $0x0  }
0x1d: {  	s5 =	simm.s32 @p1 $0x1;
	p0 =	seq.s32 s7, s2  }
0x1e: {  	s7 =	smul.u32 @!p0 $0xF7A, s2;
	p2 =	seq.s32 @!p0 s5, $0x0  }
0x1f: {  	s9 =	smul.u32 $0xF7A, s1;
	s8 =	simm.s32 @!p0 $0x1BF5;
	p2 =	por !p2, p0  }
0x20: {  	[sflag:s8] =	ssyncset.s32 @!p0 $0xFFFFF086;
	s6 =	sadd.s32 @!p0 s3, s7;
	s7 =	simm.s32 @!p0 $0x108  }
0x21: {  	s3 =	sadd.s32 s3, s9;
	s6 =	sadd.s32 @!p0 $0x88, s6;
	s7 =	simm.s32 @p2 $0x1082  }
0x22: {  	[simem:s7], [sflag:s8] =	dma.local @!p0 [hbm:s6], $0xF7A  }
0x23: {  	s9 =	sor.u32 $0xD0000000, s2;
	s6 =	simm.s32 $0x108;
	_ =	swait.ge @!p0 [sflag:s8], $0x0  }
0x24: {  	s3 =	sadd.s32 $0x88, s3;
	s6 =	simm.s32 @!p1 $0x1082;
	[sflag:s4] =	ssyncset.s32 $0xFFFFF086  }
0x25: {  	[simem:s6], [sflag:s4] =	dma.local [hbm:s3], $0xF7A  }
0x26: {  	[smem:$0x3F8F] =	sst s1;
	(tag) =	ssettag s2;
	_ =	strace s9  }
0x27: {  	s1 =	sld [smem:$0x3F9F]  }
0x28: {  	s2 =	sld [smem:$0x3FA0]  }
0x29: {  	s4 =	sld [smem:$0x3FA2]  }
0x2a: {  	p0 =	seq.s32 s5, $0x0;
	s5 =	sld [smem:$0x3FA3]  }
0x2b: {  	s6 =	sld [smem:$0x3FA4]  }
0x2c: {  	s7 =	sld [smem:$0x3FA5]  }
0x2d: {  	s3 =	simm.s32 $0x108;
	s8 =	sld [smem:$0x3FA6]  }
0x2e: {  	s3 =	simm.s32 @!p0 $0x1082;
	s9 =	sld [smem:$0x3FA7]  }
0x2f: {  	lr =	sadd.s32 s0, s3;
	s0 =	sld [smem:$0x3F9E]  }
0x30: {  	s3 =	sld [smem:$0x3FA1]  }
0x31: {  	[smem:$0x3FAA] =	sst s10  }
0x32: {  	s10 =	sld [smem:$0x3FA8];
	_ =	sdelay $0x3  }
0x33: {  	p0 =	seq.s32 s10, $0x1;
	s10 =	sld [smem:$0x3FAA];
	_ =	sdelay $0x3  }
0x34: {  	[smem:$0x3FAA] =	sst s10  }
0x35: {  	s10 =	sld [smem:$0x3FA9];
	_ =	sdelay $0x3  }
0x36: {  	p1 =	seq.s32 s10, $0x1;
	s10 =	sld [smem:$0x3FAA];
	_ =	sdelay $0x3  }
0x37: {  	[smem:$0x3FAA] =	sst s10  }
0x38: {  	s10 =	sld [smem:$0x3FAB]  }
0x39: {  	_ = 	snop;
	(pc) =	sbr.ind lr, $3  }
0x3a: {  	_ = 	snop  }
0x3b: {  	_ = 	snop  }
0x3c: {  	p2 =	seq.s32 s10, $0x1;
	s10 =	sld [smem:$0x3FAA]  }
0x3d: {  	_ =	shalt  }
0x3e: {  	_ =	shalt  }
0x3f: {  	_ =	shalt  }
0x40: {  	_ =	shalt  }
0x41: {  	_ =	shalt  }
0x42: {  	_ =	shalt  }
0x43: {  	_ =	shalt  }
0x44: {  	_ =	shalt  }
0x45: {  	_ =	shalt  }
0x46: {  	_ =	shalt  }
0x47: {  	_ =	shalt  }
0x48: {  	_ =	shalt  }
0x49: {  	_ =	shalt  }
0x4a: {  	_ =	shalt  }
0x4b: {  	_ =	shalt  }
0x4c: {  	_ =	shalt  }
0x4d: {  	_ =	shalt  }
0x4e: {  	_ =	shalt  }
0x4f: {  	_ =	shalt  }
0x50: {  	_ =	shalt  }
0x51: {  	_ =	shalt  }
0x52: {  	_ =	shalt  }
0x53: {  	_ =	shalt  }
0x54: {  	_ =	shalt  }
0x55: {  	_ =	shalt  }
0x56: {  	_ =	shalt  }
0x57: {  	_ =	shalt  }
0x58: {  	_ =	shalt  }
0x59: {  	_ =	shalt  }
0x5a: {  	_ =	shalt  }
0x5b: {  	_ =	shalt  }
0x5c: {  	_ =	shalt  }
0x5d: {  	_ =	shalt  }
0x5e: {  	_ =	shalt  }
0x5f: {  	_ =	shalt  }
0x60: {  	_ =	shalt  }
0x61: {  	_ =	shalt  }
0x62: {  	_ =	shalt  }
0x63: {  	_ =	shalt  }
0x64: {  	_ =	shalt  }
0x65: {  	_ =	shalt  }
0x66: {  	_ =	shalt  }
0x67: {  	_ =	shalt  }
0x68: {  	_ =	shalt  }
0x69: {  	_ =	shalt  }
0x6a: {  	_ =	shalt  }
0x6b: {  	_ =	shalt  }
0x6c: {  	_ =	shalt  }
0x6d: {  	_ =	shalt  }
0x6e: {  	_ =	shalt  }
0x6f: {  	_ =	shalt  }
0x70: {  	_ =	shalt  }
0x71: {  	_ =	shalt  }
0x72: {  	_ =	shalt  }
0x73: {  	_ =	shalt  }
0x74: {  	_ =	shalt  }
0x75: {  	_ =	shalt  }
0x76: {  	_ =	shalt  }
0x77: {  	_ =	shalt  }
0x78: {  	_ =	shalt  }
0x79: {  	_ =	shalt  }
0x7a: {  	_ =	shalt  }
0x7b: {  	_ =	shalt  }
0x7c: {  	_ =	shalt  }
0x7d: {  	_ =	shalt  }
0x7e: {  	_ =	shalt  }
0x7f: {  	_ =	shalt  }
0x80: {  	_ =	shalt  }
0x81: {  	_ =	shalt  }
0x82: {  	_ =	shalt  }
0x83: {  	_ =	shalt  }
0x84: {  	_ =	shalt  }
0x85: {  	_ =	shalt  }
0x86: {  	_ =	shalt  }
0x87: {  	_ =	shalt  }
.Lfunc_end0:
.L_simem_size_0:
called_computation.4_lowered:
.L_overlay_start_0:
0x88: {  	s2 =	sld [smem:$0x3FD9]  }
0x89: {  	s3 =	sld [smem:$0x3FFE];
	_ =	sdelay $0x1  }
0x8a: {  	s1 =	srdreg.scid  }
0x8b: {  	s0 =	sand.u32 $0x1, s1  }
0x8c: {  	s14 =	sshll.u32 s0, $0xA;
	s2 =	sadd.s32 s3, s2  }
0x8d: {  	s2 =	sadd.s32 s2, s14  }
0x8e: {  	[smem:$0x3FB6] =	sst s2  }
0x8f: {  	_ = 	snop  }
0x90: {  	s2 =	sld [smem:$0x3FD0];
	_ =	sdelay $0x2  }
0x91: {  	s15 =	simm.s32 $0xA;
	s4 =	simm.s32 $0x10  }
0x92: {  	[smem:s4], [sflag:s15] =	dma.local [hbm:s2], $0x1  }
0x93: {  	_ =	swait.eq [sflag:s15], $0x1  }
0x94: {  	[sflag:s15] =	ssyncset.done $0x0  }
0x95: {  	[sflag:s15] =	ssyncadd.s32 $0xFFFFFFFF  }
0x96: {  	s16 =	sld [smem:$0x10];
	(tm) =	ssettm $0x1  }
0x97: {  	s17 =	sld [smem:$0x3FFB];
	_ =	sdelay $0x3  }
0x98: {  	_ =	strace s17  }
0x99: {  	s3 =	sld [smem:$0x3FFC];
	_ =	sdelay $0x3  }
0x9a: {  	_ =	strace s3  }
0x9b: {  	s3 =	sld [smem:$0x3FFD];
	_ =	sdelay $0x3  }
0x9c: {  	_ =	strace s3  }
0x9d: {  	_ =	strace $0x8FFFFFFF  }
0x9e: {  	s18 =	sld [smem:$0x3FDB];
	_ =	sdelay $0x1  }
0x9f: {  	s19 =	simm.s32 $_scs_section_size  }
0xa0: {  	s5 =	simm.s32 $_size__tile_overlayer_lowered;
	s6 =	simm.s32 $_tile_overlayer_lowered  }
0xa1: {  	s22 =	simm.s32 $0x1BFF;
	s21 =	sshll.u32 s6, $0x1;
	s3 =	sadd.s32 s19, s18  }
0xa2: {  	s7 =	simm.s32 $0x0;
	s20 =	sshll.u32 s5, $0x1;
	s5 =	sadd.s32 s21, s3  }
0xa3: {  	[timem:s7], [sflag:s22] =	dma.local [hbm:s5], s20  }
0xa4: {  	_ =	swait.ge [sflag:s22], s20  }
0xa5: {  	s4 =	ssub.s32 $0x0, s20;
	[sflag:s22] =	ssyncset.done $0x0  }
0xa6: {  	[sflag:s22] =	ssyncadd.s32 s4;
	_ =	sdelay $0x1  }
0xa7: {  	s23 =	simm.s32 $0x1B8B  }
0xa8: {  	_ =	swait.ge [sflag:s23], $0x1  }
0xa9: {  	[sflag:s23] =	ssyncset.done $0x0  }
0xaa: {  	s25 =	simm.s32 $0x1B8E;
	s24 =	sld [smem:$0x3FFE];
	[sflag:s23] =	ssyncadd.s32 $0xFFFFFFFF  }
0xab: {  	s26 =	simm.s32 $execute0_lowered;
	[smem:$0x3FD2] =	sst s25  }
0xac: {  	s5 =	sshll.u32 s26, $0x1;
	_ =	strace $0x80000052;
	[dreg:$0x1] =	wrdreg $0xFFFFFFFF  }
0xad: {  	s28 =	simm.s32 $_size_execute0_lowered;
	s3 =	sadd.s32 s3, s5;
	[dreg:$0x0] =	wrdreg $0x0  }
0xae: {  	s5 =	sshll.u32 s28, $0x1;
	[dreg:$0x2] =	wrdreg s3  }
0xaf: {  	[dreg:$0x3] =	wrdreg s5  }
0xb0: {  	[dreg:$0x4] =	wrdreg $0xC0  }
0xb1: {  	_ =	task [dreg:s7], $0x5FFFF  }
0xb2: {  	[dreg:$0x1] =	wrdreg $0xFFFFFFFF  }
0xb3: {  	[dreg:$0x0] =	wrdreg $0x60  }
0xb4: {  	[dreg:$0x2] =	wrdreg s24  }
0xb5: {  	[dreg:$0x3] =	wrdreg s16  }
0xb6: {  	[dreg:$0x4] =	wrdreg $0x90000  }
0xb7: {  	[dreg:$0x5] =	wrdreg $0x9  }
0xb8: {  	_ =	task.clear_ibuf [dreg:s7], $0x6FFFF;
	_ =	strace $0x90000052  }
0xb9: {  	s29 =	simm.s32 $0x9;
	_ =	strace $0x80000054  }
0xba: {  	_ =	swait.ge [sflag:s29], $0x1  }
0xbb: {  	[sflag:s29] =	ssyncadd.s32 $0xFFFFFFFF  }
0xbc: {  	_ =	strace $0x90000054  }
0xbd: {  	_ =	sfence  }
0xbe: {  	s30 =	sld [smem:$0x0];
	_ =	sdelay $0x2  }
0xbf: {  	s31 =	sshll.u32 s1, $0xD;
	s1 =	sshrl.u32 s1, $0x2  }
0xc0: {  	s3 =	sand.u32 $0x4000, s31;
	s1 =	sadd.s32 s1, s30  }
0xc1: {  	s0 =	sor.u32 s3, s0;
	s1 =	sshll.u32 s1, $0x11  }
0xc2: {  	s0 =	sor.u32 s1, s0  }
0xc3: {  	s0 =	sadd.s32 $0x8F2B, s0  }
0xc4: {  	[sflag:s0] =	ssyncadd.remote.s32 $0x1  }
0xc5: {  	_ =	sfence.sel $0xFFFF  }
0xc6: {  	[dreg:$0x0] =	wrdreg $0xFFFFFFFF;
	(pc) =	sbr.abs _section_cstart, $3  }
0xc7: {  	[dreg:$0x1] =	wrdreg $0xFFFFFFFF  }
0xc8: {  	_ =	task.clear_ibuf [dreg:s7], $0x2FFFF;
	_ =	strace $0x9FFFFFFF  }
0xc9: {  	(tm) =	ssettm $0x7FFFFFFF  }
tec
execute0_lowered:
.L_overlay_start_1:
0x0: {  	(tag) =	ssettag $0x1  }
0x1: {  	s6 =	rddreg [dreg:$0x0]  }
0x2: {  	s1 =	rddreg [dreg:$0x1]  }
0x3: {  	s2 =	rddreg [dreg:$0x2]  }
0x4: {  	s3 =	srdreg.scid;
	s0 =	rddreg [dreg:$0x3]  }
0x5: {  	s4 =	simm.s32 $0x0;
	s14 =	simm.s32 $0x80;
	s15 =	simm.s32 $0x5000  }
0x6: {  	s16 =	simm.s32 $0x0;
	s7 =	sand.u32 $0x1, s3;
	s3 =	stileid.u32  }
0x7: {  	[smem:$0x7FF] =	sst s4;
	s8 =	smul.u32 $0x140000, s7;
	s5 =	sshll.u32 s7, $0x4  }
0x8: {  	s9 =	smul.u32 $0x14000, s3;
	_ =	strace $0x80000053;
	s7 =	ssub.s32 $0x2, s7  }
0x9: {  	s30 =	smul.u32 $0x50000, s3;
	s12 =	sshll.u32 s3, $0x6;
	s10 =	sor.u32 s3, s5  }
0xa: {  	s5 =	sadd.s32 $0x3DA00, s6;
	s31 =	sshrl.u32 s7, $0x1;
	s12 =	sor.u32 $0x1C01, s12  }
0xb: {  	s10 =	smul.u32 $0x500, s10;
	s8 =	sadd.s32 s9, s8;
	s9 =	sshrl.u32 s30, $0x2  }
0xc: {  	s11 =	ssub.s32 s7, s31;
	s8 =	sshrl.u32 s8, $0x3;
	s13 =	sadd.s32 s9, s2  }
0xd: {  	s9 =	smax.u32 s11, $0x1;
	s11 =	simm.s32 $0x2800;
	s10 =	sadd.s32 s10, s6  }
0xe: {  	s8 =	sadd.s32 s8, s6;
	s13 =	sshrl.u32 s13, $0x3;
	s6 =	sadd.s32 $0xC800, s10  }
0xf: {  	s7 =	sadd.s32 $0x2800, s10;
	s8 =	sadd.s32 $0x64C00, s8;
	s10 =	simm.s32 $0x1  }
.LBB2_1:
0x10: {  	[tilespmem:s4], [sflag:$0x1] =	stream.linear.gather [hbm4b:s6+s4], $0x2800, $0x38;
	[tilespmem:$0x1D000] =	vst v63  }
0x11: {  	_ =	swait.ge [sflag:s10], $0x2800  }
0x12: {  	[sflag:s10] =	ssyncset.done $0x0  }
0x13: {  	[sflag:s10] =	ssyncadd.s32 $0xFFFFD800  }
0x14: {  	[tilespmem:s11], [sflag:$0x1] =	stream.linear.gather [hbm4b:s7+s4], $0x2800, $0x38;
	[tilespmem:$0x1D000] =	vst v63  }
0x15: {  	_ =	swait.ge [sflag:s10], $0x2800  }
0x16: {  	[sflag:s10] =	ssyncset.done $0x0  }
0x17: {  	[sflag:s10] =	ssyncadd.s32 $0xFFFFD800  }
0x18: {  	[spmem:s13], [sflag:s12] =	dma.local [hbm:s1], $0x2800  }
0x19: {  	_ =	swait.ge [sflag:s10], $0x2800  }
0x1a: {  	[sflag:s10] =	ssyncset.done $0x0  }
0x1b: {  	[sflag:s10] =	ssyncadd.s32 $0xFFFFD800  }
0x1c: {  	s17 =	simm.s32 $0x0;
	[bflag:$0x0] =	sbarrier.arrive $0xFFFF  }
0x1d: {  	[tilespmem:s15], [sflag:$0x1] =	stream.indirect.gather [hbm4b:s5+s14], $0x80, s17, s14, $0xb8;
	[tilespmem:$0x1D000] =	vst v63  }
0x1e: {  	_ =	swait.ge [sflag:s10], $0x4000  }
0x1f: {  	[sflag:s10] =	ssyncset.done $0x0  }
0x20: {  	s31 =	simm.s32 $0x2800;
	[sflag:s10] =	ssyncadd.s32 $0xFFFFC000  }
0x21: {  	[spmem:s2] =	stream.indirect.scatter.add.f32 [tilespmem:s15], [sflag:$0x1], $0x80, s31, s14, $0xb8;
	[tilespmem:$0x1D000] =	vst v63  }
0x22: {  	_ =	swait.ge [sflag:s10], $0x4000  }
0x23: {  	s18 =	simm.s32 $0x400;
	s17 =	simm.s32 $0x200;
	[sflag:s10] =	ssyncset.done $0x0  }
.LBB2_2:
0x24: {  	s19 =	sshra.s32 s17, $0x2  }
0x25: {  	[sflag:s10] =	ssyncadd.s32 $0xFFFFC000;
	s17 =	smov.u32 s18;
	s20 =	sadd.s32 $0x200, s18  }
0x26: {  	[tilespmem:s15], [sflag:$0x1] =	stream.indirect.gather [hbm4b:s5+s14], $0x80, s19, s14, $0xb8;
	[tilespmem:$0x1D000] =	vst v63  }
0x27: {  	p0 =	sne.s32 s18, $0x9E00;
	_ =	swait.ge [sflag:s10], $0x4000  }
.Ltmp0:
0x28: {  	[sflag:s10] =	ssyncset.done $0x0;
	(pc) =	sbr.rel @p0 .LBB2_2-.Ltmp0, $4  }
0x29: {  	s18 =	sadd.s32 $0x2800, s19;
	[sflag:s10] =	ssyncadd.s32 $0xFFFFC000  }
0x2a: {  	[spmem:s2] =	stream.indirect.scatter.add.f32 [tilespmem:s15], [sflag:$0x1], $0x80, s18, s14, $0xb8;
	[tilespmem:$0x1D000] =	vst v63  }
0x2b: {  	_ =	swait.ge [sflag:s10], $0x4000  }
0x2c: {  	s18 =	smov.u32 s20;
	[sflag:s10] =	ssyncset.done $0x0  }
0x2d: {  	s17 =	sshra.s32 s17, $0x2;
	[sflag:s10] =	ssyncadd.s32 $0xFFFFC000  }
0x2e: {  	[tilespmem:s15], [sflag:$0x1] =	stream.indirect.gather [hbm4b:s5+s14], $0x80, s17, s14, $0xb8;
	[tilespmem:$0x1D000] =	vst v63  }
0x2f: {  	_ =	swait.ge [sflag:s10], $0x4000  }
0x30: {  	[sflag:s10] =	ssyncset.done $0x0  }
0x31: {  	s17 =	sadd.s32 $0x2800, s17;
	[sflag:s10] =	ssyncadd.s32 $0xFFFFC000  }
0x32: {  	[spmem:s2] =	stream.indirect.scatter.add.f32 [tilespmem:s15], [sflag:$0x1], $0x80, s17, s14, $0xb8;
	[tilespmem:$0x1D000] =	vst v63  }
0x33: {  	_ =	swait.ge [sflag:s10], $0x4000  }
0x34: {  	s16 =	sadd.s32 $0x1, s16;
	[sflag:s10] =	ssyncset.done $0x0  }
0x35: {  	p0 =	sne.s32 s16, s9;
	[sflag:s10] =	ssyncadd.s32 $0xFFFFC000  }
.Ltmp1:
0x36: {  	[bflag:$0x0] =	sbarrier.arrive $0xFFFF;
	(pc) =	sbr.rel @p0 .LBB2_1-.Ltmp1, $4  }
0x37: {  	[hbm:s8], [sflag:s12] =	dma.local [spmem:s13], $0x2800  }
0x38: {  	_ =	swait.ge [sflag:s10], $0x2800  }
0x39: {  	[sflag:s10] =	ssyncset.done $0x0  }
0x3a: {  	[sflag:s10] =	ssyncadd.s32 $0xFFFFD800  }
0x3b: {  	_ =	sfence.sel $0x180000  }
0x3c: {  	[bflag:$0x0] =	sbarrier.arrive $0xFFFF  }
0x3d: {  	p0 =	sne.s32 s3, $0x0;
	_ =	strace $0x90000053  }
0x3e: {  	s0 =	sadd.s32 @!p0 $0x100000, s0;
	[bflag:$0x2] =	sbarrier.arrive $0xFFFF  }
0x3f: {  	[sflag:s0] =	ssyncadd.tile.s32 @!p0 $0x1;
	_ =	shalt  }
.Lfunc_end2:
_tile_overlayer_lowered:
.L_overlay_start_2:
0x40: {  	(tag) =	ssettag $0x2  }
0x41: {  	s0 =	rddreg [dreg:$0x0];
	s2 =	stileid.u32  }
0x42: {  	s1 =	rddreg [dreg:$0x1];
	p0 =	sne.s32 s2, $0x0  }
0x43: {  	s3 =	rddreg [dreg:$0x2];
	[bflag:$0x3] =	sbarrier.arrive $0xFFFF;
	s2 =	simm.s32 @!p0 $0x1C01  }
0x44: {  	[timem:s3], [sflag:s2] =	dma.local @!p0 [hbm:s0], s1  }
0x45: {  	s0 =	simm.s32 @!p0 $0x1  }
0x46: {  	_ =	swait.ge @!p0 [sflag:s0], s1  }
0x47: {  	s1 =	ssub.s32 @!p0 $0x0, s1;
	[sflag:s0] =	ssyncset.done @!p0 $0x0  }
0x48: {  	[sflag:s0] =	ssyncadd.s32 @!p0 s1  }
0x49: {  	[bflag:$0x3] =	sbarrier.arrive $0xFFFF  }
0x4a: {  	_ =	shalt  }

// kernel: kernel.30.cloned.1.call-start
scs
__scs_entry_jumppad:
0x0: {  	(pc) =	sbr.rel $0x88, $3  }
0x1: {  	(tag) =	ssettag $0x0;
	lr =	simm.s32 $0x1  }
0x2: {  	[smem:$0x3F8F] =	sst lr;
	_ =	strace $0xD0000000  }
0x3: {  	_ = 	snop  }
0x4: {  	_ = 	snop  }
0x5: {  	_ = 	snop  }
0x6: {  	_ = 	snop  }
0x7: {  	_ = 	snop  }
__scs_overlays_trampoline_lowered:
0x8: {  	[smem:$0x3F9E] =	sst s0  }
0x9: {  	[smem:$0x3F9F] =	sst s1  }
0xa: {  	[smem:$0x3FA0] =	sst s2  }
0xb: {  	[smem:$0x3FA1] =	sst s3  }
0xc: {  	[smem:$0x3FA2] =	sst s4  }
0xd: {  	[smem:$0x3FA3] =	sst s5  }
0xe: {  	[smem:$0x3FA4] =	sst s6  }
0xf: {  	[smem:$0x3FA5] =	sst s7  }
0x10: {  	[smem:$0x3FA6] =	sst s8  }
0x11: {  	[smem:$0x3FA7] =	sst s9;
	s0 =	simm.s32 @!p0 $0x0  }
0x12: {  	s1 =	sld [smem:$0x3F8D];
	s0 =	simm.s32 @p0 $0x1  }
0x13: {  	[smem:$0x3FA8] =	sst s0;
	s0 =	simm.s32 @!p1 $0x0  }
0x14: {  	s2 =	sld [smem:$0x3F8C];
	s0 =	simm.s32 @p1 $0x1  }
0x15: {  	[smem:$0x3FA9] =	sst s0;
	s0 =	simm.s32 @!p2 $0x0  }
0x16: {  	s3 =	sld [smem:$0x3FDB];
	s0 =	simm.s32 @p2 $0x1  }
0x17: {  	s4 =	simm.s32 $0x1BF5;
	[smem:$0x3FAB] =	sst s0  }
0x18: {  	s0 =	sld [smem:$0x3F8E];
	_ =	swait.ge [sflag:s4], $0x0  }
0x19: {  	s7 =	sld [smem:$0x3F8F]  }
0x1a: {  	s8 =	sadd.s32 $0xFFFFE003, lr  }
0x1b: {  	s9 =	sadd.s32 $0xFFFFFEF7, lr;
	s5 =	simm.s32 $0xFFFFFFFF;
	p2 =	slt.u32 s8, $0xFFFFF086  }
0x1c: {  	p1 =	slt.u32 s9, $0xF7A;
	s5 =	simm.s32 @!p2 $0x0  }
0x1d: {  	s5 =	simm.s32 @p1 $0x1;
	p0 =	seq.s32 s7, s2  }
0x1e: {  	s7 =	smul.u32 @!p0 $0xF7A, s2;
	p2 =	seq.s32 @!p0 s5, $0x0  }
0x1f: {  	s9 =	smul.u32 $0xF7A, s1;
	s8 =	simm.s32 @!p0 $0x1BF5;
	p2 =	por !p2, p0  }
0x20: {  	[sflag:s8] =	ssyncset.s32 @!p0 $0xFFFFF086;
	s6 =	sadd.s32 @!p0 s3, s7;
	s7 =	simm.s32 @!p0 $0x108  }
0x21: {  	s3 =	sadd.s32 s3, s9;
	s6 =	sadd.s32 @!p0 $0x88, s6;
	s7 =	simm.s32 @p2 $0x1082  }
0x22: {  	[simem:s7], [sflag:s8] =	dma.local @!p0 [hbm:s6], $0xF7A  }
0x23: {  	s9 =	sor.u32 $0xD0000000, s2;
	s6 =	simm.s32 $0x108;
	_ =	swait.ge @!p0 [sflag:s8], $0x0  }
0x24: {  	s3 =	sadd.s32 $0x88, s3;
	s6 =	simm.s32 @!p1 $0x1082;
	[sflag:s4] =	ssyncset.s32 $0xFFFFF086  }
0x25: {  	[simem:s6], [sflag:s4] =	dma.local [hbm:s3], $0xF7A  }
0x26: {  	[smem:$0x3F8F] =	sst s1;
	(tag) =	ssettag s2;
	_ =	strace s9  }
0x27: {  	s1 =	sld [smem:$0x3F9F]  }
0x28: {  	s2 =	sld [smem:$0x3FA0]  }
0x29: {  	s4 =	sld [smem:$0x3FA2]  }
0x2a: {  	p0 =	seq.s32 s5, $0x0;
	s5 =	sld [smem:$0x3FA3]  }
0x2b: {  	s6 =	sld [smem:$0x3FA4]  }
0x2c: {  	s7 =	sld [smem:$0x3FA5]  }
0x2d: {  	s3 =	simm.s32 $0x108;
	s8 =	sld [smem:$0x3FA6]  }
0x2e: {  	s3 =	simm.s32 @!p0 $0x1082;
	s9 =	sld [smem:$0x3FA7]  }
0x2f: {  	lr =	sadd.s32 s0, s3;
	s0 =	sld [smem:$0x3F9E]  }
0x30: {  	s3 =	sld [smem:$0x3FA1]  }
0x31: {  	[smem:$0x3FAA] =	sst s10  }
0x32: {  	s10 =	sld [smem:$0x3FA8];
	_ =	sdelay $0x3  }
0x33: {  	p0 =	seq.s32 s10, $0x1;
	s10 =	sld [smem:$0x3FAA];
	_ =	sdelay $0x3  }
0x34: {  	[smem:$0x3FAA] =	sst s10  }
0x35: {  	s10 =	sld [smem:$0x3FA9];
	_ =	sdelay $0x3  }
0x36: {  	p1 =	seq.s32 s10, $0x1;
	s10 =	sld [smem:$0x3FAA];
	_ =	sdelay $0x3  }
0x37: {  	[smem:$0x3FAA] =	sst s10  }
0x38: {  	s10 =	sld [smem:$0x3FAB]  }
0x39: {  	_ = 	snop;
	(pc) =	sbr.ind lr, $3  }
0x3a: {  	_ = 	snop  }
0x3b: {  	_ = 	snop  }
0x3c: {  	p2 =	seq.s32 s10, $0x1;
	s10 =	sld [smem:$0x3FAA]  }
0x3d: {  	_ =	shalt  }
0x3e: {  	_ =	shalt  }
0x3f: {  	_ =	shalt  }
0x40: {  	_ =	shalt  }
0x41: {  	_ =	shalt  }
0x42: {  	_ =	shalt  }
0x43: {  	_ =	shalt  }
0x44: {  	_ =	shalt  }
0x45: {  	_ =	shalt  }
0x46: {  	_ =	shalt  }
0x47: {  	_ =	shalt  }
0x48: {  	_ =	shalt  }
0x49: {  	_ =	shalt  }
0x4a: {  	_ =	shalt  }
0x4b: {  	_ =	shalt  }
0x4c: {  	_ =	shalt  }
0x4d: {  	_ =	shalt  }
0x4e: {  	_ =	shalt  }
0x4f: {  	_ =	shalt  }
0x50: {  	_ =	shalt  }
0x51: {  	_ =	shalt  }
0x52: {  	_ =	shalt  }
0x53: {  	_ =	shalt  }
0x54: {  	_ =	shalt  }
0x55: {  	_ =	shalt  }
0x56: {  	_ =	shalt  }
0x57: {  	_ =	shalt  }
0x58: {  	_ =	shalt  }
0x59: {  	_ =	shalt  }
0x5a: {  	_ =	shalt  }
0x5b: {  	_ =	shalt  }
0x5c: {  	_ =	shalt  }
0x5d: {  	_ =	shalt  }
0x5e: {  	_ =	shalt  }
0x5f: {  	_ =	shalt  }
0x60: {  	_ =	shalt  }
0x61: {  	_ =	shalt  }
0x62: {  	_ =	shalt  }
0x63: {  	_ =	shalt  }
0x64: {  	_ =	shalt  }
0x65: {  	_ =	shalt  }
0x66: {  	_ =	shalt  }
0x67: {  	_ =	shalt  }
0x68: {  	_ =	shalt  }
0x69: {  	_ =	shalt  }
0x6a: {  	_ =	shalt  }
0x6b: {  	_ =	shalt  }
0x6c: {  	_ =	shalt  }
0x6d: {  	_ =	shalt  }
0x6e: {  	_ =	shalt  }
0x6f: {  	_ =	shalt  }
0x70: {  	_ =	shalt  }
0x71: {  	_ =	shalt  }
0x72: {  	_ =	shalt  }
0x73: {  	_ =	shalt  }
0x74: {  	_ =	shalt  }
0x75: {  	_ =	shalt  }
0x76: {  	_ =	shalt  }
0x77: {  	_ =	shalt  }
0x78: {  	_ =	shalt  }
0x79: {  	_ =	shalt  }
0x7a: {  	_ =	shalt  }
0x7b: {  	_ =	shalt  }
0x7c: {  	_ =	shalt  }
0x7d: {  	_ =	shalt  }
0x7e: {  	_ =	shalt  }
0x7f: {  	_ =	shalt  }
0x80: {  	_ =	shalt  }
0x81: {  	_ =	shalt  }
0x82: {  	_ =	shalt  }
0x83: {  	_ =	shalt  }
0x84: {  	_ =	shalt  }
0x85: {  	_ =	shalt  }
0x86: {  	_ =	shalt  }
0x87: {  	_ =	shalt  }
.Lfunc_end0:
.L_simem_size_0:
called_computation.5_lowered:
.L_overlay_start_0:
0x88: {  	s2 =	sld [smem:$0x3FD9]  }
0x89: {  	s3 =	sld [smem:$0x3FFE];
	_ =	sdelay $0x1  }
0x8a: {  	s1 =	srdreg.scid  }
0x8b: {  	s0 =	sand.u32 $0x1, s1  }
0x8c: {  	s16 =	sshll.u32 s0, $0xA;
	s2 =	sadd.s32 s3, s2  }
0x8d: {  	s2 =	sadd.s32 s2, s16  }
0x8e: {  	[smem:$0x3FB6] =	sst s2  }
0x8f: {  	_ = 	snop  }
0x90: {  	(tm) =	ssettm $0x1  }
0x91: {  	s17 =	sld [smem:$0x3FFB];
	_ =	sdelay $0x3  }
0x92: {  	_ =	strace s17  }
0x93: {  	s2 =	sld [smem:$0x3FFC];
	_ =	sdelay $0x3  }
0x94: {  	_ =	strace s2  }
0x95: {  	s2 =	sld [smem:$0x3FFD];
	_ =	sdelay $0x3  }
0x96: {  	_ =	strace s2  }
0x97: {  	_ =	strace $0x8FFFFFFF  }
0x98: {  	s18 =	sld [smem:$0x3FDB];
	_ =	sdelay $0x1  }
0x99: {  	s19 =	simm.s32 $_scs_section_size  }
0x9a: {  	s4 =	simm.s32 $_size__tile_overlayer_lowered;
	s5 =	simm.s32 $_tile_overlayer_lowered  }
0x9b: {  	s22 =	simm.s32 $0x1BFF;
	s21 =	sshll.u32 s5, $0x1;
	s2 =	sadd.s32 s19, s18  }
0x9c: {  	s6 =	simm.s32 $0x0;
	s20 =	sshll.u32 s4, $0x1;
	s4 =	sadd.s32 s21, s2  }
0x9d: {  	[timem:s6], [sflag:s22] =	dma.local [hbm:s4], s20  }
0x9e: {  	_ =	swait.ge [sflag:s22], s20  }
0x9f: {  	s3 =	ssub.s32 $0x0, s20;
	[sflag:s22] =	ssyncset.done $0x0  }
0xa0: {  	[sflag:s22] =	ssyncadd.s32 s3;
	_ =	sdelay $0x1  }
0xa1: {  	s23 =	simm.s32 $0x1B8B  }
0xa2: {  	_ =	swait.ge [sflag:s23], $0x1  }
0xa3: {  	[sflag:s23] =	ssyncset.done $0x0  }
0xa4: {  	s25 =	simm.s32 $0x1B8E;
	s24 =	sld [smem:$0x3FFE];
	[sflag:s23] =	ssyncadd.s32 $0xFFFFFFFF  }
0xa5: {  	s26 =	simm.s32 $execute0_lowered;
	[smem:$0x3FD2] =	sst s25  }
0xa6: {  	s4 =	sshll.u32 s26, $0x1;
	_ =	strace $0x80000055;
	[dreg:$0x1] =	wrdreg $0xFFFFFFFF  }
0xa7: {  	s28 =	simm.s32 $_size_execute0_lowered;
	s2 =	sadd.s32 s2, s4;
	[dreg:$0x0] =	wrdreg $0x0  }
0xa8: {  	s4 =	sshll.u32 s28, $0x1;
	[dreg:$0x2] =	wrdreg s2  }
0xa9: {  	[dreg:$0x3] =	wrdreg s4  }
0xaa: {  	[dreg:$0x4] =	wrdreg $0xC0  }
0xab: {  	_ =	task [dreg:s6], $0x5FFFF  }
0xac: {  	[dreg:$0x1] =	wrdreg $0xFFFFFFFF  }
0xad: {  	[dreg:$0x0] =	wrdreg $0x60  }
0xae: {  	[dreg:$0x2] =	wrdreg s24  }
0xaf: {  	[dreg:$0x3] =	wrdreg $0x9  }
0xb0: {  	_ =	task.clear_ibuf [dreg:s6], $0x4FFFF;
	_ =	strace $0x90000055  }
0xb1: {  	s29 =	simm.s32 $0x9;
	_ =	strace $0x80000057  }
0xb2: {  	_ =	swait.ge [sflag:s29], $0x1  }
0xb3: {  	[sflag:s29] =	ssyncadd.s32 $0xFFFFFFFF  }
0xb4: {  	_ =	strace $0x90000057  }
0xb5: {  	_ =	sfence  }
0xb6: {  	s30 =	sld [smem:$0x0];
	_ =	sdelay $0x2  }
0xb7: {  	s31 =	sshll.u32 s1, $0xD;
	s1 =	sshrl.u32 s1, $0x2  }
0xb8: {  	s3 =	sand.u32 $0x4000, s31;
	s1 =	sadd.s32 s1, s30  }
0xb9: {  	s0 =	sor.u32 s3, s0;
	s1 =	sshll.u32 s1, $0x11  }
0xba: {  	s0 =	sor.u32 s1, s0  }
0xbb: {  	s0 =	sadd.s32 $0x8F2B, s0  }
0xbc: {  	[sflag:s0] =	ssyncadd.remote.s32 $0x1  }
0xbd: {  	_ =	sfence.sel $0xFFFF  }
0xbe: {  	[dreg:$0x0] =	wrdreg $0xFFFFFFFF;
	(pc) =	sbr.abs _section_cstart, $3  }
0xbf: {  	[dreg:$0x1] =	wrdreg $0xFFFFFFFF  }
0xc0: {  	_ =	task.clear_ibuf [dreg:s6], $0x2FFFF;
	_ =	strace $0x9FFFFFFF  }
0xc1: {  	(tm) =	ssettm $0x7FFFFFFF  }
tec
execute0_lowered:
.L_overlay_start_1:
0x0: {  	(tag) =	ssettag $0x1  }
0x1: {  	s5 =	rddreg [dreg:$0x0]  }
0x2: {  	s0 =	rddreg [dreg:$0x1];
	s1 =	simm.s32 $0x0  }
0x3: {  	s4 =	srdreg.scid;
	s2 =	stileid.u32;
	s11 =	simm.s32 $0x80  }
0x4: {  	s12 =	simm.s32 $0x2000;
	s13 =	simm.s32 $0x0;
	[smem:$0x7FF] =	sst s1  }
0x5: {  	s3 =	sadd.s32 $0x2800, s5;
	s6 =	sand.u32 $0x1, s4;
	s4 =	sadd.s32 $0x29A00, s5  }
0x6: {  	s7 =	sshll.u32 s2, $0x9;
	s10 =	smul.u32 $0xF000, s2;
	s8 =	sshll.u32 s6, $0xD  }
0x7: {  	s31 =	smul.u32 $0xF0000, s6;
	s6 =	ssub.s32 $0x2, s6;
	s7 =	sor.u32 s7, s8  }
0x8: {  	_ =	strace $0x80000056;
	s9 =	sshrl.u32 s6, $0x1;
	s7 =	sadd.s32 s7, s5  }
0x9: {  	s8 =	sadd.s32 s31, s5;
	s9 =	ssub.s32 s6, s9;
	s5 =	sadd.s32 $0xB4C00, s7  }
0xa: {  	s6 =	sadd.s32 $0xB8C00, s7;
	s7 =	smax.u32 s9, $0x1;
	s8 =	sadd.s32 s10, s8  }
0xb: {  	s9 =	simm.s32 $0x1;
	s10 =	simm.s32 $0x1000;
	s8 =	sadd.s32 $0xBCC00, s8  }
.LBB2_1:
0xc: {  	[tilespmem:s1], [sflag:$0x1] =	stream.linear.gather [hbm4b:s5+s1], $0xF00, $0x38;
	[tilespmem:$0x6000] =	vst v63  }
0xd: {  	_ =	swait.ge [sflag:s9], $0xF00  }
0xe: {  	[sflag:s9] =	ssyncset.done $0x0  }
0xf: {  	[sflag:s9] =	ssyncadd.s32 $0xFFFFF100  }
0x10: {  	[tilespmem:s10], [sflag:$0x1] =	stream.linear.gather [hbm4b:s6+s1], $0xF00, $0x38;
	[tilespmem:$0x6000] =	vst v63  }
0x11: {  	_ =	swait.ge [sflag:s9], $0xF00  }
0x12: {  	[sflag:s9] =	ssyncset.done $0x0  }
0x13: {  	s14 =	simm.s32 $0x0;
	[sflag:s9] =	ssyncadd.s32 $0xFFFFF100  }
0x14: {  	[tilespmem:s12], [sflag:$0x1] =	stream.indirect.gather [hbm4b:s3+s11], $0x80, s14, s11, $0xb8;
	[tilespmem:$0x6000] =	vst v63  }
0x15: {  	_ =	swait.ge [sflag:s9], $0x4000  }
0x16: {  	[sflag:s9] =	ssyncset.done $0x0  }
0x17: {  	s31 =	simm.s32 $0x1000;
	[sflag:s9] =	ssyncadd.s32 $0xFFFFC000  }
0x18: {  	[tilespmem:s12], [sflag:$0x1] =	stream.indirect.gather.add.f32 [hbm:s4], $0x80, s31, s11, $0xb8;
	[tilespmem:$0x6000] =	vst v63  }
0x19: {  	_ =	swait.ge [sflag:s9], $0x4000  }
0x1a: {  	[sflag:s9] =	ssyncset.done $0x0  }
0x1b: {  	[sflag:s9] =	ssyncadd.s32 $0xFFFFC000  }
0x1c: {  	[hbm4b:s8+s1] =	stream.linear.scatter [tilespmem:s12], [sflag:$0x1], $0x4000, $0x38;
	[tilespmem:$0x6000] =	vst v63  }
0x1d: {  	s15 =	simm.s32 $0x200;
	_ =	swait.ge [sflag:s9], $0x4000  }
0x1e: {  	s16 =	simm.s32 $0x400;
	s14 =	sadd.s32 $0x800, s8;
	[sflag:s9] =	ssyncset.done $0x0  }
.LBB2_2:
0x1f: {  	s17 =	sshra.s32 s15, $0x2  }
0x20: {  	[sflag:s9] =	ssyncadd.s32 $0xFFFFC000;
	s15 =	smov.u32 s16;
	s18 =	sadd.s32 $0x200, s16  }
0x21: {  	[tilespmem:s12], [sflag:$0x1] =	stream.indirect.gather [hbm4b:s3+s11], $0x80, s17, s11, $0xb8;
	[tilespmem:$0x6000] =	vst v63  }
0x22: {  	p0 =	sne.s32 s16, $0x3A00;
	_ =	swait.ge [sflag:s9], $0x4000  }
0x23: {  	[sflag:s9] =	ssyncset.done $0x0  }
0x24: {  	s16 =	sadd.s32 $0x1000, s17;
	[sflag:s9] =	ssyncadd.s32 $0xFFFFC000  }
0x25: {  	[tilespmem:s12], [sflag:$0x1] =	stream.indirect.gather.add.f32 [hbm:s4], $0x80, s16, s11, $0xb8;
	[tilespmem:$0x6000] =	vst v63  }
0x26: {  	_ =	swait.ge [sflag:s9], $0x4000  }
.Ltmp0:
0x27: {  	[sflag:s9] =	ssyncset.done $0x0;
	(pc) =	sbr.rel @p0 .LBB2_2-.Ltmp0, $4  }
0x28: {  	[sflag:s9] =	ssyncadd.s32 $0xFFFFC000  }
0x29: {  	[hbm4b:s14+s1] =	stream.linear.scatter [tilespmem:s12], [sflag:$0x1], $0x4000, $0x38;
	[tilespmem:$0x6000] =	vst v63  }
0x2a: {  	_ =	swait.ge [sflag:s9], $0x4000  }
0x2b: {  	s16 =	smov.u32 s18;
	s14 =	sadd.s32 $0x800, s14;
	[sflag:s9] =	ssyncset.done $0x0  }
0x2c: {  	s15 =	sshra.s32 s15, $0x2;
	[sflag:s9] =	ssyncadd.s32 $0xFFFFC000  }
0x2d: {  	[tilespmem:s12], [sflag:$0x1] =	stream.indirect.gather [hbm4b:s3+s11], $0x80, s15, s11, $0xb8;
	[tilespmem:$0x6000] =	vst v63  }
0x2e: {  	_ =	swait.ge [sflag:s9], $0x4000  }
0x2f: {  	[sflag:s9] =	ssyncset.done $0x0  }
0x30: {  	s15 =	sadd.s32 $0x1000, s15;
	[sflag:s9] =	ssyncadd.s32 $0xFFFFC000  }
0x31: {  	[tilespmem:s12], [sflag:$0x1] =	stream.indirect.gather.add.f32 [hbm:s4], $0x80, s15, s11, $0xb8;
	[tilespmem:$0x6000] =	vst v63  }
0x32: {  	s13 =	sadd.s32 $0x1, s13;
	_ =	swait.ge [sflag:s9], $0x4000  }
0x33: {  	p0 =	sne.s32 s13, s7;
	[sflag:s9] =	ssyncset.done $0x0  }
.Ltmp1:
0x34: {  	[sflag:s9] =	ssyncadd.s32 $0xFFFFC000;
	(pc) =	sbr.rel @p0 .LBB2_1-.Ltmp1, $4  }
0x35: {  	[hbm4b:s14+s1] =	stream.linear.scatter [tilespmem:s12], [sflag:$0x1], $0x4000, $0x38;
	[tilespmem:$0x6000] =	vst v63  }
0x36: {  	_ =	swait.ge [sflag:s9], $0x4000  }
0x37: {  	[sflag:s9] =	ssyncset.done $0x0  }
0x38: {  	[sflag:s9] =	ssyncadd.s32 $0xFFFFC000  }
0x39: {  	_ =	sfence.sel $0x180000  }
0x3a: {  	[bflag:$0x0] =	sbarrier.arrive $0xFFFF  }
0x3b: {  	p0 =	sne.s32 s2, $0x0;
	_ =	strace $0x90000056  }
0x3c: {  	s0 =	sadd.s32 @!p0 $0x100000, s0;
	[bflag:$0x2] =	sbarrier.arrive $0xFFFF  }
0x3d: {  	[sflag:s0] =	ssyncadd.tile.s32 @!p0 $0x1;
	_ =	shalt  }
.Lfunc_end2:
_tile_overlayer_lowered:
.L_overlay_start_2:
0x3e: {  	(tag) =	ssettag $0x2  }
0x3f: {  	s0 =	rddreg [dreg:$0x0];
	s2 =	stileid.u32  }
0x40: {  	s1 =	rddreg [dreg:$0x1];
	p0 =	sne.s32 s2, $0x0  }
0x41: {  	s3 =	rddreg [dreg:$0x2];
	[bflag:$0x3] =	sbarrier.arrive $0xFFFF;
	s2 =	simm.s32 @!p0 $0x1C01  }
0x42: {  	[timem:s3], [sflag:s2] =	dma.local @!p0 [hbm:s0], s1  }
0x43: {  	s0 =	simm.s32 @!p0 $0x1  }
0x44: {  	_ =	swait.ge @!p0 [sflag:s0], s1  }
0x45: {  	s1 =	ssub.s32 @!p0 $0x0, s1;
	[sflag:s0] =	ssyncset.done @!p0 $0x0  }
0x46: {  	[sflag:s0] =	ssyncadd.s32 @!p0 s1  }
0x47: {  	[bflag:$0x3] =	sbarrier.arrive $0xFFFF  }
0x48: {  	_ =	shalt  }

</sc_bundles>
